<compile_context>
chip_gen: v7x
topology: tpu7x:2x2x1
jax: 0.10.2.dev20260603
libtpu: 0.0.44.dev20260713+nightly
codegen_flags: <defaults>
</compile_context>

<pallas_src>
import functools

import jax
import jax.numpy as jnp
from jax import lax
from jax.experimental import pallas as pl
from jax.experimental.pallas import tpu as pltpu
from jax.experimental.pallas import tpu_sc as plsc

N = 10000
E = 320000
F_IN = 128
HID = 64
C = 64
W = 72
R = 1000
NT = 32
NP = 10240

CHA = 128
NCA = E // CHA
NJA_LO = NCA // NT
NJA_HI = NJA_LO + 1
NRA = NCA % NT
SBA = 80

CHB = 128
NJB_LO = NJA_LO
NJB_HI = NJA_HI
NRB = NRA
SBB = 80
NOFF = 10048
NTAB = NOFF

_f32 = jnp.float32
_i32 = jnp.int32


def _k1_body(x_ref, wl_ref, wr_ref, xlaug_ref, xr_ref):
    xb = x_ref[...]
    dn = (((1,), (1,)), ((), ()))
    xl = lax.dot_general(xb, wl_ref[...], dn, preferred_element_type=_f32)
    xr = lax.dot_general(xb, wr_ref[...], dn, preferred_element_type=_f32)
    pad = jnp.concatenate([xl, jnp.zeros((R, W - HID), _f32)], axis=1)
    col = lax.broadcasted_iota(_i32, (R, W), 1)
    xlaug_ref[...] = jnp.where(col == HID, 1.0, pad)
    xr_ref[...] = xr


_k1 = pl.pallas_call(
    _k1_body,
    grid=(N // R,),
    in_specs=[
        pl.BlockSpec((R, F_IN), lambda i: (i, 0)),
        pl.BlockSpec((HID, F_IN), lambda i: (0, 0)),
        pl.BlockSpec((HID, F_IN), lambda i: (0, 0)),
    ],
    out_specs=[
        pl.BlockSpec((R, W), lambda i: (i, 0)),
        pl.BlockSpec((R, HID), lambda i: (i, 0)),
    ],
    out_shape=[
        jax.ShapeDtypeStruct((N, W), _f32),
        jax.ShapeDtypeStruct((N, HID), _f32),
    ],
)


_mesh = plsc.VectorSubcoreMesh(
    core_axis_name="c", subcore_axis_name="s", num_cores=2, num_subcores=16
)
_RPT_A = NP // 16


@functools.partial(
    pl.kernel,
    out_type=jax.ShapeDtypeStruct((2, NP, W), _f32),
    mesh=_mesh,
    scratch_types=[
        pltpu.VMEM_SHARED((NP, W), _f32),
        tuple(pltpu.VMEM((CHA,), _i32) for _ in range(4)),
        tuple(pltpu.VMEM((CHA,), _i32) for _ in range(4)),
        tuple(pltpu.VMEM((CHA, W), _f32) for _ in range(2)),
        tuple(pltpu.SemaphoreType.DMA for _ in range(2)),
        pltpu.SemaphoreType.DMA,
        tuple(pltpu.SemaphoreType.DMA for _ in range(2)),
    ],
    compiler_params=pltpu.CompilerParams(use_tc_tiling_on_sc=False, needs_layout_passes=False),
)
def _passA(xlaug_hbm, src_hbm, dst_hbm, zeros_hbm, out_hbm,
           acc, sbufs, dbufs, rowss, semi, semg, sems):
    cid = lax.axis_index("c")
    sid = lax.axis_index("s")
    wid = sid * 2 + cid
    pltpu.sync_copy(zeros_hbm.at[pl.ds(0, _RPT_A)],
                    acc.at[pl.ds(sid * _RPT_A, _RPT_A)])
    plsc.subcore_barrier()

    def issue_idx(j, ib, pb):
        base = (wid + j * NT) * CHA
        pltpu.async_copy(src_hbm.at[pl.ds(base, CHA)], sbufs[ib], semi[pb])
        pltpu.async_copy(dst_hbm.at[pl.ds(base, CHA)], dbufs[ib], semi[pb])

    def wait_idx(ib, pb):
        pltpu.make_async_copy(src_hbm.at[pl.ds(0, CHA)], sbufs[ib],
                              semi[pb]).wait()
        pltpu.make_async_copy(dst_hbm.at[pl.ds(0, CHA)], dbufs[ib],
                              semi[pb]).wait()

    def wait_scatter(rb):
        pltpu.make_async_copy(rowss[rb], acc.at[dbufs[0]], sems[rb]).wait()

    nj = jnp.where(wid < NRA, NJA_HI, NJA_LO)
    issue_idx(0, 0, 0)

    def outer(i, carry):
        jj = i * 4
        for b in range(4):
            j = jj + b
            ib, pb, rb = b, b % 2, b % 2

            @pl.when(j < nj)
            def _():
                @pl.when(j + 1 < nj)
                def _():
                    issue_idx(j + 1, (b + 1) % 4, (b + 1) % 2)
                wait_idx(ib, pb)

                @pl.when(j >= 2)
                def _():
                    wait_scatter(rb)
                pltpu.async_copy(xlaug_hbm.at[sbufs[ib]], rowss[rb],
                                 semg).wait()
                pltpu.async_copy(rowss[rb], acc.at[dbufs[ib]], sems[rb],
                                 add=True)
        return carry

    lax.fori_loop(0, SBA // 4, outer, 0)
    wait_scatter(0)
    wait_scatter(1)
    plsc.subcore_barrier()
    pltpu.sync_copy(acc.at[pl.ds(sid * _RPT_A, _RPT_A)],
                    out_hbm.at[cid, pl.ds(sid * _RPT_A, _RPT_A)])


def _k2_body(accA_ref, xr_ref, b1_ref, w2_ref, asrc_ref, adst_ref,
             u_ref, s_ref, d_ref, z_ref):
    acc = accA_ref[0] + accA_ref[1]
    deg = jnp.maximum(acc[:, HID], 1.0)
    agg = acc[:, :HID] / deg[:, None]
    h = jnp.maximum(agg + xr_ref[...] + b1_ref[...][None, :], 0.0)
    dn = (((1,), (1,)), ((), ()))
    z = lax.dot_general(h, w2_ref[...], dn, preferred_element_type=_f32)
    s = jnp.sum(z * asrc_ref[...][None, :], axis=1)
    d = jnp.sum(z * adst_ref[...][None, :], axis=1)
    zpad = jnp.concatenate([z, jnp.zeros((R, W - HID), _f32)], axis=1)
    col = lax.broadcasted_iota(_i32, (R, W), 1)
    zaug = jnp.where(col == HID, 1.0, zpad)
    u_ref[0] = jnp.exp(s)[:, None] * zaug
    u_ref[1] = jnp.exp(0.2 * s)[:, None] * zaug
    s_ref[...] = s[:, None]
    d_ref[...] = d[:, None]
    z_ref[...] = z


_k2 = pl.pallas_call(
    _k2_body,
    grid=(N // R,),
    in_specs=[
        pl.BlockSpec((2, R, W), lambda i: (0, i, 0)),
        pl.BlockSpec((R, HID), lambda i: (i, 0)),
        pl.BlockSpec((HID,), lambda i: (0,)),
        pl.BlockSpec((C, HID), lambda i: (0, 0)),
        pl.BlockSpec((C,), lambda i: (0,)),
        pl.BlockSpec((C,), lambda i: (0,)),
    ],
    out_specs=[
        pl.BlockSpec((2, R, W), lambda i: (0, i, 0)),
        pl.BlockSpec((R, 1), lambda i: (i, 0)),
        pl.BlockSpec((R, 1), lambda i: (i, 0)),
        pl.BlockSpec((R, C), lambda i: (i, 0)),
    ],
    out_shape=[
        jax.ShapeDtypeStruct((2, NOFF, W), _f32),
        jax.ShapeDtypeStruct((N, 1), _f32),
        jax.ShapeDtypeStruct((N, 1), _f32),
        jax.ShapeDtypeStruct((N, C), _f32),
    ],
)


_RPT_B = 2 * NOFF // 16


@functools.partial(
    pl.kernel,
    out_type=jax.ShapeDtypeStruct((2, 2 * NOFF, W), _f32),
    mesh=_mesh,
    scratch_types=[
        pltpu.VMEM_SHARED((2 * NOFF, W), _f32),
        pltpu.VMEM((NTAB,), _f32),
        pltpu.VMEM((NTAB,), _f32),
        tuple(pltpu.VMEM((CHB,), _i32) for _ in range(4)),
        tuple(pltpu.VMEM((CHB,), _i32) for _ in range(4)),
        tuple(pltpu.VMEM((CHB,), _i32) for _ in range(4)),
        tuple(pltpu.VMEM((CHB,), _i32) for _ in range(4)),
        tuple(pltpu.VMEM((CHB, W), _f32) for _ in range(2)),
        tuple(pltpu.SemaphoreType.DMA for _ in range(2)),
        pltpu.SemaphoreType.DMA,
        tuple(pltpu.SemaphoreType.DMA for _ in range(2)),
    ],
    compiler_params=pltpu.CompilerParams(use_tc_tiling_on_sc=False, needs_layout_passes=False),
)
def _passB(u_hbm, s_hbm, d_hbm, src_hbm, dst_hbm, zeros_hbm, out_hbm,
           acc, stab, dtab, sbufs, dbufs, gbufs, wbufs, rowss,
           semi, semg, sems):
    cid = lax.axis_index("c")
    sid = lax.axis_index("s")
    wid = sid * 2 + cid
    pltpu.sync_copy(zeros_hbm, acc.at[pl.ds(sid * _RPT_B, _RPT_B)])
    pltpu.sync_copy(s_hbm, stab.at[pl.ds(0, N)])
    pltpu.sync_copy(d_hbm, dtab.at[pl.ds(0, N)])
    plsc.subcore_barrier()

    def issue_idx(j, ib, pb):
        base = (wid + j * NT) * CHB
        pltpu.async_copy(src_hbm.at[pl.ds(base, CHB)], sbufs[ib], semi[pb])
        pltpu.async_copy(dst_hbm.at[pl.ds(base, CHB)], dbufs[ib], semi[pb])

    def wait_idx(ib, pb):
        pltpu.make_async_copy(src_hbm.at[pl.ds(0, CHB)], sbufs[ib],
                              semi[pb]).wait()
        pltpu.make_async_copy(dst_hbm.at[pl.ds(0, CHB)], dbufs[ib],
                              semi[pb]).wait()

    def wait_scatter(rb):
        pltpu.make_async_copy(rowss[rb], acc.at[wbufs[0]], sems[rb]).wait()

    nj = jnp.where(wid < NRB, NJB_HI, NJB_LO)
    issue_idx(0, 0, 0)

    def outer(i, carry):
        jj = i * 4
        for b in range(4):
            j = jj + b
            ib, pb, rb = b, b % 2, b % 2

            @pl.when(j < nj)
            def _():
                @pl.when(j + 1 < nj)
                def _():
                    issue_idx(j + 1, (b + 1) % 4, (b + 1) % 2)
                wait_idx(ib, pb)
                for q in range(CHB // 16):
                    sv = sbufs[ib][pl.ds(q * 16, 16)]
                    dv = dbufs[ib][pl.ds(q * 16, 16)]
                    s16 = plsc.load_gather(stab, [sv])
                    d16 = plsc.load_gather(dtab, [dv])
                    neg = (s16 + d16) <= 0.0
                    off = jnp.where(neg, jnp.full((16,), NOFF, _i32),
                                    jnp.zeros((16,), _i32))
                    gbufs[ib][pl.ds(q * 16, 16)] = sv + off
                    wbufs[ib][pl.ds(q * 16, 16)] = dv + off

                @pl.when(j >= 2)
                def _():
                    wait_scatter(rb)
                pltpu.async_copy(u_hbm.at[gbufs[ib]], rowss[rb],
                                 semg).wait()
                pltpu.async_copy(rowss[rb], acc.at[wbufs[ib]], sems[rb],
                                 add=True)
        return carry

    lax.fori_loop(0, SBB // 4, outer, 0)
    wait_scatter(0)
    wait_scatter(1)
    plsc.subcore_barrier()
    pltpu.sync_copy(acc.at[pl.ds(sid * _RPT_B, _RPT_B)],
                    out_hbm.at[cid, pl.ds(sid * _RPT_B, _RPT_B)])


def _k3_body(accB_ref, s_ref, d_ref, z_ref, b2_ref, out_ref):
    p = accB_ref[0, 0] + accB_ref[1, 0]
    q = accB_ref[0, 1] + accB_ref[1, 1]
    s = s_ref[...][:, 0]
    d = d_ref[...][:, 0]
    full = jnp.exp(d)[:, None] * p + jnp.exp(0.2 * d)[:, None] * q
    t = s + d
    w = jnp.where(t > 0.0, jnp.exp(t), jnp.exp(0.2 * t))
    numer = full[:, :C] + w[:, None] * z_ref[...]
    denom = full[:, HID] + w
    logits = numer / denom[:, None] + b2_ref[...][None, :]
    mx = jnp.max(logits, axis=1, keepdims=True)
    sh = logits - mx
    out_ref[...] = sh - jnp.log(jnp.sum(jnp.exp(sh), axis=1, keepdims=True))


_k3 = pl.pallas_call(
    _k3_body,
    grid=(N // R,),
    in_specs=[
        pl.BlockSpec((2, 2, R, W), lambda i: (0, 0, i, 0)),
        pl.BlockSpec((R, 1), lambda i: (i, 0)),
        pl.BlockSpec((R, 1), lambda i: (i, 0)),
        pl.BlockSpec((R, C), lambda i: (i, 0)),
        pl.BlockSpec((C,), lambda i: (0,)),
    ],
    out_specs=pl.BlockSpec((R, C), lambda i: (i, 0)),
    out_shape=jax.ShapeDtypeStruct((N, C), _f32),
)


def kernel(x, edge_index, Wl, Wr, b1, W2, a_src, a_dst, b2):
    zeros2 = jnp.zeros((_RPT_B, W), _f32)
    src = edge_index[0]
    dst = edge_index[1]
    xlaug, xr = _k1(x, Wl, Wr)
    accA = _passA(xlaug, src, dst, zeros2)
    u, s, d, z = _k2(accA, xr, b1, W2, a_src, a_dst)
    accB = _passB(u.reshape(2 * NOFF, W), s.reshape(N), d.reshape(N),
                  src, dst, zeros2)
    return _k3(accB.reshape(2, 2, NOFF, W), s, d, z, b2)

# --- scband reference (transcript-rebuilt; emitter-appended) ---
"""Pipeline reference for scband-sage-gat-70772471103693 (READ-ONLY COPY).

The authoritative reference and input builder live on the scoring server;
editing this copy changes nothing except your own understanding.
"""

import jax, jax.numpy as jnp
import numpy as np

N = 10000
E = 320000
F_IN = 128
HID = 64
C = 64


def setup_inputs(seed: int = 0) -> dict:
    key = jax.random.key(seed)
    ks = jax.random.split(key, 10)
    x = jax.random.normal(ks[0], (N, F_IN), dtype=jnp.float32)
    edge_index = jax.random.randint(ks[1], (2, E), 0, N, dtype=jnp.int32)
    s1 = 1.0 / np.sqrt(F_IN)
    s2 = 1.0 / np.sqrt(HID)
    Wl = jax.random.uniform(ks[2], (HID, F_IN), jnp.float32, -s1, s1)
    Wr = jax.random.uniform(ks[3], (HID, F_IN), jnp.float32, -s1, s1)
    b1 = jnp.zeros((HID,), jnp.float32)
    W2 = jax.random.uniform(ks[4], (C, HID), jnp.float32, -s2, s2)
    a_src = jax.random.uniform(ks[5], (C,), jnp.float32, -s2, s2)
    a_dst = jax.random.uniform(ks[6], (C,), jnp.float32, -s2, s2)
    b2 = jnp.zeros((C,), jnp.float32)
    return {"x": x, "edge_index": edge_index, "Wl": Wl, "Wr": Wr, "b1": b1,
            "W2": W2, "a_src": a_src, "a_dst": a_dst, "b2": b2}


def reference(x, edge_index, Wl, Wr, b1, W2, a_src, a_dst, b2):
    src = edge_index[0]
    dst = edge_index[1]
    # ---- SAGEConv (mean aggregation): out = lin_l(mean_j x_j) + lin_r(x_i) ----
    msg = x[src]
    summed = jax.ops.segment_sum(msg, dst, num_segments=N)
    deg = jax.ops.segment_sum(jnp.ones((E,), jnp.float32), dst, num_segments=N)
    agg = summed / jnp.maximum(deg, 1.0)[:, None]
    h = agg @ Wl.T + x @ Wr.T + b1
    h = jax.nn.relu(h)
    # dropout p=0 -> identity
    # ---- GATConv (heads=1, add_self_loops=True) ----
    loop = jnp.arange(N, dtype=src.dtype)
    src2 = jnp.concatenate([src, loop])
    dst2 = jnp.concatenate([dst, loop])
    z = h @ W2.T
    alpha_s = jnp.sum(z * a_src, axis=-1)
    alpha_d = jnp.sum(z * a_dst, axis=-1)
    e = jax.nn.leaky_relu(alpha_s[src2] + alpha_d[dst2], negative_slope=0.2)
    m = jax.ops.segment_max(e, dst2, num_segments=N)
    m = jax.lax.stop_gradient(m)
    e = jnp.exp(e - m[dst2])
    denom = jax.ops.segment_sum(e, dst2, num_segments=N)
    alpha = e / denom[dst2]
    out = jax.ops.segment_sum(alpha[:, None] * z[src2], dst2, num_segments=N) + b2
    return jax.nn.log_softmax(out, axis=1)

if __name__ == "__main__":
    import jax
    _d = setup_inputs()
    print(jax.jit(kernel)(*tuple(_d.values())))

</pallas_src>

<mosaic_0001>
#map = affine_map<(d0, d1) -> (0, 0)>
#map1 = affine_map<(d0, d1) -> (0)>
#map2 = affine_map<(d0, d1) -> (0, 0, 0)>
module attributes {stable_mosaic.version = 14 : i64} {
  func.func @_passB(%arg0: i32, %arg1: i32, %arg2: memref<20096x72xf32, #tpu.memory_space<hbm>>, %arg3: memref<10000xf32, #tpu.memory_space<hbm>>, %arg4: memref<10000xf32, #tpu.memory_space<hbm>>, %arg5: memref<320000xi32, #tpu.memory_space<hbm>>, %arg6: memref<320000xi32, #tpu.memory_space<hbm>>, %arg7: memref<1256x72xf32, #tpu.memory_space<hbm>>, %arg8: memref<2x20096x72xf32, #tpu.memory_space<hbm>>, %arg9: memref<20096x72xf32, #tpu.memory_space<vmem_shared>>, %arg10: memref<10048xf32, #tpu.memory_space<vmem>>, %arg11: memref<10048xf32, #tpu.memory_space<vmem>>, %arg12: memref<128xi32, #tpu.memory_space<vmem>>, %arg13: memref<128xi32, #tpu.memory_space<vmem>>, %arg14: memref<128xi32, #tpu.memory_space<vmem>>, %arg15: memref<128xi32, #tpu.memory_space<vmem>>, %arg16: memref<128xi32, #tpu.memory_space<vmem>>, %arg17: memref<128xi32, #tpu.memory_space<vmem>>, %arg18: memref<128xi32, #tpu.memory_space<vmem>>, %arg19: memref<128xi32, #tpu.memory_space<vmem>>, %arg20: memref<128xi32, #tpu.memory_space<vmem>>, %arg21: memref<128xi32, #tpu.memory_space<vmem>>, %arg22: memref<128xi32, #tpu.memory_space<vmem>>, %arg23: memref<128xi32, #tpu.memory_space<vmem>>, %arg24: memref<128xi32, #tpu.memory_space<vmem>>, %arg25: memref<128xi32, #tpu.memory_space<vmem>>, %arg26: memref<128xi32, #tpu.memory_space<vmem>>, %arg27: memref<128xi32, #tpu.memory_space<vmem>>, %arg28: memref<128x72xf32, #tpu.memory_space<vmem>>, %arg29: memref<128x72xf32, #tpu.memory_space<vmem>>, %arg30: memref<!tpu.dma_semaphore, #tpu.memory_space<semaphore_mem>>, %arg31: memref<!tpu.dma_semaphore, #tpu.memory_space<semaphore_mem>>, %arg32: memref<!tpu.dma_semaphore, #tpu.memory_space<semaphore_mem>>, %arg33: memref<!tpu.dma_semaphore, #tpu.memory_space<semaphore_mem>>, %arg34: memref<!tpu.dma_semaphore, #tpu.memory_space<semaphore_mem>>) attributes {dimension_semantics = [#tpu.dimension_semantics<core_parallel>, #tpu.dimension_semantics<subcore_parallel>], iteration_bounds = array<i64: 2, 16>, scalar_prefetch = 0 : i64, scratch_operands = 26 : i64, tpu.core_type = #tpu.core_type<sc_vector_subcore>, window_params = [{transform_indices = #map}, {transform_indices = #map1}, {transform_indices = #map1}, {transform_indices = #map1}, {transform_indices = #map1}, {transform_indices = #map}, {transform_indices = #map2}]} {
    %mul3A = arith.constant 2 : i32
    %mul3A_0 = arith.muli %arg1, %mul3A : i32
    %add3A = arith.addi %mul3A_0, %arg0 : i32
    %mul3A_1 = arith.constant 1256 : i32
    %mul3A_2 = arith.muli %arg1, %mul3A_1 : i32
    "tpu.region"() ({
      %run_scoped3A = tpu.sem_alloc : memref<!tpu.dma_semaphore, #tpu.memory_space<semaphore_mem>>
      %dma_start3A_27 = arith.constant 0 : i32
      %dma_start3A_28 = tpu.memref_slice %arg9[%mul3A_2, %dma_start3A_27] : memref<20096x72xf32, #tpu.memory_space<vmem_shared>> -> memref<1256x72xf32, #tpu.memory_space<vmem_shared>>
      tpu.enqueue_dma source(%arg7 : memref<1256x72xf32, #tpu.memory_space<hbm>>) target(%dma_start3A_28 : memref<1256x72xf32, #tpu.memory_space<vmem_shared>>) target_semaphore(%run_scoped3A : memref<!tpu.dma_semaphore, #tpu.memory_space<semaphore_mem>>)
      %dma_wait3A_29 = arith.constant 0 : i32
      %dma_wait3A_30 = tpu.memref_slice %arg9[%mul3A_2, %dma_wait3A_29] : memref<20096x72xf32, #tpu.memory_space<vmem_shared>> -> memref<1256x72xf32, #tpu.memory_space<vmem_shared>>
      tpu.wait_dma2 semaphore(%run_scoped3A : memref<!tpu.dma_semaphore, #tpu.memory_space<semaphore_mem>>) src(%arg7 : memref<1256x72xf32, #tpu.memory_space<hbm>>) dst(%dma_wait3A_30 : memref<1256x72xf32, #tpu.memory_space<vmem_shared>>)
      tpu.yield
    }) : () -> ()
    "tpu.region"() ({
      %run_scoped3A = tpu.sem_alloc : memref<!tpu.dma_semaphore, #tpu.memory_space<semaphore_mem>>
      %dma_start3A_27 = arith.constant 0 : i32
      %dma_start3A_28 = tpu.memref_slice %arg10[%dma_start3A_27] : memref<10048xf32, #tpu.memory_space<vmem>> -> memref<10000xf32, #tpu.memory_space<vmem>>
      %dma_start3A_29 = arith.constant 0 : i32
      %dma_start3A_30 = tpu.memref_slice %arg10[%dma_start3A_29] : memref<10048xf32, #tpu.memory_space<vmem>> -> memref<10000xf32, #tpu.memory_space<vmem>>
      tpu.enqueue_dma source(%arg3 : memref<10000xf32, #tpu.memory_space<hbm>>) target(%dma_start3A_30 : memref<10000xf32, #tpu.memory_space<vmem>>) target_semaphore(%run_scoped3A : memref<!tpu.dma_semaphore, #tpu.memory_space<semaphore_mem>>)
      %dma_wait3A_31 = arith.constant 0 : i32
      %dma_wait3A_32 = tpu.memref_slice %arg10[%dma_wait3A_31] : memref<10048xf32, #tpu.memory_space<vmem>> -> memref<10000xf32, #tpu.memory_space<vmem>>
      %dma_wait3A_33 = arith.constant 0 : i32
      %dma_wait3A_34 = tpu.memref_slice %arg10[%dma_wait3A_33] : memref<10048xf32, #tpu.memory_space<vmem>> -> memref<10000xf32, #tpu.memory_space<vmem>>
      tpu.wait_dma2 semaphore(%run_scoped3A : memref<!tpu.dma_semaphore, #tpu.memory_space<semaphore_mem>>) src(%arg3 : memref<10000xf32, #tpu.memory_space<hbm>>) dst(%dma_wait3A_34 : memref<10000xf32, #tpu.memory_space<vmem>>)
      tpu.yield
    }) : () -> ()
    "tpu.region"() ({
      %run_scoped3A = tpu.sem_alloc : memref<!tpu.dma_semaphore, #tpu.memory_space<semaphore_mem>>
      %dma_start3A_27 = arith.constant 0 : i32
      %dma_start3A_28 = tpu.memref_slice %arg11[%dma_start3A_27] : memref<10048xf32, #tpu.memory_space<vmem>> -> memref<10000xf32, #tpu.memory_space<vmem>>
      %dma_start3A_29 = arith.constant 0 : i32
      %dma_start3A_30 = tpu.memref_slice %arg11[%dma_start3A_29] : memref<10048xf32, #tpu.memory_space<vmem>> -> memref<10000xf32, #tpu.memory_space<vmem>>
      tpu.enqueue_dma source(%arg4 : memref<10000xf32, #tpu.memory_space<hbm>>) target(%dma_start3A_30 : memref<10000xf32, #tpu.memory_space<vmem>>) target_semaphore(%run_scoped3A : memref<!tpu.dma_semaphore, #tpu.memory_space<semaphore_mem>>)
      %dma_wait3A_31 = arith.constant 0 : i32
      %dma_wait3A_32 = tpu.memref_slice %arg11[%dma_wait3A_31] : memref<10048xf32, #tpu.memory_space<vmem>> -> memref<10000xf32, #tpu.memory_space<vmem>>
      %dma_wait3A_33 = arith.constant 0 : i32
      %dma_wait3A_34 = tpu.memref_slice %arg11[%dma_wait3A_33] : memref<10048xf32, #tpu.memory_space<vmem>> -> memref<10000xf32, #tpu.memory_space<vmem>>
      tpu.wait_dma2 semaphore(%run_scoped3A : memref<!tpu.dma_semaphore, #tpu.memory_space<semaphore_mem>>) src(%arg4 : memref<10000xf32, #tpu.memory_space<hbm>>) dst(%dma_wait3A_34 : memref<10000xf32, #tpu.memory_space<vmem>>)
      tpu.yield
    }) : () -> ()
    %barrier3A = arith.constant 0 : index
    tpu.barrier barrier_id(%barrier3A)
    %lt3A = arith.constant 4 : i32
    %lt3A_3 = arith.cmpi slt, %add3A, %lt3A : i32
    %jit3A = arith.constant 79 : i32
    %jit3A_4 = arith.constant 78 : i32
    %select_n3A = arith.select %lt3A_3, %jit3A, %jit3A_4 : i32
    %add3A_5 = arith.constant 0 : i32
    %add3A_6 = arith.addi %add3A, %add3A_5 : i32
    %mul3A_7 = arith.constant 128 : i32
    %mul3A_8 = arith.muli %add3A_6, %mul3A_7 : i32
    %dma_start3A = tpu.memref_slice %arg5[%mul3A_8] : memref<320000xi32, #tpu.memory_space<hbm>> -> memref<128xi32, #tpu.memory_space<hbm>>
    %dma_start3A_9 = tpu.memref_slice %arg5[%mul3A_8] : memref<320000xi32, #tpu.memory_space<hbm>> -> memref<128xi32, #tpu.memory_space<hbm>>
    tpu.enqueue_dma source(%dma_start3A_9 : memref<128xi32, #tpu.memory_space<hbm>>) target(%arg12 : memref<128xi32, #tpu.memory_space<vmem>>) target_semaphore(%arg30 : memref<!tpu.dma_semaphore, #tpu.memory_space<semaphore_mem>>)
    %dma_start3A_10 = tpu.memref_slice %arg6[%mul3A_8] : memref<320000xi32, #tpu.memory_space<hbm>> -> memref<128xi32, #tpu.memory_space<hbm>>
    %dma_start3A_11 = tpu.memref_slice %arg6[%mul3A_8] : memref<320000xi32, #tpu.memory_space<hbm>> -> memref<128xi32, #tpu.memory_space<hbm>>
    tpu.enqueue_dma source(%dma_start3A_11 : memref<128xi32, #tpu.memory_space<hbm>>) target(%arg16 : memref<128xi32, #tpu.memory_space<vmem>>) target_semaphore(%arg30 : memref<!tpu.dma_semaphore, #tpu.memory_space<semaphore_mem>>)
    %scan3A = arith.constant 0 : i32
    %scan3A_12 = arith.constant 0 : i32
    %scan3A_13 = arith.constant 20 : i32
    %scan3A_14 = arith.addi %scan3A_12, %scan3A_13 : i32
    %scan3A_15 = arith.constant 1 : i32
    scf.for %scan3A_27 = %scan3A_12 to %scan3A_14 step %scan3A_15  : i32 {
      %mul3A_28 = arith.constant 4 : i32
      %mul3A_29 = arith.muli %scan3A_27, %mul3A_28 : i32
      %add3A_30 = arith.constant 0 : i32
      %add3A_31 = arith.addi %mul3A_29, %add3A_30 : i32
      %lt3A_32 = arith.cmpi slt, %add3A_31, %select_n3A : i32
      %convert_element_type3A = arith.extui %lt3A_32 : i1 to i32
      %cond3A = arith.constant 0 : i32
      %cond3A_33 = arith.cmpi ne, %convert_element_type3A, %cond3A : i32
      scf.if %cond3A_33 {
        %add3A_52 = arith.constant 1 : i32
        %add3A_53 = arith.addi %add3A_31, %add3A_52 : i32
        %lt3A_54 = arith.cmpi slt, %add3A_53, %select_n3A : i32
        %convert_element_type3A_55 = arith.extui %lt3A_54 : i1 to i32
        %cond3A_56 = arith.constant 0 : i32
        %cond3A_57 = arith.cmpi ne, %convert_element_type3A_55, %cond3A_56 : i32
        scf.if %cond3A_57 {
          %add3A_242 = arith.constant 1 : i32
          %add3A_243 = arith.addi %add3A_31, %add3A_242 : i32
          %mul3A_244 = arith.constant 32 : i32
          %mul3A_245 = arith.muli %add3A_243, %mul3A_244 : i32
          %add3A_246 = arith.addi %add3A, %mul3A_245 : i32
          %mul3A_247 = arith.constant 128 : i32
          %mul3A_248 = arith.muli %add3A_246, %mul3A_247 : i32
          %dma_start3A_249 = tpu.memref_slice %arg5[%mul3A_248] : memref<320000xi32, #tpu.memory_space<hbm>> -> memref<128xi32, #tpu.memory_space<hbm>>
          %dma_start3A_250 = tpu.memref_slice %arg5[%mul3A_248] : memref<320000xi32, #tpu.memory_space<hbm>> -> memref<128xi32, #tpu.memory_space<hbm>>
          tpu.enqueue_dma source(%dma_start3A_250 : memref<128xi32, #tpu.memory_space<hbm>>) target(%arg13 : memref<128xi32, #tpu.memory_space<vmem>>) target_semaphore(%arg31 : memref<!tpu.dma_semaphore, #tpu.memory_space<semaphore_mem>>)
          %dma_start3A_251 = tpu.memref_slice %arg6[%mul3A_248] : memref<320000xi32, #tpu.memory_space<hbm>> -> memref<128xi32, #tpu.memory_space<hbm>>
          %dma_start3A_252 = tpu.memref_slice %arg6[%mul3A_248] : memref<320000xi32, #tpu.memory_space<hbm>> -> memref<128xi32, #tpu.memory_space<hbm>>
          tpu.enqueue_dma source(%dma_start3A_252 : memref<128xi32, #tpu.memory_space<hbm>>) target(%arg17 : memref<128xi32, #tpu.memory_space<vmem>>) target_semaphore(%arg31 : memref<!tpu.dma_semaphore, #tpu.memory_space<semaphore_mem>>)
        } else {
        }
        %dma_wait3A_58 = arith.constant 0 : i32
        %dma_wait3A_59 = tpu.memref_slice %arg5[%dma_wait3A_58] : memref<320000xi32, #tpu.memory_space<hbm>> -> memref<128xi32, #tpu.memory_space<hbm>>
        %dma_wait3A_60 = arith.constant 0 : i32
        %dma_wait3A_61 = tpu.memref_slice %arg5[%dma_wait3A_60] : memref<320000xi32, #tpu.memory_space<hbm>> -> memref<128xi32, #tpu.memory_space<hbm>>
        tpu.wait_dma2 semaphore(%arg30 : memref<!tpu.dma_semaphore, #tpu.memory_space<semaphore_mem>>) src(%dma_wait3A_61 : memref<128xi32, #tpu.memory_space<hbm>>) dst(%arg12 : memref<128xi32, #tpu.memory_space<vmem>>)
        %dma_wait3A_62 = arith.constant 0 : i32
        %dma_wait3A_63 = tpu.memref_slice %arg6[%dma_wait3A_62] : memref<320000xi32, #tpu.memory_space<hbm>> -> memref<128xi32, #tpu.memory_space<hbm>>
        %dma_wait3A_64 = arith.constant 0 : i32
        %dma_wait3A_65 = tpu.memref_slice %arg6[%dma_wait3A_64] : memref<320000xi32, #tpu.memory_space<hbm>> -> memref<128xi32, #tpu.memory_space<hbm>>
        tpu.wait_dma2 semaphore(%arg30 : memref<!tpu.dma_semaphore, #tpu.memory_space<semaphore_mem>>) src(%dma_wait3A_65 : memref<128xi32, #tpu.memory_space<hbm>>) dst(%arg16 : memref<128xi32, #tpu.memory_space<vmem>>)
        %get3A = arith.constant 0 : index
        %get3A_66 = tpu.vector_load %arg12[%get3A] {strides = array<i32>} : memref<128xi32, #tpu.memory_space<vmem>>, vector<16xi32>,
        %get3A_67 = arith.constant 0 : index
        %get3A_68 = tpu.vector_load %arg16[%get3A_67] {strides = array<i32>} : memref<128xi32, #tpu.memory_space<vmem>>, vector<16xi32>,
        %gather3A = tpu.vector_load_idx %arg10[%get3A_66] : memref<10048xf32, #tpu.memory_space<vmem>>[vector<16xi32>], vector<16xf32>,
        %gather3A_69 = tpu.vector_load_idx %arg11[%get3A_68] : memref<10048xf32, #tpu.memory_space<vmem>>[vector<16xi32>], vector<16xf32>,
        %add3A_70 = arith.addf %gather3A, %gather3A_69 : vector<16xf32>
        %le3A = arith.constant 0.000000e+00 : f32
        %le3A_71 = vector.broadcast %le3A : f32 to vector<16xf32>
        %le3A_72 = arith.cmpf ole, %add3A_70, %le3A_71 : vector<16xf32>
        %broadcast_in_dim3A = arith.constant 10048 : i32
        %broadcast_in_dim3A_73 = vector.broadcast %broadcast_in_dim3A : i32 to vector<16xi32>
        %broadcast_in_dim3A_74 = arith.constant 0 : i32
        %broadcast_in_dim3A_75 = vector.broadcast %broadcast_in_dim3A_74 : i32 to vector<16xi32>
        %select_n3A_76 = arith.select %le3A_72, %broadcast_in_dim3A_73, %broadcast_in_dim3A_75 : vector<16xi1>, vector<16xi32>
        %add3A_77 = arith.addi %get3A_66, %select_n3A_76 : vector<16xi32>
        %swap3A = arith.constant 0 : index
        %swap3A_78 = tpu.vector_load %arg20[%swap3A] {strides = array<i32>} : memref<128xi32, #tpu.memory_space<vmem>>, vector<16xi32>,
        tpu.vector_store %arg20[%swap3A], %add3A_77 {strides = array<i32>} : memref<128xi32, #tpu.memory_space<vmem>>, vector<16xi32>,
        %add3A_79 = arith.addi %get3A_68, %select_n3A_76 : vector<16xi32>
        %swap3A_80 = arith.constant 0 : index
        %swap3A_81 = tpu.vector_load %arg24[%swap3A_80] {strides = array<i32>} : memref<128xi32, #tpu.memory_space<vmem>>, vector<16xi32>,
        tpu.vector_store %arg24[%swap3A_80], %add3A_79 {strides = array<i32>} : memref<128xi32, #tpu.memory_space<vmem>>, vector<16xi32>,
        %get3A_82 = arith.constant 16 : index
        %get3A_83 = tpu.vector_load %arg12[%get3A_82] {strides = array<i32>} : memref<128xi32, #tpu.memory_space<vmem>>, vector<16xi32>,
        %get3A_84 = arith.constant 16 : index
        %get3A_85 = tpu.vector_load %arg16[%get3A_84] {strides = array<i32>} : memref<128xi32, #tpu.memory_space<vmem>>, vector<16xi32>,
        %gather3A_86 = tpu.vector_load_idx %arg10[%get3A_83] : memref<10048xf32, #tpu.memory_space<vmem>>[vector<16xi32>], vector<16xf32>,
        %gather3A_87 = tpu.vector_load_idx %arg11[%get3A_85] : memref<10048xf32, #tpu.memory_space<vmem>>[vector<16xi32>], vector<16xf32>,
        %add3A_88 = arith.addf %gather3A_86, %gather3A_87 : vector<16xf32>
        %le3A_89 = arith.constant 0.000000e+00 : f32
        %le3A_90 = vector.broadcast %le3A_89 : f32 to vector<16xf32>
        %le3A_91 = arith.cmpf ole, %add3A_88, %le3A_90 : vector<16xf32>
        %broadcast_in_dim3A_92 = arith.constant 10048 : i32
        %broadcast_in_dim3A_93 = vector.broadcast %broadcast_in_dim3A_92 : i32 to vector<16xi32>
        %broadcast_in_dim3A_94 = arith.constant 0 : i32
        %broadcast_in_dim3A_95 = vector.broadcast %broadcast_in_dim3A_94 : i32 to vector<16xi32>
        %select_n3A_96 = arith.select %le3A_91, %broadcast_in_dim3A_93, %broadcast_in_dim3A_95 : vector<16xi1>, vector<16xi32>
        %add3A_97 = arith.addi %get3A_83, %select_n3A_96 : vector<16xi32>
        %swap3A_98 = arith.constant 16 : index
        %swap3A_99 = tpu.vector_load %arg20[%swap3A_98] {strides = array<i32>} : memref<128xi32, #tpu.memory_space<vmem>>, vector<16xi32>,
        tpu.vector_store %arg20[%swap3A_98], %add3A_97 {strides = array<i32>} : memref<128xi32, #tpu.memory_space<vmem>>, vector<16xi32>,
        %add3A_100 = arith.addi %get3A_85, %select_n3A_96 : vector<16xi32>
        %swap3A_101 = arith.constant 16 : index
        %swap3A_102 = tpu.vector_load %arg24[%swap3A_101] {strides = array<i32>} : memref<128xi32, #tpu.memory_space<vmem>>, vector<16xi32>,
        tpu.vector_store %arg24[%swap3A_101], %add3A_100 {strides = array<i32>} : memref<128xi32, #tpu.memory_space<vmem>>, vector<16xi32>,
        %get3A_103 = arith.constant 32 : index
        %get3A_104 = tpu.vector_load %arg12[%get3A_103] {strides = array<i32>} : memref<128xi32, #tpu.memory_space<vmem>>, vector<16xi32>,
        %get3A_105 = arith.constant 32 : index
        %get3A_106 = tpu.vector_load %arg16[%get3A_105] {strides = array<i32>} : memref<128xi32, #tpu.memory_space<vmem>>, vector<16xi32>,
        %gather3A_107 = tpu.vector_load_idx %arg10[%get3A_104] : memref<10048xf32, #tpu.memory_space<vmem>>[vector<16xi32>], vector<16xf32>,
        %gather3A_108 = tpu.vector_load_idx %arg11[%get3A_106] : memref<10048xf32, #tpu.memory_space<vmem>>[vector<16xi32>], vector<16xf32>,
        %add3A_109 = arith.addf %gather3A_107, %gather3A_108 : vector<16xf32>
        %le3A_110 = arith.constant 0.000000e+00 : f32
        %le3A_111 = vector.broadcast %le3A_110 : f32 to vector<16xf32>
        %le3A_112 = arith.cmpf ole, %add3A_109, %le3A_111 : vector<16xf32>
        %broadcast_in_dim3A_113 = arith.constant 10048 : i32
        %broadcast_in_dim3A_114 = vector.broadcast %broadcast_in_dim3A_113 : i32 to vector<16xi32>
        %broadcast_in_dim3A_115 = arith.constant 0 : i32
        %broadcast_in_dim3A_116 = vector.broadcast %broadcast_in_dim3A_115 : i32 to vector<16xi32>
        %select_n3A_117 = arith.select %le3A_112, %broadcast_in_dim3A_114, %broadcast_in_dim3A_116 : vector<16xi1>, vector<16xi32>
        %add3A_118 = arith.addi %get3A_104, %select_n3A_117 : vector<16xi32>
        %swap3A_119 = arith.constant 32 : index
        %swap3A_120 = tpu.vector_load %arg20[%swap3A_119] {strides = array<i32>} : memref<128xi32, #tpu.memory_space<vmem>>, vector<16xi32>,
        tpu.vector_store %arg20[%swap3A_119], %add3A_118 {strides = array<i32>} : memref<128xi32, #tpu.memory_space<vmem>>, vector<16xi32>,
        %add3A_121 = arith.addi %get3A_106, %select_n3A_117 : vector<16xi32>
        %swap3A_122 = arith.constant 32 : index
        %swap3A_123 = tpu.vector_load %arg24[%swap3A_122] {strides = array<i32>} : memref<128xi32, #tpu.memory_space<vmem>>, vector<16xi32>,
        tpu.vector_store %arg24[%swap3A_122], %add3A_121 {strides = array<i32>} : memref<128xi32, #tpu.memory_space<vmem>>, vector<16xi32>,
        %get3A_124 = arith.constant 48 : index
        %get3A_125 = tpu.vector_load %arg12[%get3A_124] {strides = array<i32>} : memref<128xi32, #tpu.memory_space<vmem>>, vector<16xi32>,
        %get3A_126 = arith.constant 48 : index
        %get3A_127 = tpu.vector_load %arg16[%get3A_126] {strides = array<i32>} : memref<128xi32, #tpu.memory_space<vmem>>, vector<16xi32>,
        %gather3A_128 = tpu.vector_load_idx %arg10[%get3A_125] : memref<10048xf32, #tpu.memory_space<vmem>>[vector<16xi32>], vector<16xf32>,
        %gather3A_129 = tpu.vector_load_idx %arg11[%get3A_127] : memref<10048xf32, #tpu.memory_space<vmem>>[vector<16xi32>], vector<16xf32>,
        %add3A_130 = arith.addf %gather3A_128, %gather3A_129 : vector<16xf32>
        %le3A_131 = arith.constant 0.000000e+00 : f32
        %le3A_132 = vector.broadcast %le3A_131 : f32 to vector<16xf32>
        %le3A_133 = arith.cmpf ole, %add3A_130, %le3A_132 : vector<16xf32>
        %broadcast_in_dim3A_134 = arith.constant 10048 : i32
        %broadcast_in_dim3A_135 = vector.broadcast %broadcast_in_dim3A_134 : i32 to vector<16xi32>
        %broadcast_in_dim3A_136 = arith.constant 0 : i32
        %broadcast_in_dim3A_137 = vector.broadcast %broadcast_in_dim3A_136 : i32 to vector<16xi32>
        %select_n3A_138 = arith.select %le3A_133, %broadcast_in_dim3A_135, %broadcast_in_dim3A_137 : vector<16xi1>, vector<16xi32>
        %add3A_139 = arith.addi %get3A_125, %select_n3A_138 : vector<16xi32>
        %swap3A_140 = arith.constant 48 : index
        %swap3A_141 = tpu.vector_load %arg20[%swap3A_140] {strides = array<i32>} : memref<128xi32, #tpu.memory_space<vmem>>, vector<16xi32>,
        tpu.vector_store %arg20[%swap3A_140], %add3A_139 {strides = array<i32>} : memref<128xi32, #tpu.memory_space<vmem>>, vector<16xi32>,
        %add3A_142 = arith.addi %get3A_127, %select_n3A_138 : vector<16xi32>
        %swap3A_143 = arith.constant 48 : index
        %swap3A_144 = tpu.vector_load %arg24[%swap3A_143] {strides = array<i32>} : memref<128xi32, #tpu.memory_space<vmem>>, vector<16xi32>,
        tpu.vector_store %arg24[%swap3A_143], %add3A_142 {strides = array<i32>} : memref<128xi32, #tpu.memory_space<vmem>>, vector<16xi32>,
        %get3A_145 = arith.constant 64 : index
        %get3A_146 = tpu.vector_load %arg12[%get3A_145] {strides = array<i32>} : memref<128xi32, #tpu.memory_space<vmem>>, vector<16xi32>,
        %get3A_147 = arith.constant 64 : index
        %get3A_148 = tpu.vector_load %arg16[%get3A_147] {strides = array<i32>} : memref<128xi32, #tpu.memory_space<vmem>>, vector<16xi32>,
        %gather3A_149 = tpu.vector_load_idx %arg10[%get3A_146] : memref<10048xf32, #tpu.memory_space<vmem>>[vector<16xi32>], vector<16xf32>,
        %gather3A_150 = tpu.vector_load_idx %arg11[%get3A_148] : memref<10048xf32, #tpu.memory_space<vmem>>[vector<16xi32>], vector<16xf32>,
        %add3A_151 = arith.addf %gather3A_149, %gather3A_150 : vector<16xf32>
        %le3A_152 = arith.constant 0.000000e+00 : f32
        %le3A_153 = vector.broadcast %le3A_152 : f32 to vector<16xf32>
        %le3A_154 = arith.cmpf ole, %add3A_151, %le3A_153 : vector<16xf32>
        %broadcast_in_dim3A_155 = arith.constant 10048 : i32
        %broadcast_in_dim3A_156 = vector.broadcast %broadcast_in_dim3A_155 : i32 to vector<16xi32>
        %broadcast_in_dim3A_157 = arith.constant 0 : i32
        %broadcast_in_dim3A_158 = vector.broadcast %broadcast_in_dim3A_157 : i32 to vector<16xi32>
        %select_n3A_159 = arith.select %le3A_154, %broadcast_in_dim3A_156, %broadcast_in_dim3A_158 : vector<16xi1>, vector<16xi32>
        %add3A_160 = arith.addi %get3A_146, %select_n3A_159 : vector<16xi32>
        %swap3A_161 = arith.constant 64 : index
        %swap3A_162 = tpu.vector_load %arg20[%swap3A_161] {strides = array<i32>} : memref<128xi32, #tpu.memory_space<vmem>>, vector<16xi32>,
        tpu.vector_store %arg20[%swap3A_161], %add3A_160 {strides = array<i32>} : memref<128xi32, #tpu.memory_space<vmem>>, vector<16xi32>,
        %add3A_163 = arith.addi %get3A_148, %select_n3A_159 : vector<16xi32>
        %swap3A_164 = arith.constant 64 : index
        %swap3A_165 = tpu.vector_load %arg24[%swap3A_164] {strides = array<i32>} : memref<128xi32, #tpu.memory_space<vmem>>, vector<16xi32>,
        tpu.vector_store %arg24[%swap3A_164], %add3A_163 {strides = array<i32>} : memref<128xi32, #tpu.memory_space<vmem>>, vector<16xi32>,
        %get3A_166 = arith.constant 80 : index
        %get3A_167 = tpu.vector_load %arg12[%get3A_166] {strides = array<i32>} : memref<128xi32, #tpu.memory_space<vmem>>, vector<16xi32>,
        %get3A_168 = arith.constant 80 : index
        %get3A_169 = tpu.vector_load %arg16[%get3A_168] {strides = array<i32>} : memref<128xi32, #tpu.memory_space<vmem>>, vector<16xi32>,
        %gather3A_170 = tpu.vector_load_idx %arg10[%get3A_167] : memref<10048xf32, #tpu.memory_space<vmem>>[vector<16xi32>], vector<16xf32>,
        %gather3A_171 = tpu.vector_load_idx %arg11[%get3A_169] : memref<10048xf32, #tpu.memory_space<vmem>>[vector<16xi32>], vector<16xf32>,
        %add3A_172 = arith.addf %gather3A_170, %gather3A_171 : vector<16xf32>
        %le3A_173 = arith.constant 0.000000e+00 : f32
        %le3A_174 = vector.broadcast %le3A_173 : f32 to vector<16xf32>
        %le3A_175 = arith.cmpf ole, %add3A_172, %le3A_174 : vector<16xf32>
        %broadcast_in_dim3A_176 = arith.constant 10048 : i32
        %broadcast_in_dim3A_177 = vector.broadcast %broadcast_in_dim3A_176 : i32 to vector<16xi32>
        %broadcast_in_dim3A_178 = arith.constant 0 : i32
        %broadcast_in_dim3A_179 = vector.broadcast %broadcast_in_dim3A_178 : i32 to vector<16xi32>
        %select_n3A_180 = arith.select %le3A_175, %broadcast_in_dim3A_177, %broadcast_in_dim3A_179 : vector<16xi1>, vector<16xi32>
        %add3A_181 = arith.addi %get3A_167, %select_n3A_180 : vector<16xi32>
        %swap3A_182 = arith.constant 80 : index
        %swap3A_183 = tpu.vector_load %arg20[%swap3A_182] {strides = array<i32>} : memref<128xi32, #tpu.memory_space<vmem>>, vector<16xi32>,
        tpu.vector_store %arg20[%swap3A_182], %add3A_181 {strides = array<i32>} : memref<128xi32, #tpu.memory_space<vmem>>, vector<16xi32>,
        %add3A_184 = arith.addi %get3A_169, %select_n3A_180 : vector<16xi32>
        %swap3A_185 = arith.constant 80 : index
        %swap3A_186 = tpu.vector_load %arg24[%swap3A_185] {strides = array<i32>} : memref<128xi32, #tpu.memory_space<vmem>>, vector<16xi32>,
        tpu.vector_store %arg24[%swap3A_185], %add3A_184 {strides = array<i32>} : memref<128xi32, #tpu.memory_space<vmem>>, vector<16xi32>,
        %get3A_187 = arith.constant 96 : index
        %get3A_188 = tpu.vector_load %arg12[%get3A_187] {strides = array<i32>} : memref<128xi32, #tpu.memory_space<vmem>>, vector<16xi32>,
        %get3A_189 = arith.constant 96 : index
        %get3A_190 = tpu.vector_load %arg16[%get3A_189] {strides = array<i32>} : memref<128xi32, #tpu.memory_space<vmem>>, vector<16xi32>,
        %gather3A_191 = tpu.vector_load_idx %arg10[%get3A_188] : memref<10048xf32, #tpu.memory_space<vmem>>[vector<16xi32>], vector<16xf32>,
        %gather3A_192 = tpu.vector_load_idx %arg11[%get3A_190] : memref<10048xf32, #tpu.memory_space<vmem>>[vector<16xi32>], vector<16xf32>,
        %add3A_193 = arith.addf %gather3A_191, %gather3A_192 : vector<16xf32>
        %le3A_194 = arith.constant 0.000000e+00 : f32
        %le3A_195 = vector.broadcast %le3A_194 : f32 to vector<16xf32>
        %le3A_196 = arith.cmpf ole, %add3A_193, %le3A_195 : vector<16xf32>
        %broadcast_in_dim3A_197 = arith.constant 10048 : i32
        %broadcast_in_dim3A_198 = vector.broadcast %broadcast_in_dim3A_197 : i32 to vector<16xi32>
        %broadcast_in_dim3A_199 = arith.constant 0 : i32
        %broadcast_in_dim3A_200 = vector.broadcast %broadcast_in_dim3A_199 : i32 to vector<16xi32>
        %select_n3A_201 = arith.select %le3A_196, %broadcast_in_dim3A_198, %broadcast_in_dim3A_200 : vector<16xi1>, vector<16xi32>
        %add3A_202 = arith.addi %get3A_188, %select_n3A_201 : vector<16xi32>
        %swap3A_203 = arith.constant 96 : index
        %swap3A_204 = tpu.vector_load %arg20[%swap3A_203] {strides = array<i32>} : memref<128xi32, #tpu.memory_space<vmem>>, vector<16xi32>,
        tpu.vector_store %arg20[%swap3A_203], %add3A_202 {strides = array<i32>} : memref<128xi32, #tpu.memory_space<vmem>>, vector<16xi32>,
        %add3A_205 = arith.addi %get3A_190, %select_n3A_201 : vector<16xi32>
        %swap3A_206 = arith.constant 96 : index
        %swap3A_207 = tpu.vector_load %arg24[%swap3A_206] {strides = array<i32>} : memref<128xi32, #tpu.memory_space<vmem>>, vector<16xi32>,
        tpu.vector_store %arg24[%swap3A_206], %add3A_205 {strides = array<i32>} : memref<128xi32, #tpu.memory_space<vmem>>, vector<16xi32>,
        %get3A_208 = arith.constant 112 : index
        %get3A_209 = tpu.vector_load %arg12[%get3A_208] {strides = array<i32>} : memref<128xi32, #tpu.memory_space<vmem>>, vector<16xi32>,
        %get3A_210 = arith.constant 112 : index
        %get3A_211 = tpu.vector_load %arg16[%get3A_210] {strides = array<i32>} : memref<128xi32, #tpu.memory_space<vmem>>, vector<16xi32>,
        %gather3A_212 = tpu.vector_load_idx %arg10[%get3A_209] : memref<10048xf32, #tpu.memory_space<vmem>>[vector<16xi32>], vector<16xf32>,
        %gather3A_213 = tpu.vector_load_idx %arg11[%get3A_211] : memref<10048xf32, #tpu.memory_space<vmem>>[vector<16xi32>], vector<16xf32>,
        %add3A_214 = arith.addf %gather3A_212, %gather3A_213 : vector<16xf32>
        %le3A_215 = arith.constant 0.000000e+00 : f32
        %le3A_216 = vector.broadcast %le3A_215 : f32 to vector<16xf32>
        %le3A_217 = arith.cmpf ole, %add3A_214, %le3A_216 : vector<16xf32>
        %broadcast_in_dim3A_218 = arith.constant 10048 : i32
        %broadcast_in_dim3A_219 = vector.broadcast %broadcast_in_dim3A_218 : i32 to vector<16xi32>
        %broadcast_in_dim3A_220 = arith.constant 0 : i32
        %broadcast_in_dim3A_221 = vector.broadcast %broadcast_in_dim3A_220 : i32 to vector<16xi32>
        %select_n3A_222 = arith.select %le3A_217, %broadcast_in_dim3A_219, %broadcast_in_dim3A_221 : vector<16xi1>, vector<16xi32>
        %add3A_223 = arith.addi %get3A_209, %select_n3A_222 : vector<16xi32>
        %swap3A_224 = arith.constant 112 : index
        %swap3A_225 = tpu.vector_load %arg20[%swap3A_224] {strides = array<i32>} : memref<128xi32, #tpu.memory_space<vmem>>, vector<16xi32>,
        tpu.vector_store %arg20[%swap3A_224], %add3A_223 {strides = array<i32>} : memref<128xi32, #tpu.memory_space<vmem>>, vector<16xi32>,
        %add3A_226 = arith.addi %get3A_211, %select_n3A_222 : vector<16xi32>
        %swap3A_227 = arith.constant 112 : index
        %swap3A_228 = tpu.vector_load %arg24[%swap3A_227] {strides = array<i32>} : memref<128xi32, #tpu.memory_space<vmem>>, vector<16xi32>,
        tpu.vector_store %arg24[%swap3A_227], %add3A_226 {strides = array<i32>} : memref<128xi32, #tpu.memory_space<vmem>>, vector<16xi32>,
        %ge3A = arith.constant 2 : i32
        %ge3A_229 = arith.cmpi sge, %add3A_31, %ge3A : i32
        %convert_element_type3A_230 = arith.extui %ge3A_229 : i1 to i32
        %cond3A_231 = arith.constant 0 : i32
        %cond3A_232 = arith.cmpi ne, %convert_element_type3A_230, %cond3A_231 : i32
        scf.if %cond3A_232 {
          %dma_wait3A_242 = arith.constant 0 : i32
          %dma_wait3A_243 = arith.constant 0 : i32
          %dma_wait3A_244 = tpu.memref_slice %arg9[%dma_wait3A_242, %dma_wait3A_243] : memref<20096x72xf32, #tpu.memory_space<vmem_shared>> -> memref<20096x72xf32, #tpu.memory_space<vmem_shared>>
          tpu.wait_indirect_dma semaphore(%arg33 : memref<!tpu.dma_semaphore, #tpu.memory_space<semaphore_mem>>) src(%arg28 : memref<128x72xf32, #tpu.memory_space<vmem>>) dst(%dma_wait3A_244 : memref<20096x72xf32, #tpu.memory_space<vmem_shared>>)
        } else {
        }
        %dma_start3A_233 = arith.constant 0 : i32
        %dma_start3A_234 = arith.constant 0 : i32
        %dma_start3A_235 = tpu.memref_slice %arg2[%dma_start3A_233, %dma_start3A_234] : memref<20096x72xf32, #tpu.memory_space<hbm>> -> memref<20096x72xf32, #tpu.memory_space<hbm>>
        tpu.enqueue_indirect_dma source(%dma_start3A_235 : memref<20096x72xf32, #tpu.memory_space<hbm>>) target(%arg28 : memref<128x72xf32, #tpu.memory_space<vmem>>) offsets(%arg20 : memref<128xi32, #tpu.memory_space<vmem>>) semaphore(%arg32 : memref<!tpu.dma_semaphore, #tpu.memory_space<semaphore_mem>>)
        %dma_wait3A_236 = arith.constant 0 : i32
        %dma_wait3A_237 = arith.constant 0 : i32
        %dma_wait3A_238 = tpu.memref_slice %arg2[%dma_wait3A_236, %dma_wait3A_237] : memref<20096x72xf32, #tpu.memory_space<hbm>> -> memref<20096x72xf32, #tpu.memory_space<hbm>>
        tpu.wait_indirect_dma semaphore(%arg32 : memref<!tpu.dma_semaphore, #tpu.memory_space<semaphore_mem>>) src(%dma_wait3A_238 : memref<20096x72xf32, #tpu.memory_space<hbm>>) dst(%arg28 : memref<128x72xf32, #tpu.memory_space<vmem>>)
        %dma_start3A_239 = arith.constant 0 : i32
        %dma_start3A_240 = arith.constant 0 : i32
        %dma_start3A_241 = tpu.memref_slice %arg9[%dma_start3A_239, %dma_start3A_240] : memref<20096x72xf32, #tpu.memory_space<vmem_shared>> -> memref<20096x72xf32, #tpu.memory_space<vmem_shared>>
        tpu.enqueue_indirect_dma source(%arg28 : memref<128x72xf32, #tpu.memory_space<vmem>>) target(%dma_start3A_241 : memref<20096x72xf32, #tpu.memory_space<vmem_shared>>) offsets(%arg24 : memref<128xi32, #tpu.memory_space<vmem>>) semaphore(%arg33 : memref<!tpu.dma_semaphore, #tpu.memory_space<semaphore_mem>>) {add = true}
      } else {
      }
      %add3A_34 = arith.constant 1 : i32
      %add3A_35 = arith.addi %mul3A_29, %add3A_34 : i32
      %lt3A_36 = arith.cmpi slt, %add3A_35, %select_n3A : i32
      %convert_element_type3A_37 = arith.extui %lt3A_36 : i1 to i32
      %cond3A_38 = arith.constant 0 : i32
      %cond3A_39 = arith.cmpi ne, %convert_element_type3A_37, %cond3A_38 : i32
      scf.if %cond3A_39 {
        %add3A_52 = arith.constant 1 : i32
        %add3A_53 = arith.addi %add3A_35, %add3A_52 : i32
        %lt3A_54 = arith.cmpi slt, %add3A_53, %select_n3A : i32
        %convert_element_type3A_55 = arith.extui %lt3A_54 : i1 to i32
        %cond3A_56 = arith.constant 0 : i32
        %cond3A_57 = arith.cmpi ne, %convert_element_type3A_55, %cond3A_56 : i32
        scf.if %cond3A_57 {
          %add3A_242 = arith.constant 1 : i32
          %add3A_243 = arith.addi %add3A_35, %add3A_242 : i32
          %mul3A_244 = arith.constant 32 : i32
          %mul3A_245 = arith.muli %add3A_243, %mul3A_244 : i32
          %add3A_246 = arith.addi %add3A, %mul3A_245 : i32
          %mul3A_247 = arith.constant 128 : i32
          %mul3A_248 = arith.muli %add3A_246, %mul3A_247 : i32
          %dma_start3A_249 = tpu.memref_slice %arg5[%mul3A_248] : memref<320000xi32, #tpu.memory_space<hbm>> -> memref<128xi32, #tpu.memory_space<hbm>>
          %dma_start3A_250 = tpu.memref_slice %arg5[%mul3A_248] : memref<320000xi32, #tpu.memory_space<hbm>> -> memref<128xi32, #tpu.memory_space<hbm>>
          tpu.enqueue_dma source(%dma_start3A_250 : memref<128xi32, #tpu.memory_space<hbm>>) target(%arg14 : memref<128xi32, #tpu.memory_space<vmem>>) target_semaphore(%arg30 : memref<!tpu.dma_semaphore, #tpu.memory_space<semaphore_mem>>)
          %dma_start3A_251 = tpu.memref_slice %arg6[%mul3A_248] : memref<320000xi32, #tpu.memory_space<hbm>> -> memref<128xi32, #tpu.memory_space<hbm>>
          %dma_start3A_252 = tpu.memref_slice %arg6[%mul3A_248] : memref<320000xi32, #tpu.memory_space<hbm>> -> memref<128xi32, #tpu.memory_space<hbm>>
          tpu.enqueue_dma source(%dma_start3A_252 : memref<128xi32, #tpu.memory_space<hbm>>) target(%arg18 : memref<128xi32, #tpu.memory_space<vmem>>) target_semaphore(%arg30 : memref<!tpu.dma_semaphore, #tpu.memory_space<semaphore_mem>>)
        } else {
        }
        %dma_wait3A_58 = arith.constant 0 : i32
        %dma_wait3A_59 = tpu.memref_slice %arg5[%dma_wait3A_58] : memref<320000xi32, #tpu.memory_space<hbm>> -> memref<128xi32, #tpu.memory_space<hbm>>
        %dma_wait3A_60 = arith.constant 0 : i32
        %dma_wait3A_61 = tpu.memref_slice %arg5[%dma_wait3A_60] : memref<320000xi32, #tpu.memory_space<hbm>> -> memref<128xi32, #tpu.memory_space<hbm>>
        tpu.wait_dma2 semaphore(%arg31 : memref<!tpu.dma_semaphore, #tpu.memory_space<semaphore_mem>>) src(%dma_wait3A_61 : memref<128xi32, #tpu.memory_space<hbm>>) dst(%arg13 : memref<128xi32, #tpu.memory_space<vmem>>)
        %dma_wait3A_62 = arith.constant 0 : i32
        %dma_wait3A_63 = tpu.memref_slice %arg6[%dma_wait3A_62] : memref<320000xi32, #tpu.memory_space<hbm>> -> memref<128xi32, #tpu.memory_space<hbm>>
        %dma_wait3A_64 = arith.constant 0 : i32
        %dma_wait3A_65 = tpu.memref_slice %arg6[%dma_wait3A_64] : memref<320000xi32, #tpu.memory_space<hbm>> -> memref<128xi32, #tpu.memory_space<hbm>>
        tpu.wait_dma2 semaphore(%arg31 : memref<!tpu.dma_semaphore, #tpu.memory_space<semaphore_mem>>) src(%dma_wait3A_65 : memref<128xi32, #tpu.memory_space<hbm>>) dst(%arg17 : memref<128xi32, #tpu.memory_space<vmem>>)
        %get3A = arith.constant 0 : index
        %get3A_66 = tpu.vector_load %arg13[%get3A] {strides = array<i32>} : memref<128xi32, #tpu.memory_space<vmem>>, vector<16xi32>,
        %get3A_67 = arith.constant 0 : index
        %get3A_68 = tpu.vector_load %arg17[%get3A_67] {strides = array<i32>} : memref<128xi32, #tpu.memory_space<vmem>>, vector<16xi32>,
        %gather3A = tpu.vector_load_idx %arg10[%get3A_66] : memref<10048xf32, #tpu.memory_space<vmem>>[vector<16xi32>], vector<16xf32>,
        %gather3A_69 = tpu.vector_load_idx %arg11[%get3A_68] : memref<10048xf32, #tpu.memory_space<vmem>>[vector<16xi32>], vector<16xf32>,
        %add3A_70 = arith.addf %gather3A, %gather3A_69 : vector<16xf32>
        %le3A = arith.constant 0.000000e+00 : f32
        %le3A_71 = vector.broadcast %le3A : f32 to vector<16xf32>
        %le3A_72 = arith.cmpf ole, %add3A_70, %le3A_71 : vector<16xf32>
        %broadcast_in_dim3A = arith.constant 10048 : i32
        %broadcast_in_dim3A_73 = vector.broadcast %broadcast_in_dim3A : i32 to vector<16xi32>
        %broadcast_in_dim3A_74 = arith.constant 0 : i32
        %broadcast_in_dim3A_75 = vector.broadcast %broadcast_in_dim3A_74 : i32 to vector<16xi32>
        %select_n3A_76 = arith.select %le3A_72, %broadcast_in_dim3A_73, %broadcast_in_dim3A_75 : vector<16xi1>, vector<16xi32>
        %add3A_77 = arith.addi %get3A_66, %select_n3A_76 : vector<16xi32>
        %swap3A = arith.constant 0 : index
        %swap3A_78 = tpu.vector_load %arg21[%swap3A] {strides = array<i32>} : memref<128xi32, #tpu.memory_space<vmem>>, vector<16xi32>,
        tpu.vector_store %arg21[%swap3A], %add3A_77 {strides = array<i32>} : memref<128xi32, #tpu.memory_space<vmem>>, vector<16xi32>,
        %add3A_79 = arith.addi %get3A_68, %select_n3A_76 : vector<16xi32>
        %swap3A_80 = arith.constant 0 : index
        %swap3A_81 = tpu.vector_load %arg25[%swap3A_80] {strides = array<i32>} : memref<128xi32, #tpu.memory_space<vmem>>, vector<16xi32>,
        tpu.vector_store %arg25[%swap3A_80], %add3A_79 {strides = array<i32>} : memref<128xi32, #tpu.memory_space<vmem>>, vector<16xi32>,
        %get3A_82 = arith.constant 16 : index
        %get3A_83 = tpu.vector_load %arg13[%get3A_82] {strides = array<i32>} : memref<128xi32, #tpu.memory_space<vmem>>, vector<16xi32>,
        %get3A_84 = arith.constant 16 : index
        %get3A_85 = tpu.vector_load %arg17[%get3A_84] {strides = array<i32>} : memref<128xi32, #tpu.memory_space<vmem>>, vector<16xi32>,
        %gather3A_86 = tpu.vector_load_idx %arg10[%get3A_83] : memref<10048xf32, #tpu.memory_space<vmem>>[vector<16xi32>], vector<16xf32>,
        %gather3A_87 = tpu.vector_load_idx %arg11[%get3A_85] : memref<10048xf32, #tpu.memory_space<vmem>>[vector<16xi32>], vector<16xf32>,
        %add3A_88 = arith.addf %gather3A_86, %gather3A_87 : vector<16xf32>
        %le3A_89 = arith.constant 0.000000e+00 : f32
        %le3A_90 = vector.broadcast %le3A_89 : f32 to vector<16xf32>
        %le3A_91 = arith.cmpf ole, %add3A_88, %le3A_90 : vector<16xf32>
        %broadcast_in_dim3A_92 = arith.constant 10048 : i32
        %broadcast_in_dim3A_93 = vector.broadcast %broadcast_in_dim3A_92 : i32 to vector<16xi32>
        %broadcast_in_dim3A_94 = arith.constant 0 : i32
        %broadcast_in_dim3A_95 = vector.broadcast %broadcast_in_dim3A_94 : i32 to vector<16xi32>
        %select_n3A_96 = arith.select %le3A_91, %broadcast_in_dim3A_93, %broadcast_in_dim3A_95 : vector<16xi1>, vector<16xi32>
        %add3A_97 = arith.addi %get3A_83, %select_n3A_96 : vector<16xi32>
        %swap3A_98 = arith.constant 16 : index
        %swap3A_99 = tpu.vector_load %arg21[%swap3A_98] {strides = array<i32>} : memref<128xi32, #tpu.memory_space<vmem>>, vector<16xi32>,
        tpu.vector_store %arg21[%swap3A_98], %add3A_97 {strides = array<i32>} : memref<128xi32, #tpu.memory_space<vmem>>, vector<16xi32>,
        %add3A_100 = arith.addi %get3A_85, %select_n3A_96 : vector<16xi32>
        %swap3A_101 = arith.constant 16 : index
        %swap3A_102 = tpu.vector_load %arg25[%swap3A_101] {strides = array<i32>} : memref<128xi32, #tpu.memory_space<vmem>>, vector<16xi32>,
        tpu.vector_store %arg25[%swap3A_101], %add3A_100 {strides = array<i32>} : memref<128xi32, #tpu.memory_space<vmem>>, vector<16xi32>,
        %get3A_103 = arith.constant 32 : index
        %get3A_104 = tpu.vector_load %arg13[%get3A_103] {strides = array<i32>} : memref<128xi32, #tpu.memory_space<vmem>>, vector<16xi32>,
        %get3A_105 = arith.constant 32 : index
        %get3A_106 = tpu.vector_load %arg17[%get3A_105] {strides = array<i32>} : memref<128xi32, #tpu.memory_space<vmem>>, vector<16xi32>,
        %gather3A_107 = tpu.vector_load_idx %arg10[%get3A_104] : memref<10048xf32, #tpu.memory_space<vmem>>[vector<16xi32>], vector<16xf32>,
        %gather3A_108 = tpu.vector_load_idx %arg11[%get3A_106] : memref<10048xf32, #tpu.memory_space<vmem>>[vector<16xi32>], vector<16xf32>,
        %add3A_109 = arith.addf %gather3A_107, %gather3A_108 : vector<16xf32>
        %le3A_110 = arith.constant 0.000000e+00 : f32
        %le3A_111 = vector.broadcast %le3A_110 : f32 to vector<16xf32>
        %le3A_112 = arith.cmpf ole, %add3A_109, %le3A_111 : vector<16xf32>
        %broadcast_in_dim3A_113 = arith.constant 10048 : i32
        %broadcast_in_dim3A_114 = vector.broadcast %broadcast_in_dim3A_113 : i32 to vector<16xi32>
        %broadcast_in_dim3A_115 = arith.constant 0 : i32
        %broadcast_in_dim3A_116 = vector.broadcast %broadcast_in_dim3A_115 : i32 to vector<16xi32>
        %select_n3A_117 = arith.select %le3A_112, %broadcast_in_dim3A_114, %broadcast_in_dim3A_116 : vector<16xi1>, vector<16xi32>
        %add3A_118 = arith.addi %get3A_104, %select_n3A_117 : vector<16xi32>
        %swap3A_119 = arith.constant 32 : index
        %swap3A_120 = tpu.vector_load %arg21[%swap3A_119] {strides = array<i32>} : memref<128xi32, #tpu.memory_space<vmem>>, vector<16xi32>,
        tpu.vector_store %arg21[%swap3A_119], %add3A_118 {strides = array<i32>} : memref<128xi32, #tpu.memory_space<vmem>>, vector<16xi32>,
        %add3A_121 = arith.addi %get3A_106, %select_n3A_117 : vector<16xi32>
        %swap3A_122 = arith.constant 32 : index
        %swap3A_123 = tpu.vector_load %arg25[%swap3A_122] {strides = array<i32>} : memref<128xi32, #tpu.memory_space<vmem>>, vector<16xi32>,
        tpu.vector_store %arg25[%swap3A_122], %add3A_121 {strides = array<i32>} : memref<128xi32, #tpu.memory_space<vmem>>, vector<16xi32>,
        %get3A_124 = arith.constant 48 : index
        %get3A_125 = tpu.vector_load %arg13[%get3A_124] {strides = array<i32>} : memref<128xi32, #tpu.memory_space<vmem>>, vector<16xi32>,
        %get3A_126 = arith.constant 48 : index
        %get3A_127 = tpu.vector_load %arg17[%get3A_126] {strides = array<i32>} : memref<128xi32, #tpu.memory_space<vmem>>, vector<16xi32>,
        %gather3A_128 = tpu.vector_load_idx %arg10[%get3A_125] : memref<10048xf32, #tpu.memory_space<vmem>>[vector<16xi32>], vector<16xf32>,
        %gather3A_129 = tpu.vector_load_idx %arg11[%get3A_127] : memref<10048xf32, #tpu.memory_space<vmem>>[vector<16xi32>], vector<16xf32>,
        %add3A_130 = arith.addf %gather3A_128, %gather3A_129 : vector<16xf32>
        %le3A_131 = arith.constant 0.000000e+00 : f32
        %le3A_132 = vector.broadcast %le3A_131 : f32 to vector<16xf32>
        %le3A_133 = arith.cmpf ole, %add3A_130, %le3A_132 : vector<16xf32>
        %broadcast_in_dim3A_134 = arith.constant 10048 : i32
        %broadcast_in_dim3A_135 = vector.broadcast %broadcast_in_dim3A_134 : i32 to vector<16xi32>
        %broadcast_in_dim3A_136 = arith.constant 0 : i32
        %broadcast_in_dim3A_137 = vector.broadcast %broadcast_in_dim3A_136 : i32 to vector<16xi32>
        %select_n3A_138 = arith.select %le3A_133, %broadcast_in_dim3A_135, %broadcast_in_dim3A_137 : vector<16xi1>, vector<16xi32>
        %add3A_139 = arith.addi %get3A_125, %select_n3A_138 : vector<16xi32>
        %swap3A_140 = arith.constant 48 : index
        %swap3A_141 = tpu.vector_load %arg21[%swap3A_140] {strides = array<i32>} : memref<128xi32, #tpu.memory_space<vmem>>, vector<16xi32>,
        tpu.vector_store %arg21[%swap3A_140], %add3A_139 {strides = array<i32>} : memref<128xi32, #tpu.memory_space<vmem>>, vector<16xi32>,
        %add3A_142 = arith.addi %get3A_127, %select_n3A_138 : vector<16xi32>
        %swap3A_143 = arith.constant 48 : index
        %swap3A_144 = tpu.vector_load %arg25[%swap3A_143] {strides = array<i32>} : memref<128xi32, #tpu.memory_space<vmem>>, vector<16xi32>,
        tpu.vector_store %arg25[%swap3A_143], %add3A_142 {strides = array<i32>} : memref<128xi32, #tpu.memory_space<vmem>>, vector<16xi32>,
        %get3A_145 = arith.constant 64 : index
        %get3A_146 = tpu.vector_load %arg13[%get3A_145] {strides = array<i32>} : memref<128xi32, #tpu.memory_space<vmem>>, vector<16xi32>,
        %get3A_147 = arith.constant 64 : index
        %get3A_148 = tpu.vector_load %arg17[%get3A_147] {strides = array<i32>} : memref<128xi32, #tpu.memory_space<vmem>>, vector<16xi32>,
        %gather3A_149 = tpu.vector_load_idx %arg10[%get3A_146] : memref<10048xf32, #tpu.memory_space<vmem>>[vector<16xi32>], vector<16xf32>,
        %gather3A_150 = tpu.vector_load_idx %arg11[%get3A_148] : memref<10048xf32, #tpu.memory_space<vmem>>[vector<16xi32>], vector<16xf32>,
        %add3A_151 = arith.addf %gather3A_149, %gather3A_150 : vector<16xf32>
        %le3A_152 = arith.constant 0.000000e+00 : f32
        %le3A_153 = vector.broadcast %le3A_152 : f32 to vector<16xf32>
        %le3A_154 = arith.cmpf ole, %add3A_151, %le3A_153 : vector<16xf32>
        %broadcast_in_dim3A_155 = arith.constant 10048 : i32
        %broadcast_in_dim3A_156 = vector.broadcast %broadcast_in_dim3A_155 : i32 to vector<16xi32>
        %broadcast_in_dim3A_157 = arith.constant 0 : i32
        %broadcast_in_dim3A_158 = vector.broadcast %broadcast_in_dim3A_157 : i32 to vector<16xi32>
        %select_n3A_159 = arith.select %le3A_154, %broadcast_in_dim3A_156, %broadcast_in_dim3A_158 : vector<16xi1>, vector<16xi32>
        %add3A_160 = arith.addi %get3A_146, %select_n3A_159 : vector<16xi32>
        %swap3A_161 = arith.constant 64 : index
        %swap3A_162 = tpu.vector_load %arg21[%swap3A_161] {strides = array<i32>} : memref<128xi32, #tpu.memory_space<vmem>>, vector<16xi32>,
        tpu.vector_store %arg21[%swap3A_161], %add3A_160 {strides = array<i32>} : memref<128xi32, #tpu.memory_space<vmem>>, vector<16xi32>,
        %add3A_163 = arith.addi %get3A_148, %select_n3A_159 : vector<16xi32>
        %swap3A_164 = arith.constant 64 : index
        %swap3A_165 = tpu.vector_load %arg25[%swap3A_164] {strides = array<i32>} : memref<128xi32, #tpu.memory_space<vmem>>, vector<16xi32>,
        tpu.vector_store %arg25[%swap3A_164], %add3A_163 {strides = array<i32>} : memref<128xi32, #tpu.memory_space<vmem>>, vector<16xi32>,
        %get3A_166 = arith.constant 80 : index
        %get3A_167 = tpu.vector_load %arg13[%get3A_166] {strides = array<i32>} : memref<128xi32, #tpu.memory_space<vmem>>, vector<16xi32>,
        %get3A_168 = arith.constant 80 : index
        %get3A_169 = tpu.vector_load %arg17[%get3A_168] {strides = array<i32>} : memref<128xi32, #tpu.memory_space<vmem>>, vector<16xi32>,
        %gather3A_170 = tpu.vector_load_idx %arg10[%get3A_167] : memref<10048xf32, #tpu.memory_space<vmem>>[vector<16xi32>], vector<16xf32>,
        %gather3A_171 = tpu.vector_load_idx %arg11[%get3A_169] : memref<10048xf32, #tpu.memory_space<vmem>>[vector<16xi32>], vector<16xf32>,
        %add3A_172 = arith.addf %gather3A_170, %gather3A_171 : vector<16xf32>
        %le3A_173 = arith.constant 0.000000e+00 : f32
        %le3A_174 = vector.broadcast %le3A_173 : f32 to vector<16xf32>
        %le3A_175 = arith.cmpf ole, %add3A_172, %le3A_174 : vector<16xf32>
        %broadcast_in_dim3A_176 = arith.constant 10048 : i32
        %broadcast_in_dim3A_177 = vector.broadcast %broadcast_in_dim3A_176 : i32 to vector<16xi32>
        %broadcast_in_dim3A_178 = arith.constant 0 : i32
        %broadcast_in_dim3A_179 = vector.broadcast %broadcast_in_dim3A_178 : i32 to vector<16xi32>
        %select_n3A_180 = arith.select %le3A_175, %broadcast_in_dim3A_177, %broadcast_in_dim3A_179 : vector<16xi1>, vector<16xi32>
        %add3A_181 = arith.addi %get3A_167, %select_n3A_180 : vector<16xi32>
        %swap3A_182 = arith.constant 80 : index
        %swap3A_183 = tpu.vector_load %arg21[%swap3A_182] {strides = array<i32>} : memref<128xi32, #tpu.memory_space<vmem>>, vector<16xi32>,
        tpu.vector_store %arg21[%swap3A_182], %add3A_181 {strides = array<i32>} : memref<128xi32, #tpu.memory_space<vmem>>, vector<16xi32>,
        %add3A_184 = arith.addi %get3A_169, %select_n3A_180 : vector<16xi32>
        %swap3A_185 = arith.constant 80 : index
        %swap3A_186 = tpu.vector_load %arg25[%swap3A_185] {strides = array<i32>} : memref<128xi32, #tpu.memory_space<vmem>>, vector<16xi32>,
        tpu.vector_store %arg25[%swap3A_185], %add3A_184 {strides = array<i32>} : memref<128xi32, #tpu.memory_space<vmem>>, vector<16xi32>,
        %get3A_187 = arith.constant 96 : index
        %get3A_188 = tpu.vector_load %arg13[%get3A_187] {strides = array<i32>} : memref<128xi32, #tpu.memory_space<vmem>>, vector<16xi32>,
        %get3A_189 = arith.constant 96 : index
        %get3A_190 = tpu.vector_load %arg17[%get3A_189] {strides = array<i32>} : memref<128xi32, #tpu.memory_space<vmem>>, vector<16xi32>,
        %gather3A_191 = tpu.vector_load_idx %arg10[%get3A_188] : memref<10048xf32, #tpu.memory_space<vmem>>[vector<16xi32>], vector<16xf32>,
        %gather3A_192 = tpu.vector_load_idx %arg11[%get3A_190] : memref<10048xf32, #tpu.memory_space<vmem>>[vector<16xi32>], vector<16xf32>,
        %add3A_193 = arith.addf %gather3A_191, %gather3A_192 : vector<16xf32>
        %le3A_194 = arith.constant 0.000000e+00 : f32
        %le3A_195 = vector.broadcast %le3A_194 : f32 to vector<16xf32>
        %le3A_196 = arith.cmpf ole, %add3A_193, %le3A_195 : vector<16xf32>
        %broadcast_in_dim3A_197 = arith.constant 10048 : i32
        %broadcast_in_dim3A_198 = vector.broadcast %broadcast_in_dim3A_197 : i32 to vector<16xi32>
        %broadcast_in_dim3A_199 = arith.constant 0 : i32
        %broadcast_in_dim3A_200 = vector.broadcast %broadcast_in_dim3A_199 : i32 to vector<16xi32>
        %select_n3A_201 = arith.select %le3A_196, %broadcast_in_dim3A_198, %broadcast_in_dim3A_200 : vector<16xi1>, vector<16xi32>
        %add3A_202 = arith.addi %get3A_188, %select_n3A_201 : vector<16xi32>
        %swap3A_203 = arith.constant 96 : index
        %swap3A_204 = tpu.vector_load %arg21[%swap3A_203] {strides = array<i32>} : memref<128xi32, #tpu.memory_space<vmem>>, vector<16xi32>,
        tpu.vector_store %arg21[%swap3A_203], %add3A_202 {strides = array<i32>} : memref<128xi32, #tpu.memory_space<vmem>>, vector<16xi32>,
        %add3A_205 = arith.addi %get3A_190, %select_n3A_201 : vector<16xi32>
        %swap3A_206 = arith.constant 96 : index
        %swap3A_207 = tpu.vector_load %arg25[%swap3A_206] {strides = array<i32>} : memref<128xi32, #tpu.memory_space<vmem>>, vector<16xi32>,
        tpu.vector_store %arg25[%swap3A_206], %add3A_205 {strides = array<i32>} : memref<128xi32, #tpu.memory_space<vmem>>, vector<16xi32>,
        %get3A_208 = arith.constant 112 : index
        %get3A_209 = tpu.vector_load %arg13[%get3A_208] {strides = array<i32>} : memref<128xi32, #tpu.memory_space<vmem>>, vector<16xi32>,
        %get3A_210 = arith.constant 112 : index
        %get3A_211 = tpu.vector_load %arg17[%get3A_210] {strides = array<i32>} : memref<128xi32, #tpu.memory_space<vmem>>, vector<16xi32>,
        %gather3A_212 = tpu.vector_load_idx %arg10[%get3A_209] : memref<10048xf32, #tpu.memory_space<vmem>>[vector<16xi32>], vector<16xf32>,
        %gather3A_213 = tpu.vector_load_idx %arg11[%get3A_211] : memref<10048xf32, #tpu.memory_space<vmem>>[vector<16xi32>], vector<16xf32>,
        %add3A_214 = arith.addf %gather3A_212, %gather3A_213 : vector<16xf32>
        %le3A_215 = arith.constant 0.000000e+00 : f32
        %le3A_216 = vector.broadcast %le3A_215 : f32 to vector<16xf32>
        %le3A_217 = arith.cmpf ole, %add3A_214, %le3A_216 : vector<16xf32>
        %broadcast_in_dim3A_218 = arith.constant 10048 : i32
        %broadcast_in_dim3A_219 = vector.broadcast %broadcast_in_dim3A_218 : i32 to vector<16xi32>
        %broadcast_in_dim3A_220 = arith.constant 0 : i32
        %broadcast_in_dim3A_221 = vector.broadcast %broadcast_in_dim3A_220 : i32 to vector<16xi32>
        %select_n3A_222 = arith.select %le3A_217, %broadcast_in_dim3A_219, %broadcast_in_dim3A_221 : vector<16xi1>, vector<16xi32>
        %add3A_223 = arith.addi %get3A_209, %select_n3A_222 : vector<16xi32>
        %swap3A_224 = arith.constant 112 : index
        %swap3A_225 = tpu.vector_load %arg21[%swap3A_224] {strides = array<i32>} : memref<128xi32, #tpu.memory_space<vmem>>, vector<16xi32>,
        tpu.vector_store %arg21[%swap3A_224], %add3A_223 {strides = array<i32>} : memref<128xi32, #tpu.memory_space<vmem>>, vector<16xi32>,
        %add3A_226 = arith.addi %get3A_211, %select_n3A_222 : vector<16xi32>
        %swap3A_227 = arith.constant 112 : index
        %swap3A_228 = tpu.vector_load %arg25[%swap3A_227] {strides = array<i32>} : memref<128xi32, #tpu.memory_space<vmem>>, vector<16xi32>,
        tpu.vector_store %arg25[%swap3A_227], %add3A_226 {strides = array<i32>} : memref<128xi32, #tpu.memory_space<vmem>>, vector<16xi32>,
        %ge3A = arith.constant 2 : i32
        %ge3A_229 = arith.cmpi sge, %add3A_35, %ge3A : i32
        %convert_element_type3A_230 = arith.extui %ge3A_229 : i1 to i32
        %cond3A_231 = arith.constant 0 : i32
        %cond3A_232 = arith.cmpi ne, %convert_element_type3A_230, %cond3A_231 : i32
        scf.if %cond3A_232 {
          %dma_wait3A_242 = arith.constant 0 : i32
          %dma_wait3A_243 = arith.constant 0 : i32
          %dma_wait3A_244 = tpu.memref_slice %arg9[%dma_wait3A_242, %dma_wait3A_243] : memref<20096x72xf32, #tpu.memory_space<vmem_shared>> -> memref<20096x72xf32, #tpu.memory_space<vmem_shared>>
          tpu.wait_indirect_dma semaphore(%arg34 : memref<!tpu.dma_semaphore, #tpu.memory_space<semaphore_mem>>) src(%arg29 : memref<128x72xf32, #tpu.memory_space<vmem>>) dst(%dma_wait3A_244 : memref<20096x72xf32, #tpu.memory_space<vmem_shared>>)
        } else {
        }
        %dma_start3A_233 = arith.constant 0 : i32
        %dma_start3A_234 = arith.constant 0 : i32
        %dma_start3A_235 = tpu.memref_slice %arg2[%dma_start3A_233, %dma_start3A_234] : memref<20096x72xf32, #tpu.memory_space<hbm>> -> memref<20096x72xf32, #tpu.memory_space<hbm>>
        tpu.enqueue_indirect_dma source(%dma_start3A_235 : memref<20096x72xf32, #tpu.memory_space<hbm>>) target(%arg29 : memref<128x72xf32, #tpu.memory_space<vmem>>) offsets(%arg21 : memref<128xi32, #tpu.memory_space<vmem>>) semaphore(%arg32 : memref<!tpu.dma_semaphore, #tpu.memory_space<semaphore_mem>>)
        %dma_wait3A_236 = arith.constant 0 : i32
        %dma_wait3A_237 = arith.constant 0 : i32
        %dma_wait3A_238 = tpu.memref_slice %arg2[%dma_wait3A_236, %dma_wait3A_237] : memref<20096x72xf32, #tpu.memory_space<hbm>> -> memref<20096x72xf32, #tpu.memory_space<hbm>>
        tpu.wait_indirect_dma semaphore(%arg32 : memref<!tpu.dma_semaphore, #tpu.memory_space<semaphore_mem>>) src(%dma_wait3A_238 : memref<20096x72xf32, #tpu.memory_space<hbm>>) dst(%arg29 : memref<128x72xf32, #tpu.memory_space<vmem>>)
        %dma_start3A_239 = arith.constant 0 : i32
        %dma_start3A_240 = arith.constant 0 : i32
        %dma_start3A_241 = tpu.memref_slice %arg9[%dma_start3A_239, %dma_start3A_240] : memref<20096x72xf32, #tpu.memory_space<vmem_shared>> -> memref<20096x72xf32, #tpu.memory_space<vmem_shared>>
        tpu.enqueue_indirect_dma source(%arg29 : memref<128x72xf32, #tpu.memory_space<vmem>>) target(%dma_start3A_241 : memref<20096x72xf32, #tpu.memory_space<vmem_shared>>) offsets(%arg25 : memref<128xi32, #tpu.memory_space<vmem>>) semaphore(%arg34 : memref<!tpu.dma_semaphore, #tpu.memory_space<semaphore_mem>>) {add = true}
      } else {
      }
      %add3A_40 = arith.constant 2 : i32
      %add3A_41 = arith.addi %mul3A_29, %add3A_40 : i32
      %lt3A_42 = arith.cmpi slt, %add3A_41, %select_n3A : i32
      %convert_element_type3A_43 = arith.extui %lt3A_42 : i1 to i32
      %cond3A_44 = arith.constant 0 : i32
      %cond3A_45 = arith.cmpi ne, %convert_element_type3A_43, %cond3A_44 : i32
      scf.if %cond3A_45 {
        %add3A_52 = arith.constant 1 : i32
        %add3A_53 = arith.addi %add3A_41, %add3A_52 : i32
        %lt3A_54 = arith.cmpi slt, %add3A_53, %select_n3A : i32
        %convert_element_type3A_55 = arith.extui %lt3A_54 : i1 to i32
        %cond3A_56 = arith.constant 0 : i32
        %cond3A_57 = arith.cmpi ne, %convert_element_type3A_55, %cond3A_56 : i32
        scf.if %cond3A_57 {
          %add3A_242 = arith.constant 1 : i32
          %add3A_243 = arith.addi %add3A_41, %add3A_242 : i32
          %mul3A_244 = arith.constant 32 : i32
          %mul3A_245 = arith.muli %add3A_243, %mul3A_244 : i32
          %add3A_246 = arith.addi %add3A, %mul3A_245 : i32
          %mul3A_247 = arith.constant 128 : i32
          %mul3A_248 = arith.muli %add3A_246, %mul3A_247 : i32
          %dma_start3A_249 = tpu.memref_slice %arg5[%mul3A_248] : memref<320000xi32, #tpu.memory_space<hbm>> -> memref<128xi32, #tpu.memory_space<hbm>>
          %dma_start3A_250 = tpu.memref_slice %arg5[%mul3A_248] : memref<320000xi32, #tpu.memory_space<hbm>> -> memref<128xi32, #tpu.memory_space<hbm>>
          tpu.enqueue_dma source(%dma_start3A_250 : memref<128xi32, #tpu.memory_space<hbm>>) target(%arg15 : memref<128xi32, #tpu.memory_space<vmem>>) target_semaphore(%arg31 : memref<!tpu.dma_semaphore, #tpu.memory_space<semaphore_mem>>)
          %dma_start3A_251 = tpu.memref_slice %arg6[%mul3A_248] : memref<320000xi32, #tpu.memory_space<hbm>> -> memref<128xi32, #tpu.memory_space<hbm>>
          %dma_start3A_252 = tpu.memref_slice %arg6[%mul3A_248] : memref<320000xi32, #tpu.memory_space<hbm>> -> memref<128xi32, #tpu.memory_space<hbm>>
          tpu.enqueue_dma source(%dma_start3A_252 : memref<128xi32, #tpu.memory_space<hbm>>) target(%arg19 : memref<128xi32, #tpu.memory_space<vmem>>) target_semaphore(%arg31 : memref<!tpu.dma_semaphore, #tpu.memory_space<semaphore_mem>>)
        } else {
        }
        %dma_wait3A_58 = arith.constant 0 : i32
        %dma_wait3A_59 = tpu.memref_slice %arg5[%dma_wait3A_58] : memref<320000xi32, #tpu.memory_space<hbm>> -> memref<128xi32, #tpu.memory_space<hbm>>
        %dma_wait3A_60 = arith.constant 0 : i32
        %dma_wait3A_61 = tpu.memref_slice %arg5[%dma_wait3A_60] : memref<320000xi32, #tpu.memory_space<hbm>> -> memref<128xi32, #tpu.memory_space<hbm>>
        tpu.wait_dma2 semaphore(%arg30 : memref<!tpu.dma_semaphore, #tpu.memory_space<semaphore_mem>>) src(%dma_wait3A_61 : memref<128xi32, #tpu.memory_space<hbm>>) dst(%arg14 : memref<128xi32, #tpu.memory_space<vmem>>)
        %dma_wait3A_62 = arith.constant 0 : i32
        %dma_wait3A_63 = tpu.memref_slice %arg6[%dma_wait3A_62] : memref<320000xi32, #tpu.memory_space<hbm>> -> memref<128xi32, #tpu.memory_space<hbm>>
        %dma_wait3A_64 = arith.constant 0 : i32
        %dma_wait3A_65 = tpu.memref_slice %arg6[%dma_wait3A_64] : memref<320000xi32, #tpu.memory_space<hbm>> -> memref<128xi32, #tpu.memory_space<hbm>>
        tpu.wait_dma2 semaphore(%arg30 : memref<!tpu.dma_semaphore, #tpu.memory_space<semaphore_mem>>) src(%dma_wait3A_65 : memref<128xi32, #tpu.memory_space<hbm>>) dst(%arg18 : memref<128xi32, #tpu.memory_space<vmem>>)
        %get3A = arith.constant 0 : index
        %get3A_66 = tpu.vector_load %arg14[%get3A] {strides = array<i32>} : memref<128xi32, #tpu.memory_space<vmem>>, vector<16xi32>,
        %get3A_67 = arith.constant 0 : index
        %get3A_68 = tpu.vector_load %arg18[%get3A_67] {strides = array<i32>} : memref<128xi32, #tpu.memory_space<vmem>>, vector<16xi32>,
        %gather3A = tpu.vector_load_idx %arg10[%get3A_66] : memref<10048xf32, #tpu.memory_space<vmem>>[vector<16xi32>], vector<16xf32>,
        %gather3A_69 = tpu.vector_load_idx %arg11[%get3A_68] : memref<10048xf32, #tpu.memory_space<vmem>>[vector<16xi32>], vector<16xf32>,
        %add3A_70 = arith.addf %gather3A, %gather3A_69 : vector<16xf32>
        %le3A = arith.constant 0.000000e+00 : f32
        %le3A_71 = vector.broadcast %le3A : f32 to vector<16xf32>
        %le3A_72 = arith.cmpf ole, %add3A_70, %le3A_71 : vector<16xf32>
        %broadcast_in_dim3A = arith.constant 10048 : i32
        %broadcast_in_dim3A_73 = vector.broadcast %broadcast_in_dim3A : i32 to vector<16xi32>
        %broadcast_in_dim3A_74 = arith.constant 0 : i32
        %broadcast_in_dim3A_75 = vector.broadcast %broadcast_in_dim3A_74 : i32 to vector<16xi32>
        %select_n3A_76 = arith.select %le3A_72, %broadcast_in_dim3A_73, %broadcast_in_dim3A_75 : vector<16xi1>, vector<16xi32>
        %add3A_77 = arith.addi %get3A_66, %select_n3A_76 : vector<16xi32>
        %swap3A = arith.constant 0 : index
        %swap3A_78 = tpu.vector_load %arg22[%swap3A] {strides = array<i32>} : memref<128xi32, #tpu.memory_space<vmem>>, vector<16xi32>,
        tpu.vector_store %arg22[%swap3A], %add3A_77 {strides = array<i32>} : memref<128xi32, #tpu.memory_space<vmem>>, vector<16xi32>,
        %add3A_79 = arith.addi %get3A_68, %select_n3A_76 : vector<16xi32>
        %swap3A_80 = arith.constant 0 : index
        %swap3A_81 = tpu.vector_load %arg26[%swap3A_80] {strides = array<i32>} : memref<128xi32, #tpu.memory_space<vmem>>, vector<16xi32>,
        tpu.vector_store %arg26[%swap3A_80], %add3A_79 {strides = array<i32>} : memref<128xi32, #tpu.memory_space<vmem>>, vector<16xi32>,
        %get3A_82 = arith.constant 16 : index
        %get3A_83 = tpu.vector_load %arg14[%get3A_82] {strides = array<i32>} : memref<128xi32, #tpu.memory_space<vmem>>, vector<16xi32>,
        %get3A_84 = arith.constant 16 : index
        %get3A_85 = tpu.vector_load %arg18[%get3A_84] {strides = array<i32>} : memref<128xi32, #tpu.memory_space<vmem>>, vector<16xi32>,
        %gather3A_86 = tpu.vector_load_idx %arg10[%get3A_83] : memref<10048xf32, #tpu.memory_space<vmem>>[vector<16xi32>], vector<16xf32>,
        %gather3A_87 = tpu.vector_load_idx %arg11[%get3A_85] : memref<10048xf32, #tpu.memory_space<vmem>>[vector<16xi32>], vector<16xf32>,
        %add3A_88 = arith.addf %gather3A_86, %gather3A_87 : vector<16xf32>
        %le3A_89 = arith.constant 0.000000e+00 : f32
        %le3A_90 = vector.broadcast %le3A_89 : f32 to vector<16xf32>
        %le3A_91 = arith.cmpf ole, %add3A_88, %le3A_90 : vector<16xf32>
        %broadcast_in_dim3A_92 = arith.constant 10048 : i32
        %broadcast_in_dim3A_93 = vector.broadcast %broadcast_in_dim3A_92 : i32 to vector<16xi32>
        %broadcast_in_dim3A_94 = arith.constant 0 : i32
        %broadcast_in_dim3A_95 = vector.broadcast %broadcast_in_dim3A_94 : i32 to vector<16xi32>
        %select_n3A_96 = arith.select %le3A_91, %broadcast_in_dim3A_93, %broadcast_in_dim3A_95 : vector<16xi1>, vector<16xi32>
        %add3A_97 = arith.addi %get3A_83, %select_n3A_96 : vector<16xi32>
        %swap3A_98 = arith.constant 16 : index
        %swap3A_99 = tpu.vector_load %arg22[%swap3A_98] {strides = array<i32>} : memref<128xi32, #tpu.memory_space<vmem>>, vector<16xi32>,
        tpu.vector_store %arg22[%swap3A_98], %add3A_97 {strides = array<i32>} : memref<128xi32, #tpu.memory_space<vmem>>, vector<16xi32>,
        %add3A_100 = arith.addi %get3A_85, %select_n3A_96 : vector<16xi32>
        %swap3A_101 = arith.constant 16 : index
        %swap3A_102 = tpu.vector_load %arg26[%swap3A_101] {strides = array<i32>} : memref<128xi32, #tpu.memory_space<vmem>>, vector<16xi32>,
        tpu.vector_store %arg26[%swap3A_101], %add3A_100 {strides = array<i32>} : memref<128xi32, #tpu.memory_space<vmem>>, vector<16xi32>,
        %get3A_103 = arith.constant 32 : index
        %get3A_104 = tpu.vector_load %arg14[%get3A_103] {strides = array<i32>} : memref<128xi32, #tpu.memory_space<vmem>>, vector<16xi32>,
        %get3A_105 = arith.constant 32 : index
        %get3A_106 = tpu.vector_load %arg18[%get3A_105] {strides = array<i32>} : memref<128xi32, #tpu.memory_space<vmem>>, vector<16xi32>,
        %gather3A_107 = tpu.vector_load_idx %arg10[%get3A_104] : memref<10048xf32, #tpu.memory_space<vmem>>[vector<16xi32>], vector<16xf32>,
        %gather3A_108 = tpu.vector_load_idx %arg11[%get3A_106] : memref<10048xf32, #tpu.memory_space<vmem>>[vector<16xi32>], vector<16xf32>,
        %add3A_109 = arith.addf %gather3A_107, %gather3A_108 : vector<16xf32>
        %le3A_110 = arith.constant 0.000000e+00 : f32
        %le3A_111 = vector.broadcast %le3A_110 : f32 to vector<16xf32>
        %le3A_112 = arith.cmpf ole, %add3A_109, %le3A_111 : vector<16xf32>
        %broadcast_in_dim3A_113 = arith.constant 10048 : i32
        %broadcast_in_dim3A_114 = vector.broadcast %broadcast_in_dim3A_113 : i32 to vector<16xi32>
        %broadcast_in_dim3A_115 = arith.constant 0 : i32
        %broadcast_in_dim3A_116 = vector.broadcast %broadcast_in_dim3A_115 : i32 to vector<16xi32>
        %select_n3A_117 = arith.select %le3A_112, %broadcast_in_dim3A_114, %broadcast_in_dim3A_116 : vector<16xi1>, vector<16xi32>
        %add3A_118 = arith.addi %get3A_104, %select_n3A_117 : vector<16xi32>
        %swap3A_119 = arith.constant 32 : index
        %swap3A_120 = tpu.vector_load %arg22[%swap3A_119] {strides = array<i32>} : memref<128xi32, #tpu.memory_space<vmem>>, vector<16xi32>,
        tpu.vector_store %arg22[%swap3A_119], %add3A_118 {strides = array<i32>} : memref<128xi32, #tpu.memory_space<vmem>>, vector<16xi32>,
        %add3A_121 = arith.addi %get3A_106, %select_n3A_117 : vector<16xi32>
        %swap3A_122 = arith.constant 32 : index
        %swap3A_123 = tpu.vector_load %arg26[%swap3A_122] {strides = array<i32>} : memref<128xi32, #tpu.memory_space<vmem>>, vector<16xi32>,
        tpu.vector_store %arg26[%swap3A_122], %add3A_121 {strides = array<i32>} : memref<128xi32, #tpu.memory_space<vmem>>, vector<16xi32>,
        %get3A_124 = arith.constant 48 : index
        %get3A_125 = tpu.vector_load %arg14[%get3A_124] {strides = array<i32>} : memref<128xi32, #tpu.memory_space<vmem>>, vector<16xi32>,
        %get3A_126 = arith.constant 48 : index
        %get3A_127 = tpu.vector_load %arg18[%get3A_126] {strides = array<i32>} : memref<128xi32, #tpu.memory_space<vmem>>, vector<16xi32>,
        %gather3A_128 = tpu.vector_load_idx %arg10[%get3A_125] : memref<10048xf32, #tpu.memory_space<vmem>>[vector<16xi32>], vector<16xf32>,
        %gather3A_129 = tpu.vector_load_idx %arg11[%get3A_127] : memref<10048xf32, #tpu.memory_space<vmem>>[vector<16xi32>], vector<16xf32>,
        %add3A_130 = arith.addf %gather3A_128, %gather3A_129 : vector<16xf32>
        %le3A_131 = arith.constant 0.000000e+00 : f32
        %le3A_132 = vector.broadcast %le3A_131 : f32 to vector<16xf32>
        %le3A_133 = arith.cmpf ole, %add3A_130, %le3A_132 : vector<16xf32>
        %broadcast_in_dim3A_134 = arith.constant 10048 : i32
        %broadcast_in_dim3A_135 = vector.broadcast %broadcast_in_dim3A_134 : i32 to vector<16xi32>
        %broadcast_in_dim3A_136 = arith.constant 0 : i32
        %broadcast_in_dim3A_137 = vector.broadcast %broadcast_in_dim3A_136 : i32 to vector<16xi32>
        %select_n3A_138 = arith.select %le3A_133, %broadcast_in_dim3A_135, %broadcast_in_dim3A_137 : vector<16xi1>, vector<16xi32>
        %add3A_139 = arith.addi %get3A_125, %select_n3A_138 : vector<16xi32>
        %swap3A_140 = arith.constant 48 : index
        %swap3A_141 = tpu.vector_load %arg22[%swap3A_140] {strides = array<i32>} : memref<128xi32, #tpu.memory_space<vmem>>, vector<16xi32>,
        tpu.vector_store %arg22[%swap3A_140], %add3A_139 {strides = array<i32>} : memref<128xi32, #tpu.memory_space<vmem>>, vector<16xi32>,
        %add3A_142 = arith.addi %get3A_127, %select_n3A_138 : vector<16xi32>
        %swap3A_143 = arith.constant 48 : index
        %swap3A_144 = tpu.vector_load %arg26[%swap3A_143] {strides = array<i32>} : memref<128xi32, #tpu.memory_space<vmem>>, vector<16xi32>,
        tpu.vector_store %arg26[%swap3A_143], %add3A_142 {strides = array<i32>} : memref<128xi32, #tpu.memory_space<vmem>>, vector<16xi32>,
        %get3A_145 = arith.constant 64 : index
        %get3A_146 = tpu.vector_load %arg14[%get3A_145] {strides = array<i32>} : memref<128xi32, #tpu.memory_space<vmem>>, vector<16xi32>,
        %get3A_147 = arith.constant 64 : index
        %get3A_148 = tpu.vector_load %arg18[%get3A_147] {strides = array<i32>} : memref<128xi32, #tpu.memory_space<vmem>>, vector<16xi32>,
        %gather3A_149 = tpu.vector_load_idx %arg10[%get3A_146] : memref<10048xf32, #tpu.memory_space<vmem>>[vector<16xi32>], vector<16xf32>,
        %gather3A_150 = tpu.vector_load_idx %arg11[%get3A_148] : memref<10048xf32, #tpu.memory_space<vmem>>[vector<16xi32>], vector<16xf32>,
        %add3A_151 = arith.addf %gather3A_149, %gather3A_150 : vector<16xf32>
        %le3A_152 = arith.constant 0.000000e+00 : f32
        %le3A_153 = vector.broadcast %le3A_152 : f32 to vector<16xf32>
        %le3A_154 = arith.cmpf ole, %add3A_151, %le3A_153 : vector<16xf32>
        %broadcast_in_dim3A_155 = arith.constant 10048 : i32
        %broadcast_in_dim3A_156 = vector.broadcast %broadcast_in_dim3A_155 : i32 to vector<16xi32>
        %broadcast_in_dim3A_157 = arith.constant 0 : i32
        %broadcast_in_dim3A_158 = vector.broadcast %broadcast_in_dim3A_157 : i32 to vector<16xi32>
        %select_n3A_159 = arith.select %le3A_154, %broadcast_in_dim3A_156, %broadcast_in_dim3A_158 : vector<16xi1>, vector<16xi32>
        %add3A_160 = arith.addi %get3A_146, %select_n3A_159 : vector<16xi32>
        %swap3A_161 = arith.constant 64 : index
        %swap3A_162 = tpu.vector_load %arg22[%swap3A_161] {strides = array<i32>} : memref<128xi32, #tpu.memory_space<vmem>>, vector<16xi32>,
        tpu.vector_store %arg22[%swap3A_161], %add3A_160 {strides = array<i32>} : memref<128xi32, #tpu.memory_space<vmem>>, vector<16xi32>,
        %add3A_163 = arith.addi %get3A_148, %select_n3A_159 : vector<16xi32>
        %swap3A_164 = arith.constant 64 : index
        %swap3A_165 = tpu.vector_load %arg26[%swap3A_164] {strides = array<i32>} : memref<128xi32, #tpu.memory_space<vmem>>, vector<16xi32>,
        tpu.vector_store %arg26[%swap3A_164], %add3A_163 {strides = array<i32>} : memref<128xi32, #tpu.memory_space<vmem>>, vector<16xi32>,
        %get3A_166 = arith.constant 80 : index
        %get3A_167 = tpu.vector_load %arg14[%get3A_166] {strides = array<i32>} : memref<128xi32, #tpu.memory_space<vmem>>, vector<16xi32>,
        %get3A_168 = arith.constant 80 : index
        %get3A_169 = tpu.vector_load %arg18[%get3A_168] {strides = array<i32>} : memref<128xi32, #tpu.memory_space<vmem>>, vector<16xi32>,
        %gather3A_170 = tpu.vector_load_idx %arg10[%get3A_167] : memref<10048xf32, #tpu.memory_space<vmem>>[vector<16xi32>], vector<16xf32>,
        %gather3A_171 = tpu.vector_load_idx %arg11[%get3A_169] : memref<10048xf32, #tpu.memory_space<vmem>>[vector<16xi32>], vector<16xf32>,
        %add3A_172 = arith.addf %gather3A_170, %gather3A_171 : vector<16xf32>
        %le3A_173 = arith.constant 0.000000e+00 : f32
        %le3A_174 = vector.broadcast %le3A_173 : f32 to vector<16xf32>
        %le3A_175 = arith.cmpf ole, %add3A_172, %le3A_174 : vector<16xf32>
        %broadcast_in_dim3A_176 = arith.constant 10048 : i32
        %broadcast_in_dim3A_177 = vector.broadcast %broadcast_in_dim3A_176 : i32 to vector<16xi32>
        %broadcast_in_dim3A_178 = arith.constant 0 : i32
        %broadcast_in_dim3A_179 = vector.broadcast %broadcast_in_dim3A_178 : i32 to vector<16xi32>
        %select_n3A_180 = arith.select %le3A_175, %broadcast_in_dim3A_177, %broadcast_in_dim3A_179 : vector<16xi1>, vector<16xi32>
        %add3A_181 = arith.addi %get3A_167, %select_n3A_180 : vector<16xi32>
        %swap3A_182 = arith.constant 80 : index
        %swap3A_183 = tpu.vector_load %arg22[%swap3A_182] {strides = array<i32>} : memref<128xi32, #tpu.memory_space<vmem>>, vector<16xi32>,
        tpu.vector_store %arg22[%swap3A_182], %add3A_181 {strides = array<i32>} : memref<128xi32, #tpu.memory_space<vmem>>, vector<16xi32>,
        %add3A_184 = arith.addi %get3A_169, %select_n3A_180 : vector<16xi32>
        %swap3A_185 = arith.constant 80 : index
        %swap3A_186 = tpu.vector_load %arg26[%swap3A_185] {strides = array<i32>} : memref<128xi32, #tpu.memory_space<vmem>>, vector<16xi32>,
        tpu.vector_store %arg26[%swap3A_185], %add3A_184 {strides = array<i32>} : memref<128xi32, #tpu.memory_space<vmem>>, vector<16xi32>,
        %get3A_187 = arith.constant 96 : index
        %get3A_188 = tpu.vector_load %arg14[%get3A_187] {strides = array<i32>} : memref<128xi32, #tpu.memory_space<vmem>>, vector<16xi32>,
        %get3A_189 = arith.constant 96 : index
        %get3A_190 = tpu.vector_load %arg18[%get3A_189] {strides = array<i32>} : memref<128xi32, #tpu.memory_space<vmem>>, vector<16xi32>,
        %gather3A_191 = tpu.vector_load_idx %arg10[%get3A_188] : memref<10048xf32, #tpu.memory_space<vmem>>[vector<16xi32>], vector<16xf32>,
        %gather3A_192 = tpu.vector_load_idx %arg11[%get3A_190] : memref<10048xf32, #tpu.memory_space<vmem>>[vector<16xi32>], vector<16xf32>,
        %add3A_193 = arith.addf %gather3A_191, %gather3A_192 : vector<16xf32>
        %le3A_194 = arith.constant 0.000000e+00 : f32
        %le3A_195 = vector.broadcast %le3A_194 : f32 to vector<16xf32>
        %le3A_196 = arith.cmpf ole, %add3A_193, %le3A_195 : vector<16xf32>
        %broadcast_in_dim3A_197 = arith.constant 10048 : i32
        %broadcast_in_dim3A_198 = vector.broadcast %broadcast_in_dim3A_197 : i32 to vector<16xi32>
        %broadcast_in_dim3A_199 = arith.constant 0 : i32
        %broadcast_in_dim3A_200 = vector.broadcast %broadcast_in_dim3A_199 : i32 to vector<16xi32>
        %select_n3A_201 = arith.select %le3A_196, %broadcast_in_dim3A_198, %broadcast_in_dim3A_200 : vector<16xi1>, vector<16xi32>
        %add3A_202 = arith.addi %get3A_188, %select_n3A_201 : vector<16xi32>
        %swap3A_203 = arith.constant 96 : index
        %swap3A_204 = tpu.vector_load %arg22[%swap3A_203] {strides = array<i32>} : memref<128xi32, #tpu.memory_space<vmem>>, vector<16xi32>,
        tpu.vector_store %arg22[%swap3A_203], %add3A_202 {strides = array<i32>} : memref<128xi32, #tpu.memory_space<vmem>>, vector<16xi32>,
        %add3A_205 = arith.addi %get3A_190, %select_n3A_201 : vector<16xi32>
        %swap3A_206 = arith.constant 96 : index
        %swap3A_207 = tpu.vector_load %arg26[%swap3A_206] {strides = array<i32>} : memref<128xi32, #tpu.memory_space<vmem>>, vector<16xi32>,
        tpu.vector_store %arg26[%swap3A_206], %add3A_205 {strides = array<i32>} : memref<128xi32, #tpu.memory_space<vmem>>, vector<16xi32>,
        %get3A_208 = arith.constant 112 : index
        %get3A_209 = tpu.vector_load %arg14[%get3A_208] {strides = array<i32>} : memref<128xi32, #tpu.memory_space<vmem>>, vector<16xi32>,
        %get3A_210 = arith.constant 112 : index
        %get3A_211 = tpu.vector_load %arg18[%get3A_210] {strides = array<i32>} : memref<128xi32, #tpu.memory_space<vmem>>, vector<16xi32>,
        %gather3A_212 = tpu.vector_load_idx %arg10[%get3A_209] : memref<10048xf32, #tpu.memory_space<vmem>>[vector<16xi32>], vector<16xf32>,
        %gather3A_213 = tpu.vector_load_idx %arg11[%get3A_211] : memref<10048xf32, #tpu.memory_space<vmem>>[vector<16xi32>], vector<16xf32>,
        %add3A_214 = arith.addf %gather3A_212, %gather3A_213 : vector<16xf32>
        %le3A_215 = arith.constant 0.000000e+00 : f32
        %le3A_216 = vector.broadcast %le3A_215 : f32 to vector<16xf32>
        %le3A_217 = arith.cmpf ole, %add3A_214, %le3A_216 : vector<16xf32>
        %broadcast_in_dim3A_218 = arith.constant 10048 : i32
        %broadcast_in_dim3A_219 = vector.broadcast %broadcast_in_dim3A_218 : i32 to vector<16xi32>
        %broadcast_in_dim3A_220 = arith.constant 0 : i32
        %broadcast_in_dim3A_221 = vector.broadcast %broadcast_in_dim3A_220 : i32 to vector<16xi32>
        %select_n3A_222 = arith.select %le3A_217, %broadcast_in_dim3A_219, %broadcast_in_dim3A_221 : vector<16xi1>, vector<16xi32>
        %add3A_223 = arith.addi %get3A_209, %select_n3A_222 : vector<16xi32>
        %swap3A_224 = arith.constant 112 : index
        %swap3A_225 = tpu.vector_load %arg22[%swap3A_224] {strides = array<i32>} : memref<128xi32, #tpu.memory_space<vmem>>, vector<16xi32>,
        tpu.vector_store %arg22[%swap3A_224], %add3A_223 {strides = array<i32>} : memref<128xi32, #tpu.memory_space<vmem>>, vector<16xi32>,
        %add3A_226 = arith.addi %get3A_211, %select_n3A_222 : vector<16xi32>
        %swap3A_227 = arith.constant 112 : index
        %swap3A_228 = tpu.vector_load %arg26[%swap3A_227] {strides = array<i32>} : memref<128xi32, #tpu.memory_space<vmem>>, vector<16xi32>,
        tpu.vector_store %arg26[%swap3A_227], %add3A_226 {strides = array<i32>} : memref<128xi32, #tpu.memory_space<vmem>>, vector<16xi32>,
        %ge3A = arith.constant 2 : i32
        %ge3A_229 = arith.cmpi sge, %add3A_41, %ge3A : i32
        %convert_element_type3A_230 = arith.extui %ge3A_229 : i1 to i32
        %cond3A_231 = arith.constant 0 : i32
        %cond3A_232 = arith.cmpi ne, %convert_element_type3A_230, %cond3A_231 : i32
        scf.if %cond3A_232 {
          %dma_wait3A_242 = arith.constant 0 : i32
          %dma_wait3A_243 = arith.constant 0 : i32
          %dma_wait3A_244 = tpu.memref_slice %arg9[%dma_wait3A_242, %dma_wait3A_243] : memref<20096x72xf32, #tpu.memory_space<vmem_shared>> -> memref<20096x72xf32, #tpu.memory_space<vmem_shared>>
          tpu.wait_indirect_dma semaphore(%arg33 : memref<!tpu.dma_semaphore, #tpu.memory_space<semaphore_mem>>) src(%arg28 : memref<128x72xf32, #tpu.memory_space<vmem>>) dst(%dma_wait3A_244 : memref<20096x72xf32, #tpu.memory_space<vmem_shared>>)
        } else {
        }
        %dma_start3A_233 = arith.constant 0 : i32
        %dma_start3A_234 = arith.constant 0 : i32
        %dma_start3A_235 = tpu.memref_slice %arg2[%dma_start3A_233, %dma_start3A_234] : memref<20096x72xf32, #tpu.memory_space<hbm>> -> memref<20096x72xf32, #tpu.memory_space<hbm>>
        tpu.enqueue_indirect_dma source(%dma_start3A_235 : memref<20096x72xf32, #tpu.memory_space<hbm>>) target(%arg28 : memref<128x72xf32, #tpu.memory_space<vmem>>) offsets(%arg22 : memref<128xi32, #tpu.memory_space<vmem>>) semaphore(%arg32 : memref<!tpu.dma_semaphore, #tpu.memory_space<semaphore_mem>>)
        %dma_wait3A_236 = arith.constant 0 : i32
        %dma_wait3A_237 = arith.constant 0 : i32
        %dma_wait3A_238 = tpu.memref_slice %arg2[%dma_wait3A_236, %dma_wait3A_237] : memref<20096x72xf32, #tpu.memory_space<hbm>> -> memref<20096x72xf32, #tpu.memory_space<hbm>>
        tpu.wait_indirect_dma semaphore(%arg32 : memref<!tpu.dma_semaphore, #tpu.memory_space<semaphore_mem>>) src(%dma_wait3A_238 : memref<20096x72xf32, #tpu.memory_space<hbm>>) dst(%arg28 : memref<128x72xf32, #tpu.memory_space<vmem>>)
        %dma_start3A_239 = arith.constant 0 : i32
        %dma_start3A_240 = arith.constant 0 : i32
        %dma_start3A_241 = tpu.memref_slice %arg9[%dma_start3A_239, %dma_start3A_240] : memref<20096x72xf32, #tpu.memory_space<vmem_shared>> -> memref<20096x72xf32, #tpu.memory_space<vmem_shared>>
        tpu.enqueue_indirect_dma source(%arg28 : memref<128x72xf32, #tpu.memory_space<vmem>>) target(%dma_start3A_241 : memref<20096x72xf32, #tpu.memory_space<vmem_shared>>) offsets(%arg26 : memref<128xi32, #tpu.memory_space<vmem>>) semaphore(%arg33 : memref<!tpu.dma_semaphore, #tpu.memory_space<semaphore_mem>>) {add = true}
      } else {
      }
      %add3A_46 = arith.constant 3 : i32
      %add3A_47 = arith.addi %mul3A_29, %add3A_46 : i32
      %lt3A_48 = arith.cmpi slt, %add3A_47, %select_n3A : i32
      %convert_element_type3A_49 = arith.extui %lt3A_48 : i1 to i32
      %cond3A_50 = arith.constant 0 : i32
      %cond3A_51 = arith.cmpi ne, %convert_element_type3A_49, %cond3A_50 : i32
      scf.if %cond3A_51 {
        %add3A_52 = arith.constant 1 : i32
        %add3A_53 = arith.addi %add3A_47, %add3A_52 : i32
        %lt3A_54 = arith.cmpi slt, %add3A_53, %select_n3A : i32
        %convert_element_type3A_55 = arith.extui %lt3A_54 : i1 to i32
        %cond3A_56 = arith.constant 0 : i32
        %cond3A_57 = arith.cmpi ne, %convert_element_type3A_55, %cond3A_56 : i32
        scf.if %cond3A_57 {
          %add3A_242 = arith.constant 1 : i32
          %add3A_243 = arith.addi %add3A_47, %add3A_242 : i32
          %mul3A_244 = arith.constant 32 : i32
          %mul3A_245 = arith.muli %add3A_243, %mul3A_244 : i32
          %add3A_246 = arith.addi %add3A, %mul3A_245 : i32
          %mul3A_247 = arith.constant 128 : i32
          %mul3A_248 = arith.muli %add3A_246, %mul3A_247 : i32
          %dma_start3A_249 = tpu.memref_slice %arg5[%mul3A_248] : memref<320000xi32, #tpu.memory_space<hbm>> -> memref<128xi32, #tpu.memory_space<hbm>>
          %dma_start3A_250 = tpu.memref_slice %arg5[%mul3A_248] : memref<320000xi32, #tpu.memory_space<hbm>> -> memref<128xi32, #tpu.memory_space<hbm>>
          tpu.enqueue_dma source(%dma_start3A_250 : memref<128xi32, #tpu.memory_space<hbm>>) target(%arg12 : memref<128xi32, #tpu.memory_space<vmem>>) target_semaphore(%arg30 : memref<!tpu.dma_semaphore, #tpu.memory_space<semaphore_mem>>)
          %dma_start3A_251 = tpu.memref_slice %arg6[%mul3A_248] : memref<320000xi32, #tpu.memory_space<hbm>> -> memref<128xi32, #tpu.memory_space<hbm>>
          %dma_start3A_252 = tpu.memref_slice %arg6[%mul3A_248] : memref<320000xi32, #tpu.memory_space<hbm>> -> memref<128xi32, #tpu.memory_space<hbm>>
          tpu.enqueue_dma source(%dma_start3A_252 : memref<128xi32, #tpu.memory_space<hbm>>) target(%arg16 : memref<128xi32, #tpu.memory_space<vmem>>) target_semaphore(%arg30 : memref<!tpu.dma_semaphore, #tpu.memory_space<semaphore_mem>>)
        } else {
        }
        %dma_wait3A_58 = arith.constant 0 : i32
        %dma_wait3A_59 = tpu.memref_slice %arg5[%dma_wait3A_58] : memref<320000xi32, #tpu.memory_space<hbm>> -> memref<128xi32, #tpu.memory_space<hbm>>
        %dma_wait3A_60 = arith.constant 0 : i32
        %dma_wait3A_61 = tpu.memref_slice %arg5[%dma_wait3A_60] : memref<320000xi32, #tpu.memory_space<hbm>> -> memref<128xi32, #tpu.memory_space<hbm>>
        tpu.wait_dma2 semaphore(%arg31 : memref<!tpu.dma_semaphore, #tpu.memory_space<semaphore_mem>>) src(%dma_wait3A_61 : memref<128xi32, #tpu.memory_space<hbm>>) dst(%arg15 : memref<128xi32, #tpu.memory_space<vmem>>)
        %dma_wait3A_62 = arith.constant 0 : i32
        %dma_wait3A_63 = tpu.memref_slice %arg6[%dma_wait3A_62] : memref<320000xi32, #tpu.memory_space<hbm>> -> memref<128xi32, #tpu.memory_space<hbm>>
        %dma_wait3A_64 = arith.constant 0 : i32
        %dma_wait3A_65 = tpu.memref_slice %arg6[%dma_wait3A_64] : memref<320000xi32, #tpu.memory_space<hbm>> -> memref<128xi32, #tpu.memory_space<hbm>>
        tpu.wait_dma2 semaphore(%arg31 : memref<!tpu.dma_semaphore, #tpu.memory_space<semaphore_mem>>) src(%dma_wait3A_65 : memref<128xi32, #tpu.memory_space<hbm>>) dst(%arg19 : memref<128xi32, #tpu.memory_space<vmem>>)
        %get3A = arith.constant 0 : index
        %get3A_66 = tpu.vector_load %arg15[%get3A] {strides = array<i32>} : memref<128xi32, #tpu.memory_space<vmem>>, vector<16xi32>,
        %get3A_67 = arith.constant 0 : index
        %get3A_68 = tpu.vector_load %arg19[%get3A_67] {strides = array<i32>} : memref<128xi32, #tpu.memory_space<vmem>>, vector<16xi32>,
        %gather3A = tpu.vector_load_idx %arg10[%get3A_66] : memref<10048xf32, #tpu.memory_space<vmem>>[vector<16xi32>], vector<16xf32>,
        %gather3A_69 = tpu.vector_load_idx %arg11[%get3A_68] : memref<10048xf32, #tpu.memory_space<vmem>>[vector<16xi32>], vector<16xf32>,
        %add3A_70 = arith.addf %gather3A, %gather3A_69 : vector<16xf32>
        %le3A = arith.constant 0.000000e+00 : f32
        %le3A_71 = vector.broadcast %le3A : f32 to vector<16xf32>
        %le3A_72 = arith.cmpf ole, %add3A_70, %le3A_71 : vector<16xf32>
        %broadcast_in_dim3A = arith.constant 10048 : i32
        %broadcast_in_dim3A_73 = vector.broadcast %broadcast_in_dim3A : i32 to vector<16xi32>
        %broadcast_in_dim3A_74 = arith.constant 0 : i32
        %broadcast_in_dim3A_75 = vector.broadcast %broadcast_in_dim3A_74 : i32 to vector<16xi32>
        %select_n3A_76 = arith.select %le3A_72, %broadcast_in_dim3A_73, %broadcast_in_dim3A_75 : vector<16xi1>, vector<16xi32>
        %add3A_77 = arith.addi %get3A_66, %select_n3A_76 : vector<16xi32>
        %swap3A = arith.constant 0 : index
        %swap3A_78 = tpu.vector_load %arg23[%swap3A] {strides = array<i32>} : memref<128xi32, #tpu.memory_space<vmem>>, vector<16xi32>,
        tpu.vector_store %arg23[%swap3A], %add3A_77 {strides = array<i32>} : memref<128xi32, #tpu.memory_space<vmem>>, vector<16xi32>,
        %add3A_79 = arith.addi %get3A_68, %select_n3A_76 : vector<16xi32>
        %swap3A_80 = arith.constant 0 : index
        %swap3A_81 = tpu.vector_load %arg27[%swap3A_80] {strides = array<i32>} : memref<128xi32, #tpu.memory_space<vmem>>, vector<16xi32>,
        tpu.vector_store %arg27[%swap3A_80], %add3A_79 {strides = array<i32>} : memref<128xi32, #tpu.memory_space<vmem>>, vector<16xi32>,
        %get3A_82 = arith.constant 16 : index
        %get3A_83 = tpu.vector_load %arg15[%get3A_82] {strides = array<i32>} : memref<128xi32, #tpu.memory_space<vmem>>, vector<16xi32>,
        %get3A_84 = arith.constant 16 : index
        %get3A_85 = tpu.vector_load %arg19[%get3A_84] {strides = array<i32>} : memref<128xi32, #tpu.memory_space<vmem>>, vector<16xi32>,
        %gather3A_86 = tpu.vector_load_idx %arg10[%get3A_83] : memref<10048xf32, #tpu.memory_space<vmem>>[vector<16xi32>], vector<16xf32>,
        %gather3A_87 = tpu.vector_load_idx %arg11[%get3A_85] : memref<10048xf32, #tpu.memory_space<vmem>>[vector<16xi32>], vector<16xf32>,
        %add3A_88 = arith.addf %gather3A_86, %gather3A_87 : vector<16xf32>
        %le3A_89 = arith.constant 0.000000e+00 : f32
        %le3A_90 = vector.broadcast %le3A_89 : f32 to vector<16xf32>
        %le3A_91 = arith.cmpf ole, %add3A_88, %le3A_90 : vector<16xf32>
        %broadcast_in_dim3A_92 = arith.constant 10048 : i32
        %broadcast_in_dim3A_93 = vector.broadcast %broadcast_in_dim3A_92 : i32 to vector<16xi32>
        %broadcast_in_dim3A_94 = arith.constant 0 : i32
        %broadcast_in_dim3A_95 = vector.broadcast %broadcast_in_dim3A_94 : i32 to vector<16xi32>
        %select_n3A_96 = arith.select %le3A_91, %broadcast_in_dim3A_93, %broadcast_in_dim3A_95 : vector<16xi1>, vector<16xi32>
        %add3A_97 = arith.addi %get3A_83, %select_n3A_96 : vector<16xi32>
        %swap3A_98 = arith.constant 16 : index
        %swap3A_99 = tpu.vector_load %arg23[%swap3A_98] {strides = array<i32>} : memref<128xi32, #tpu.memory_space<vmem>>, vector<16xi32>,
        tpu.vector_store %arg23[%swap3A_98], %add3A_97 {strides = array<i32>} : memref<128xi32, #tpu.memory_space<vmem>>, vector<16xi32>,
        %add3A_100 = arith.addi %get3A_85, %select_n3A_96 : vector<16xi32>
        %swap3A_101 = arith.constant 16 : index
        %swap3A_102 = tpu.vector_load %arg27[%swap3A_101] {strides = array<i32>} : memref<128xi32, #tpu.memory_space<vmem>>, vector<16xi32>,
        tpu.vector_store %arg27[%swap3A_101], %add3A_100 {strides = array<i32>} : memref<128xi32, #tpu.memory_space<vmem>>, vector<16xi32>,
        %get3A_103 = arith.constant 32 : index
        %get3A_104 = tpu.vector_load %arg15[%get3A_103] {strides = array<i32>} : memref<128xi32, #tpu.memory_space<vmem>>, vector<16xi32>,
        %get3A_105 = arith.constant 32 : index
        %get3A_106 = tpu.vector_load %arg19[%get3A_105] {strides = array<i32>} : memref<128xi32, #tpu.memory_space<vmem>>, vector<16xi32>,
        %gather3A_107 = tpu.vector_load_idx %arg10[%get3A_104] : memref<10048xf32, #tpu.memory_space<vmem>>[vector<16xi32>], vector<16xf32>,
        %gather3A_108 = tpu.vector_load_idx %arg11[%get3A_106] : memref<10048xf32, #tpu.memory_space<vmem>>[vector<16xi32>], vector<16xf32>,
        %add3A_109 = arith.addf %gather3A_107, %gather3A_108 : vector<16xf32>
        %le3A_110 = arith.constant 0.000000e+00 : f32
        %le3A_111 = vector.broadcast %le3A_110 : f32 to vector<16xf32>
        %le3A_112 = arith.cmpf ole, %add3A_109, %le3A_111 : vector<16xf32>
        %broadcast_in_dim3A_113 = arith.constant 10048 : i32
        %broadcast_in_dim3A_114 = vector.broadcast %broadcast_in_dim3A_113 : i32 to vector<16xi32>
        %broadcast_in_dim3A_115 = arith.constant 0 : i32
        %broadcast_in_dim3A_116 = vector.broadcast %broadcast_in_dim3A_115 : i32 to vector<16xi32>
        %select_n3A_117 = arith.select %le3A_112, %broadcast_in_dim3A_114, %broadcast_in_dim3A_116 : vector<16xi1>, vector<16xi32>
        %add3A_118 = arith.addi %get3A_104, %select_n3A_117 : vector<16xi32>
        %swap3A_119 = arith.constant 32 : index
        %swap3A_120 = tpu.vector_load %arg23[%swap3A_119] {strides = array<i32>} : memref<128xi32, #tpu.memory_space<vmem>>, vector<16xi32>,
        tpu.vector_store %arg23[%swap3A_119], %add3A_118 {strides = array<i32>} : memref<128xi32, #tpu.memory_space<vmem>>, vector<16xi32>,
        %add3A_121 = arith.addi %get3A_106, %select_n3A_117 : vector<16xi32>
        %swap3A_122 = arith.constant 32 : index
        %swap3A_123 = tpu.vector_load %arg27[%swap3A_122] {strides = array<i32>} : memref<128xi32, #tpu.memory_space<vmem>>, vector<16xi32>,
        tpu.vector_store %arg27[%swap3A_122], %add3A_121 {strides = array<i32>} : memref<128xi32, #tpu.memory_space<vmem>>, vector<16xi32>,
        %get3A_124 = arith.constant 48 : index
        %get3A_125 = tpu.vector_load %arg15[%get3A_124] {strides = array<i32>} : memref<128xi32, #tpu.memory_space<vmem>>, vector<16xi32>,
        %get3A_126 = arith.constant 48 : index
        %get3A_127 = tpu.vector_load %arg19[%get3A_126] {strides = array<i32>} : memref<128xi32, #tpu.memory_space<vmem>>, vector<16xi32>,
        %gather3A_128 = tpu.vector_load_idx %arg10[%get3A_125] : memref<10048xf32, #tpu.memory_space<vmem>>[vector<16xi32>], vector<16xf32>,
        %gather3A_129 = tpu.vector_load_idx %arg11[%get3A_127] : memref<10048xf32, #tpu.memory_space<vmem>>[vector<16xi32>], vector<16xf32>,
        %add3A_130 = arith.addf %gather3A_128, %gather3A_129 : vector<16xf32>
        %le3A_131 = arith.constant 0.000000e+00 : f32
        %le3A_132 = vector.broadcast %le3A_131 : f32 to vector<16xf32>
        %le3A_133 = arith.cmpf ole, %add3A_130, %le3A_132 : vector<16xf32>
        %broadcast_in_dim3A_134 = arith.constant 10048 : i32
        %broadcast_in_dim3A_135 = vector.broadcast %broadcast_in_dim3A_134 : i32 to vector<16xi32>
        %broadcast_in_dim3A_136 = arith.constant 0 : i32
        %broadcast_in_dim3A_137 = vector.broadcast %broadcast_in_dim3A_136 : i32 to vector<16xi32>
        %select_n3A_138 = arith.select %le3A_133, %broadcast_in_dim3A_135, %broadcast_in_dim3A_137 : vector<16xi1>, vector<16xi32>
        %add3A_139 = arith.addi %get3A_125, %select_n3A_138 : vector<16xi32>
        %swap3A_140 = arith.constant 48 : index
        %swap3A_141 = tpu.vector_load %arg23[%swap3A_140] {strides = array<i32>} : memref<128xi32, #tpu.memory_space<vmem>>, vector<16xi32>,
        tpu.vector_store %arg23[%swap3A_140], %add3A_139 {strides = array<i32>} : memref<128xi32, #tpu.memory_space<vmem>>, vector<16xi32>,
        %add3A_142 = arith.addi %get3A_127, %select_n3A_138 : vector<16xi32>
        %swap3A_143 = arith.constant 48 : index
        %swap3A_144 = tpu.vector_load %arg27[%swap3A_143] {strides = array<i32>} : memref<128xi32, #tpu.memory_space<vmem>>, vector<16xi32>,
        tpu.vector_store %arg27[%swap3A_143], %add3A_142 {strides = array<i32>} : memref<128xi32, #tpu.memory_space<vmem>>, vector<16xi32>,
        %get3A_145 = arith.constant 64 : index
        %get3A_146 = tpu.vector_load %arg15[%get3A_145] {strides = array<i32>} : memref<128xi32, #tpu.memory_space<vmem>>, vector<16xi32>,
        %get3A_147 = arith.constant 64 : index
        %get3A_148 = tpu.vector_load %arg19[%get3A_147] {strides = array<i32>} : memref<128xi32, #tpu.memory_space<vmem>>, vector<16xi32>,
        %gather3A_149 = tpu.vector_load_idx %arg10[%get3A_146] : memref<10048xf32, #tpu.memory_space<vmem>>[vector<16xi32>], vector<16xf32>,
        %gather3A_150 = tpu.vector_load_idx %arg11[%get3A_148] : memref<10048xf32, #tpu.memory_space<vmem>>[vector<16xi32>], vector<16xf32>,
        %add3A_151 = arith.addf %gather3A_149, %gather3A_150 : vector<16xf32>
        %le3A_152 = arith.constant 0.000000e+00 : f32
        %le3A_153 = vector.broadcast %le3A_152 : f32 to vector<16xf32>
        %le3A_154 = arith.cmpf ole, %add3A_151, %le3A_153 : vector<16xf32>
        %broadcast_in_dim3A_155 = arith.constant 10048 : i32
        %broadcast_in_dim3A_156 = vector.broadcast %broadcast_in_dim3A_155 : i32 to vector<16xi32>
        %broadcast_in_dim3A_157 = arith.constant 0 : i32
        %broadcast_in_dim3A_158 = vector.broadcast %broadcast_in_dim3A_157 : i32 to vector<16xi32>
        %select_n3A_159 = arith.select %le3A_154, %broadcast_in_dim3A_156, %broadcast_in_dim3A_158 : vector<16xi1>, vector<16xi32>
        %add3A_160 = arith.addi %get3A_146, %select_n3A_159 : vector<16xi32>
        %swap3A_161 = arith.constant 64 : index
        %swap3A_162 = tpu.vector_load %arg23[%swap3A_161] {strides = array<i32>} : memref<128xi32, #tpu.memory_space<vmem>>, vector<16xi32>,
        tpu.vector_store %arg23[%swap3A_161], %add3A_160 {strides = array<i32>} : memref<128xi32, #tpu.memory_space<vmem>>, vector<16xi32>,
        %add3A_163 = arith.addi %get3A_148, %select_n3A_159 : vector<16xi32>
        %swap3A_164 = arith.constant 64 : index
        %swap3A_165 = tpu.vector_load %arg27[%swap3A_164] {strides = array<i32>} : memref<128xi32, #tpu.memory_space<vmem>>, vector<16xi32>,
        tpu.vector_store %arg27[%swap3A_164], %add3A_163 {strides = array<i32>} : memref<128xi32, #tpu.memory_space<vmem>>, vector<16xi32>,
        %get3A_166 = arith.constant 80 : index
        %get3A_167 = tpu.vector_load %arg15[%get3A_166] {strides = array<i32>} : memref<128xi32, #tpu.memory_space<vmem>>, vector<16xi32>,
        %get3A_168 = arith.constant 80 : index
        %get3A_169 = tpu.vector_load %arg19[%get3A_168] {strides = array<i32>} : memref<128xi32, #tpu.memory_space<vmem>>, vector<16xi32>,
        %gather3A_170 = tpu.vector_load_idx %arg10[%get3A_167] : memref<10048xf32, #tpu.memory_space<vmem>>[vector<16xi32>], vector<16xf32>,
        %gather3A_171 = tpu.vector_load_idx %arg11[%get3A_169] : memref<10048xf32, #tpu.memory_space<vmem>>[vector<16xi32>], vector<16xf32>,
        %add3A_172 = arith.addf %gather3A_170, %gather3A_171 : vector<16xf32>
        %le3A_173 = arith.constant 0.000000e+00 : f32
        %le3A_174 = vector.broadcast %le3A_173 : f32 to vector<16xf32>
        %le3A_175 = arith.cmpf ole, %add3A_172, %le3A_174 : vector<16xf32>
        %broadcast_in_dim3A_176 = arith.constant 10048 : i32
        %broadcast_in_dim3A_177 = vector.broadcast %broadcast_in_dim3A_176 : i32 to vector<16xi32>
        %broadcast_in_dim3A_178 = arith.constant 0 : i32
        %broadcast_in_dim3A_179 = vector.broadcast %broadcast_in_dim3A_178 : i32 to vector<16xi32>
        %select_n3A_180 = arith.select %le3A_175, %broadcast_in_dim3A_177, %broadcast_in_dim3A_179 : vector<16xi1>, vector<16xi32>
        %add3A_181 = arith.addi %get3A_167, %select_n3A_180 : vector<16xi32>
        %swap3A_182 = arith.constant 80 : index
        %swap3A_183 = tpu.vector_load %arg23[%swap3A_182] {strides = array<i32>} : memref<128xi32, #tpu.memory_space<vmem>>, vector<16xi32>,
        tpu.vector_store %arg23[%swap3A_182], %add3A_181 {strides = array<i32>} : memref<128xi32, #tpu.memory_space<vmem>>, vector<16xi32>,
        %add3A_184 = arith.addi %get3A_169, %select_n3A_180 : vector<16xi32>
        %swap3A_185 = arith.constant 80 : index
        %swap3A_186 = tpu.vector_load %arg27[%swap3A_185] {strides = array<i32>} : memref<128xi32, #tpu.memory_space<vmem>>, vector<16xi32>,
        tpu.vector_store %arg27[%swap3A_185], %add3A_184 {strides = array<i32>} : memref<128xi32, #tpu.memory_space<vmem>>, vector<16xi32>,
        %get3A_187 = arith.constant 96 : index
        %get3A_188 = tpu.vector_load %arg15[%get3A_187] {strides = array<i32>} : memref<128xi32, #tpu.memory_space<vmem>>, vector<16xi32>,
        %get3A_189 = arith.constant 96 : index
        %get3A_190 = tpu.vector_load %arg19[%get3A_189] {strides = array<i32>} : memref<128xi32, #tpu.memory_space<vmem>>, vector<16xi32>,
        %gather3A_191 = tpu.vector_load_idx %arg10[%get3A_188] : memref<10048xf32, #tpu.memory_space<vmem>>[vector<16xi32>], vector<16xf32>,
        %gather3A_192 = tpu.vector_load_idx %arg11[%get3A_190] : memref<10048xf32, #tpu.memory_space<vmem>>[vector<16xi32>], vector<16xf32>,
        %add3A_193 = arith.addf %gather3A_191, %gather3A_192 : vector<16xf32>
        %le3A_194 = arith.constant 0.000000e+00 : f32
        %le3A_195 = vector.broadcast %le3A_194 : f32 to vector<16xf32>
        %le3A_196 = arith.cmpf ole, %add3A_193, %le3A_195 : vector<16xf32>
        %broadcast_in_dim3A_197 = arith.constant 10048 : i32
        %broadcast_in_dim3A_198 = vector.broadcast %broadcast_in_dim3A_197 : i32 to vector<16xi32>
        %broadcast_in_dim3A_199 = arith.constant 0 : i32
        %broadcast_in_dim3A_200 = vector.broadcast %broadcast_in_dim3A_199 : i32 to vector<16xi32>
        %select_n3A_201 = arith.select %le3A_196, %broadcast_in_dim3A_198, %broadcast_in_dim3A_200 : vector<16xi1>, vector<16xi32>
        %add3A_202 = arith.addi %get3A_188, %select_n3A_201 : vector<16xi32>
        %swap3A_203 = arith.constant 96 : index
        %swap3A_204 = tpu.vector_load %arg23[%swap3A_203] {strides = array<i32>} : memref<128xi32, #tpu.memory_space<vmem>>, vector<16xi32>,
        tpu.vector_store %arg23[%swap3A_203], %add3A_202 {strides = array<i32>} : memref<128xi32, #tpu.memory_space<vmem>>, vector<16xi32>,
        %add3A_205 = arith.addi %get3A_190, %select_n3A_201 : vector<16xi32>
        %swap3A_206 = arith.constant 96 : index
        %swap3A_207 = tpu.vector_load %arg27[%swap3A_206] {strides = array<i32>} : memref<128xi32, #tpu.memory_space<vmem>>, vector<16xi32>,
        tpu.vector_store %arg27[%swap3A_206], %add3A_205 {strides = array<i32>} : memref<128xi32, #tpu.memory_space<vmem>>, vector<16xi32>,
        %get3A_208 = arith.constant 112 : index
        %get3A_209 = tpu.vector_load %arg15[%get3A_208] {strides = array<i32>} : memref<128xi32, #tpu.memory_space<vmem>>, vector<16xi32>,
        %get3A_210 = arith.constant 112 : index
        %get3A_211 = tpu.vector_load %arg19[%get3A_210] {strides = array<i32>} : memref<128xi32, #tpu.memory_space<vmem>>, vector<16xi32>,
        %gather3A_212 = tpu.vector_load_idx %arg10[%get3A_209] : memref<10048xf32, #tpu.memory_space<vmem>>[vector<16xi32>], vector<16xf32>,
        %gather3A_213 = tpu.vector_load_idx %arg11[%get3A_211] : memref<10048xf32, #tpu.memory_space<vmem>>[vector<16xi32>], vector<16xf32>,
        %add3A_214 = arith.addf %gather3A_212, %gather3A_213 : vector<16xf32>
        %le3A_215 = arith.constant 0.000000e+00 : f32
        %le3A_216 = vector.broadcast %le3A_215 : f32 to vector<16xf32>
        %le3A_217 = arith.cmpf ole, %add3A_214, %le3A_216 : vector<16xf32>
        %broadcast_in_dim3A_218 = arith.constant 10048 : i32
        %broadcast_in_dim3A_219 = vector.broadcast %broadcast_in_dim3A_218 : i32 to vector<16xi32>
        %broadcast_in_dim3A_220 = arith.constant 0 : i32
        %broadcast_in_dim3A_221 = vector.broadcast %broadcast_in_dim3A_220 : i32 to vector<16xi32>
        %select_n3A_222 = arith.select %le3A_217, %broadcast_in_dim3A_219, %broadcast_in_dim3A_221 : vector<16xi1>, vector<16xi32>
        %add3A_223 = arith.addi %get3A_209, %select_n3A_222 : vector<16xi32>
        %swap3A_224 = arith.constant 112 : index
        %swap3A_225 = tpu.vector_load %arg23[%swap3A_224] {strides = array<i32>} : memref<128xi32, #tpu.memory_space<vmem>>, vector<16xi32>,
        tpu.vector_store %arg23[%swap3A_224], %add3A_223 {strides = array<i32>} : memref<128xi32, #tpu.memory_space<vmem>>, vector<16xi32>,
        %add3A_226 = arith.addi %get3A_211, %select_n3A_222 : vector<16xi32>
        %swap3A_227 = arith.constant 112 : index
        %swap3A_228 = tpu.vector_load %arg27[%swap3A_227] {strides = array<i32>} : memref<128xi32, #tpu.memory_space<vmem>>, vector<16xi32>,
        tpu.vector_store %arg27[%swap3A_227], %add3A_226 {strides = array<i32>} : memref<128xi32, #tpu.memory_space<vmem>>, vector<16xi32>,
        %ge3A = arith.constant 2 : i32
        %ge3A_229 = arith.cmpi sge, %add3A_47, %ge3A : i32
        %convert_element_type3A_230 = arith.extui %ge3A_229 : i1 to i32
        %cond3A_231 = arith.constant 0 : i32
        %cond3A_232 = arith.cmpi ne, %convert_element_type3A_230, %cond3A_231 : i32
        scf.if %cond3A_232 {
          %dma_wait3A_242 = arith.constant 0 : i32
          %dma_wait3A_243 = arith.constant 0 : i32
          %dma_wait3A_244 = tpu.memref_slice %arg9[%dma_wait3A_242, %dma_wait3A_243] : memref<20096x72xf32, #tpu.memory_space<vmem_shared>> -> memref<20096x72xf32, #tpu.memory_space<vmem_shared>>
          tpu.wait_indirect_dma semaphore(%arg34 : memref<!tpu.dma_semaphore, #tpu.memory_space<semaphore_mem>>) src(%arg29 : memref<128x72xf32, #tpu.memory_space<vmem>>) dst(%dma_wait3A_244 : memref<20096x72xf32, #tpu.memory_space<vmem_shared>>)
        } else {
        }
        %dma_start3A_233 = arith.constant 0 : i32
        %dma_start3A_234 = arith.constant 0 : i32
        %dma_start3A_235 = tpu.memref_slice %arg2[%dma_start3A_233, %dma_start3A_234] : memref<20096x72xf32, #tpu.memory_space<hbm>> -> memref<20096x72xf32, #tpu.memory_space<hbm>>
        tpu.enqueue_indirect_dma source(%dma_start3A_235 : memref<20096x72xf32, #tpu.memory_space<hbm>>) target(%arg29 : memref<128x72xf32, #tpu.memory_space<vmem>>) offsets(%arg23 : memref<128xi32, #tpu.memory_space<vmem>>) semaphore(%arg32 : memref<!tpu.dma_semaphore, #tpu.memory_space<semaphore_mem>>)
        %dma_wait3A_236 = arith.constant 0 : i32
        %dma_wait3A_237 = arith.constant 0 : i32
        %dma_wait3A_238 = tpu.memref_slice %arg2[%dma_wait3A_236, %dma_wait3A_237] : memref<20096x72xf32, #tpu.memory_space<hbm>> -> memref<20096x72xf32, #tpu.memory_space<hbm>>
        tpu.wait_indirect_dma semaphore(%arg32 : memref<!tpu.dma_semaphore, #tpu.memory_space<semaphore_mem>>) src(%dma_wait3A_238 : memref<20096x72xf32, #tpu.memory_space<hbm>>) dst(%arg29 : memref<128x72xf32, #tpu.memory_space<vmem>>)
        %dma_start3A_239 = arith.constant 0 : i32
        %dma_start3A_240 = arith.constant 0 : i32
        %dma_start3A_241 = tpu.memref_slice %arg9[%dma_start3A_239, %dma_start3A_240] : memref<20096x72xf32, #tpu.memory_space<vmem_shared>> -> memref<20096x72xf32, #tpu.memory_space<vmem_shared>>
        tpu.enqueue_indirect_dma source(%arg29 : memref<128x72xf32, #tpu.memory_space<vmem>>) target(%dma_start3A_241 : memref<20096x72xf32, #tpu.memory_space<vmem_shared>>) offsets(%arg27 : memref<128xi32, #tpu.memory_space<vmem>>) semaphore(%arg34 : memref<!tpu.dma_semaphore, #tpu.memory_space<semaphore_mem>>) {add = true}
      } else {
      }
    }
    %scan3A_16 = arith.constant 20 : i32
    %dma_wait3A = arith.constant 0 : i32
    %dma_wait3A_17 = arith.constant 0 : i32
    %dma_wait3A_18 = tpu.memref_slice %arg9[%dma_wait3A, %dma_wait3A_17] : memref<20096x72xf32, #tpu.memory_space<vmem_shared>> -> memref<20096x72xf32, #tpu.memory_space<vmem_shared>>
    tpu.wait_indirect_dma semaphore(%arg33 : memref<!tpu.dma_semaphore, #tpu.memory_space<semaphore_mem>>) src(%arg28 : memref<128x72xf32, #tpu.memory_space<vmem>>) dst(%dma_wait3A_18 : memref<20096x72xf32, #tpu.memory_space<vmem_shared>>)
    %dma_wait3A_19 = arith.constant 0 : i32
    %dma_wait3A_20 = arith.constant 0 : i32
    %dma_wait3A_21 = tpu.memref_slice %arg9[%dma_wait3A_19, %dma_wait3A_20] : memref<20096x72xf32, #tpu.memory_space<vmem_shared>> -> memref<20096x72xf32, #tpu.memory_space<vmem_shared>>
    tpu.wait_indirect_dma semaphore(%arg34 : memref<!tpu.dma_semaphore, #tpu.memory_space<semaphore_mem>>) src(%arg29 : memref<128x72xf32, #tpu.memory_space<vmem>>) dst(%dma_wait3A_21 : memref<20096x72xf32, #tpu.memory_space<vmem_shared>>)
    %barrier3A_22 = arith.constant 0 : index
    tpu.barrier barrier_id(%barrier3A_22)
    %mul3A_23 = arith.constant 1256 : i32
    %mul3A_24 = arith.muli %arg1, %mul3A_23 : i32
    %mul3A_25 = arith.constant 1256 : i32
    %mul3A_26 = arith.muli %arg1, %mul3A_25 : i32
    "tpu.region"() ({
      %run_scoped3A = tpu.sem_alloc : memref<!tpu.dma_semaphore, #tpu.memory_space<semaphore_mem>>
      %dma_start3A_27 = arith.constant 0 : i32
      %dma_start3A_28 = tpu.memref_slice %arg8[%arg0, %mul3A_26, %dma_start3A_27] : memref<2x20096x72xf32, #tpu.memory_space<hbm>> -> memref<1x1256x72xf32, #tpu.memory_space<hbm>>
      %dma_start3A_29 = tpu.memref_squeeze %dma_start3A_28 : memref<1x1256x72xf32, #tpu.memory_space<hbm>> -> memref<1256x72xf32, #tpu.memory_space<hbm>>
      %dma_start3A_30 = arith.constant 0 : i32
      %dma_start3A_31 = tpu.memref_slice %arg9[%mul3A_24, %dma_start3A_30] : memref<20096x72xf32, #tpu.memory_space<vmem_shared>> -> memref<1256x72xf32, #tpu.memory_space<vmem_shared>>
      tpu.enqueue_dma source(%dma_start3A_31 : memref<1256x72xf32, #tpu.memory_space<vmem_shared>>) target(%dma_start3A_29 : memref<1256x72xf32, #tpu.memory_space<hbm>>) target_semaphore(%run_scoped3A : memref<!tpu.dma_semaphore, #tpu.memory_space<semaphore_mem>>)
      %dma_wait3A_32 = arith.constant 0 : i32
      %dma_wait3A_33 = tpu.memref_slice %arg8[%arg0, %mul3A_26, %dma_wait3A_32] : memref<2x20096x72xf32, #tpu.memory_space<hbm>> -> memref<1x1256x72xf32, #tpu.memory_space<hbm>>
      %dma_wait3A_34 = tpu.memref_squeeze %dma_wait3A_33 : memref<1x1256x72xf32, #tpu.memory_space<hbm>> -> memref<1256x72xf32, #tpu.memory_space<hbm>>
      %dma_wait3A_35 = arith.constant 0 : i32
      %dma_wait3A_36 = tpu.memref_slice %arg9[%mul3A_24, %dma_wait3A_35] : memref<20096x72xf32, #tpu.memory_space<vmem_shared>> -> memref<1256x72xf32, #tpu.memory_space<vmem_shared>>
      tpu.wait_dma2 semaphore(%run_scoped3A : memref<!tpu.dma_semaphore, #tpu.memory_space<semaphore_mem>>) src(%dma_wait3A_36 : memref<1256x72xf32, #tpu.memory_space<vmem_shared>>) dst(%dma_wait3A_34 : memref<1256x72xf32, #tpu.memory_space<hbm>>)
      tpu.yield
    }) : () -> ()
    return
  }
}

#map = affine_map<(d0, d1) -> (0, 0)>
#map1 = affine_map<(d0, d1) -> (0)>
#map2 = affine_map<(d0, d1) -> (0, 0, 0)>
module attributes {stable_mosaic.version = 14 : i64} {
  func.func @_passA(%arg0: i32, %arg1: i32, %arg2: memref<10000x72xf32, #tpu.memory_space<hbm>>, %arg3: memref<320000xi32, #tpu.memory_space<hbm>>, %arg4: memref<320000xi32, #tpu.memory_space<hbm>>, %arg5: memref<1256x72xf32, #tpu.memory_space<hbm>>, %arg6: memref<2x10240x72xf32, #tpu.memory_space<hbm>>, %arg7: memref<10240x72xf32, #tpu.memory_space<vmem_shared>>, %arg8: memref<128xi32, #tpu.memory_space<vmem>>, %arg9: memref<128xi32, #tpu.memory_space<vmem>>, %arg10: memref<128xi32, #tpu.memory_space<vmem>>, %arg11: memref<128xi32, #tpu.memory_space<vmem>>, %arg12: memref<128xi32, #tpu.memory_space<vmem>>, %arg13: memref<128xi32, #tpu.memory_space<vmem>>, %arg14: memref<128xi32, #tpu.memory_space<vmem>>, %arg15: memref<128xi32, #tpu.memory_space<vmem>>, %arg16: memref<128x72xf32, #tpu.memory_space<vmem>>, %arg17: memref<128x72xf32, #tpu.memory_space<vmem>>, %arg18: memref<!tpu.dma_semaphore, #tpu.memory_space<semaphore_mem>>, %arg19: memref<!tpu.dma_semaphore, #tpu.memory_space<semaphore_mem>>, %arg20: memref<!tpu.dma_semaphore, #tpu.memory_space<semaphore_mem>>, %arg21: memref<!tpu.dma_semaphore, #tpu.memory_space<semaphore_mem>>, %arg22: memref<!tpu.dma_semaphore, #tpu.memory_space<semaphore_mem>>) attributes {dimension_semantics = [#tpu.dimension_semantics<core_parallel>, #tpu.dimension_semantics<subcore_parallel>], iteration_bounds = array<i64: 2, 16>, scalar_prefetch = 0 : i64, scratch_operands = 16 : i64, tpu.core_type = #tpu.core_type<sc_vector_subcore>, window_params = [{transform_indices = #map}, {transform_indices = #map1}, {transform_indices = #map1}, {transform_indices = #map}, {transform_indices = #map2}]} {
    %mul3A = arith.constant 2 : i32
    %mul3A_0 = arith.muli %arg1, %mul3A : i32
    %add3A = arith.addi %mul3A_0, %arg0 : i32
    %mul3A_1 = arith.constant 640 : i32
    %mul3A_2 = arith.muli %arg1, %mul3A_1 : i32
    "tpu.region"() ({
      %run_scoped3A = tpu.sem_alloc : memref<!tpu.dma_semaphore, #tpu.memory_space<semaphore_mem>>
      %dma_start3A_27 = arith.constant 0 : i32
      %dma_start3A_28 = tpu.memref_slice %arg7[%mul3A_2, %dma_start3A_27] : memref<10240x72xf32, #tpu.memory_space<vmem_shared>> -> memref<640x72xf32, #tpu.memory_space<vmem_shared>>
      %dma_start3A_29 = arith.constant 0 : i32
      %dma_start3A_30 = arith.constant 0 : i32
      %dma_start3A_31 = tpu.memref_slice %arg5[%dma_start3A_29, %dma_start3A_30] : memref<1256x72xf32, #tpu.memory_space<hbm>> -> memref<640x72xf32, #tpu.memory_space<hbm>>
      tpu.enqueue_dma source(%dma_start3A_31 : memref<640x72xf32, #tpu.memory_space<hbm>>) target(%dma_start3A_28 : memref<640x72xf32, #tpu.memory_space<vmem_shared>>) target_semaphore(%run_scoped3A : memref<!tpu.dma_semaphore, #tpu.memory_space<semaphore_mem>>)
      %dma_wait3A_32 = arith.constant 0 : i32
      %dma_wait3A_33 = tpu.memref_slice %arg7[%mul3A_2, %dma_wait3A_32] : memref<10240x72xf32, #tpu.memory_space<vmem_shared>> -> memref<640x72xf32, #tpu.memory_space<vmem_shared>>
      %dma_wait3A_34 = arith.constant 0 : i32
      %dma_wait3A_35 = arith.constant 0 : i32
      %dma_wait3A_36 = tpu.memref_slice %arg5[%dma_wait3A_34, %dma_wait3A_35] : memref<1256x72xf32, #tpu.memory_space<hbm>> -> memref<640x72xf32, #tpu.memory_space<hbm>>
      tpu.wait_dma2 semaphore(%run_scoped3A : memref<!tpu.dma_semaphore, #tpu.memory_space<semaphore_mem>>) src(%dma_wait3A_36 : memref<640x72xf32, #tpu.memory_space<hbm>>) dst(%dma_wait3A_33 : memref<640x72xf32, #tpu.memory_space<vmem_shared>>)
      tpu.yield
    }) : () -> ()
    %barrier3A = arith.constant 0 : index
    tpu.barrier barrier_id(%barrier3A)
    %lt3A = arith.constant 4 : i32
    %lt3A_3 = arith.cmpi slt, %add3A, %lt3A : i32
    %jit3A = arith.constant 79 : i32
    %jit3A_4 = arith.constant 78 : i32
    %select_n3A = arith.select %lt3A_3, %jit3A, %jit3A_4 : i32
    %add3A_5 = arith.constant 0 : i32
    %add3A_6 = arith.addi %add3A, %add3A_5 : i32
    %mul3A_7 = arith.constant 128 : i32
    %mul3A_8 = arith.muli %add3A_6, %mul3A_7 : i32
    %dma_start3A = tpu.memref_slice %arg3[%mul3A_8] : memref<320000xi32, #tpu.memory_space<hbm>> -> memref<128xi32, #tpu.memory_space<hbm>>
    %dma_start3A_9 = tpu.memref_slice %arg3[%mul3A_8] : memref<320000xi32, #tpu.memory_space<hbm>> -> memref<128xi32, #tpu.memory_space<hbm>>
    tpu.enqueue_dma source(%dma_start3A_9 : memref<128xi32, #tpu.memory_space<hbm>>) target(%arg8 : memref<128xi32, #tpu.memory_space<vmem>>) target_semaphore(%arg18 : memref<!tpu.dma_semaphore, #tpu.memory_space<semaphore_mem>>)
    %dma_start3A_10 = tpu.memref_slice %arg4[%mul3A_8] : memref<320000xi32, #tpu.memory_space<hbm>> -> memref<128xi32, #tpu.memory_space<hbm>>
    %dma_start3A_11 = tpu.memref_slice %arg4[%mul3A_8] : memref<320000xi32, #tpu.memory_space<hbm>> -> memref<128xi32, #tpu.memory_space<hbm>>
    tpu.enqueue_dma source(%dma_start3A_11 : memref<128xi32, #tpu.memory_space<hbm>>) target(%arg12 : memref<128xi32, #tpu.memory_space<vmem>>) target_semaphore(%arg18 : memref<!tpu.dma_semaphore, #tpu.memory_space<semaphore_mem>>)
    %scan3A = arith.constant 0 : i32
    %scan3A_12 = arith.constant 0 : i32
    %scan3A_13 = arith.constant 20 : i32
    %scan3A_14 = arith.addi %scan3A_12, %scan3A_13 : i32
    %scan3A_15 = arith.constant 1 : i32
    scf.for %scan3A_27 = %scan3A_12 to %scan3A_14 step %scan3A_15  : i32 {
      %mul3A_28 = arith.constant 4 : i32
      %mul3A_29 = arith.muli %scan3A_27, %mul3A_28 : i32
      %add3A_30 = arith.constant 0 : i32
      %add3A_31 = arith.addi %mul3A_29, %add3A_30 : i32
      %lt3A_32 = arith.cmpi slt, %add3A_31, %select_n3A : i32
      %convert_element_type3A = arith.extui %lt3A_32 : i1 to i32
      %cond3A = arith.constant 0 : i32
      %cond3A_33 = arith.cmpi ne, %convert_element_type3A, %cond3A : i32
      scf.if %cond3A_33 {
        %add3A_52 = arith.constant 1 : i32
        %add3A_53 = arith.addi %add3A_31, %add3A_52 : i32
        %lt3A_54 = arith.cmpi slt, %add3A_53, %select_n3A : i32
        %convert_element_type3A_55 = arith.extui %lt3A_54 : i1 to i32
        %cond3A_56 = arith.constant 0 : i32
        %cond3A_57 = arith.cmpi ne, %convert_element_type3A_55, %cond3A_56 : i32
        scf.if %cond3A_57 {
          %add3A_79 = arith.constant 1 : i32
          %add3A_80 = arith.addi %add3A_31, %add3A_79 : i32
          %mul3A_81 = arith.constant 32 : i32
          %mul3A_82 = arith.muli %add3A_80, %mul3A_81 : i32
          %add3A_83 = arith.addi %add3A, %mul3A_82 : i32
          %mul3A_84 = arith.constant 128 : i32
          %mul3A_85 = arith.muli %add3A_83, %mul3A_84 : i32
          %dma_start3A_86 = tpu.memref_slice %arg3[%mul3A_85] : memref<320000xi32, #tpu.memory_space<hbm>> -> memref<128xi32, #tpu.memory_space<hbm>>
          %dma_start3A_87 = tpu.memref_slice %arg3[%mul3A_85] : memref<320000xi32, #tpu.memory_space<hbm>> -> memref<128xi32, #tpu.memory_space<hbm>>
          tpu.enqueue_dma source(%dma_start3A_87 : memref<128xi32, #tpu.memory_space<hbm>>) target(%arg9 : memref<128xi32, #tpu.memory_space<vmem>>) target_semaphore(%arg19 : memref<!tpu.dma_semaphore, #tpu.memory_space<semaphore_mem>>)
          %dma_start3A_88 = tpu.memref_slice %arg4[%mul3A_85] : memref<320000xi32, #tpu.memory_space<hbm>> -> memref<128xi32, #tpu.memory_space<hbm>>
          %dma_start3A_89 = tpu.memref_slice %arg4[%mul3A_85] : memref<320000xi32, #tpu.memory_space<hbm>> -> memref<128xi32, #tpu.memory_space<hbm>>
          tpu.enqueue_dma source(%dma_start3A_89 : memref<128xi32, #tpu.memory_space<hbm>>) target(%arg13 : memref<128xi32, #tpu.memory_space<vmem>>) target_semaphore(%arg19 : memref<!tpu.dma_semaphore, #tpu.memory_space<semaphore_mem>>)
        } else {
        }
        %dma_wait3A_58 = arith.constant 0 : i32
        %dma_wait3A_59 = tpu.memref_slice %arg3[%dma_wait3A_58] : memref<320000xi32, #tpu.memory_space<hbm>> -> memref<128xi32, #tpu.memory_space<hbm>>
        %dma_wait3A_60 = arith.constant 0 : i32
        %dma_wait3A_61 = tpu.memref_slice %arg3[%dma_wait3A_60] : memref<320000xi32, #tpu.memory_space<hbm>> -> memref<128xi32, #tpu.memory_space<hbm>>
        tpu.wait_dma2 semaphore(%arg18 : memref<!tpu.dma_semaphore, #tpu.memory_space<semaphore_mem>>) src(%dma_wait3A_61 : memref<128xi32, #tpu.memory_space<hbm>>) dst(%arg8 : memref<128xi32, #tpu.memory_space<vmem>>)
        %dma_wait3A_62 = arith.constant 0 : i32
        %dma_wait3A_63 = tpu.memref_slice %arg4[%dma_wait3A_62] : memref<320000xi32, #tpu.memory_space<hbm>> -> memref<128xi32, #tpu.memory_space<hbm>>
        %dma_wait3A_64 = arith.constant 0 : i32
        %dma_wait3A_65 = tpu.memref_slice %arg4[%dma_wait3A_64] : memref<320000xi32, #tpu.memory_space<hbm>> -> memref<128xi32, #tpu.memory_space<hbm>>
        tpu.wait_dma2 semaphore(%arg18 : memref<!tpu.dma_semaphore, #tpu.memory_space<semaphore_mem>>) src(%dma_wait3A_65 : memref<128xi32, #tpu.memory_space<hbm>>) dst(%arg12 : memref<128xi32, #tpu.memory_space<vmem>>)
        %ge3A = arith.constant 2 : i32
        %ge3A_66 = arith.cmpi sge, %add3A_31, %ge3A : i32
        %convert_element_type3A_67 = arith.extui %ge3A_66 : i1 to i32
        %cond3A_68 = arith.constant 0 : i32
        %cond3A_69 = arith.cmpi ne, %convert_element_type3A_67, %cond3A_68 : i32
        scf.if %cond3A_69 {
          %dma_wait3A_79 = arith.constant 0 : i32
          %dma_wait3A_80 = arith.constant 0 : i32
          %dma_wait3A_81 = tpu.memref_slice %arg7[%dma_wait3A_79, %dma_wait3A_80] : memref<10240x72xf32, #tpu.memory_space<vmem_shared>> -> memref<10240x72xf32, #tpu.memory_space<vmem_shared>>
          tpu.wait_indirect_dma semaphore(%arg21 : memref<!tpu.dma_semaphore, #tpu.memory_space<semaphore_mem>>) src(%arg16 : memref<128x72xf32, #tpu.memory_space<vmem>>) dst(%dma_wait3A_81 : memref<10240x72xf32, #tpu.memory_space<vmem_shared>>)
        } else {
        }
        %dma_start3A_70 = arith.constant 0 : i32
        %dma_start3A_71 = arith.constant 0 : i32
        %dma_start3A_72 = tpu.memref_slice %arg2[%dma_start3A_70, %dma_start3A_71] : memref<10000x72xf32, #tpu.memory_space<hbm>> -> memref<10000x72xf32, #tpu.memory_space<hbm>>
        tpu.enqueue_indirect_dma source(%dma_start3A_72 : memref<10000x72xf32, #tpu.memory_space<hbm>>) target(%arg16 : memref<128x72xf32, #tpu.memory_space<vmem>>) offsets(%arg8 : memref<128xi32, #tpu.memory_space<vmem>>) semaphore(%arg20 : memref<!tpu.dma_semaphore, #tpu.memory_space<semaphore_mem>>)
        %dma_wait3A_73 = arith.constant 0 : i32
        %dma_wait3A_74 = arith.constant 0 : i32
        %dma_wait3A_75 = tpu.memref_slice %arg2[%dma_wait3A_73, %dma_wait3A_74] : memref<10000x72xf32, #tpu.memory_space<hbm>> -> memref<10000x72xf32, #tpu.memory_space<hbm>>
        tpu.wait_indirect_dma semaphore(%arg20 : memref<!tpu.dma_semaphore, #tpu.memory_space<semaphore_mem>>) src(%dma_wait3A_75 : memref<10000x72xf32, #tpu.memory_space<hbm>>) dst(%arg16 : memref<128x72xf32, #tpu.memory_space<vmem>>)
        %dma_start3A_76 = arith.constant 0 : i32
        %dma_start3A_77 = arith.constant 0 : i32
        %dma_start3A_78 = tpu.memref_slice %arg7[%dma_start3A_76, %dma_start3A_77] : memref<10240x72xf32, #tpu.memory_space<vmem_shared>> -> memref<10240x72xf32, #tpu.memory_space<vmem_shared>>
        tpu.enqueue_indirect_dma source(%arg16 : memref<128x72xf32, #tpu.memory_space<vmem>>) target(%dma_start3A_78 : memref<10240x72xf32, #tpu.memory_space<vmem_shared>>) offsets(%arg12 : memref<128xi32, #tpu.memory_space<vmem>>) semaphore(%arg21 : memref<!tpu.dma_semaphore, #tpu.memory_space<semaphore_mem>>) {add = true}
      } else {
      }
      %add3A_34 = arith.constant 1 : i32
      %add3A_35 = arith.addi %mul3A_29, %add3A_34 : i32
      %lt3A_36 = arith.cmpi slt, %add3A_35, %select_n3A : i32
      %convert_element_type3A_37 = arith.extui %lt3A_36 : i1 to i32
      %cond3A_38 = arith.constant 0 : i32
      %cond3A_39 = arith.cmpi ne, %convert_element_type3A_37, %cond3A_38 : i32
      scf.if %cond3A_39 {
        %add3A_52 = arith.constant 1 : i32
        %add3A_53 = arith.addi %add3A_35, %add3A_52 : i32
        %lt3A_54 = arith.cmpi slt, %add3A_53, %select_n3A : i32
        %convert_element_type3A_55 = arith.extui %lt3A_54 : i1 to i32
        %cond3A_56 = arith.constant 0 : i32
        %cond3A_57 = arith.cmpi ne, %convert_element_type3A_55, %cond3A_56 : i32
        scf.if %cond3A_57 {
          %add3A_79 = arith.constant 1 : i32
          %add3A_80 = arith.addi %add3A_35, %add3A_79 : i32
          %mul3A_81 = arith.constant 32 : i32
          %mul3A_82 = arith.muli %add3A_80, %mul3A_81 : i32
          %add3A_83 = arith.addi %add3A, %mul3A_82 : i32
          %mul3A_84 = arith.constant 128 : i32
          %mul3A_85 = arith.muli %add3A_83, %mul3A_84 : i32
          %dma_start3A_86 = tpu.memref_slice %arg3[%mul3A_85] : memref<320000xi32, #tpu.memory_space<hbm>> -> memref<128xi32, #tpu.memory_space<hbm>>
          %dma_start3A_87 = tpu.memref_slice %arg3[%mul3A_85] : memref<320000xi32, #tpu.memory_space<hbm>> -> memref<128xi32, #tpu.memory_space<hbm>>
          tpu.enqueue_dma source(%dma_start3A_87 : memref<128xi32, #tpu.memory_space<hbm>>) target(%arg10 : memref<128xi32, #tpu.memory_space<vmem>>) target_semaphore(%arg18 : memref<!tpu.dma_semaphore, #tpu.memory_space<semaphore_mem>>)
          %dma_start3A_88 = tpu.memref_slice %arg4[%mul3A_85] : memref<320000xi32, #tpu.memory_space<hbm>> -> memref<128xi32, #tpu.memory_space<hbm>>
          %dma_start3A_89 = tpu.memref_slice %arg4[%mul3A_85] : memref<320000xi32, #tpu.memory_space<hbm>> -> memref<128xi32, #tpu.memory_space<hbm>>
          tpu.enqueue_dma source(%dma_start3A_89 : memref<128xi32, #tpu.memory_space<hbm>>) target(%arg14 : memref<128xi32, #tpu.memory_space<vmem>>) target_semaphore(%arg18 : memref<!tpu.dma_semaphore, #tpu.memory_space<semaphore_mem>>)
        } else {
        }
        %dma_wait3A_58 = arith.constant 0 : i32
        %dma_wait3A_59 = tpu.memref_slice %arg3[%dma_wait3A_58] : memref<320000xi32, #tpu.memory_space<hbm>> -> memref<128xi32, #tpu.memory_space<hbm>>
        %dma_wait3A_60 = arith.constant 0 : i32
        %dma_wait3A_61 = tpu.memref_slice %arg3[%dma_wait3A_60] : memref<320000xi32, #tpu.memory_space<hbm>> -> memref<128xi32, #tpu.memory_space<hbm>>
        tpu.wait_dma2 semaphore(%arg19 : memref<!tpu.dma_semaphore, #tpu.memory_space<semaphore_mem>>) src(%dma_wait3A_61 : memref<128xi32, #tpu.memory_space<hbm>>) dst(%arg9 : memref<128xi32, #tpu.memory_space<vmem>>)
        %dma_wait3A_62 = arith.constant 0 : i32
        %dma_wait3A_63 = tpu.memref_slice %arg4[%dma_wait3A_62] : memref<320000xi32, #tpu.memory_space<hbm>> -> memref<128xi32, #tpu.memory_space<hbm>>
        %dma_wait3A_64 = arith.constant 0 : i32
        %dma_wait3A_65 = tpu.memref_slice %arg4[%dma_wait3A_64] : memref<320000xi32, #tpu.memory_space<hbm>> -> memref<128xi32, #tpu.memory_space<hbm>>
        tpu.wait_dma2 semaphore(%arg19 : memref<!tpu.dma_semaphore, #tpu.memory_space<semaphore_mem>>) src(%dma_wait3A_65 : memref<128xi32, #tpu.memory_space<hbm>>) dst(%arg13 : memref<128xi32, #tpu.memory_space<vmem>>)
        %ge3A = arith.constant 2 : i32
        %ge3A_66 = arith.cmpi sge, %add3A_35, %ge3A : i32
        %convert_element_type3A_67 = arith.extui %ge3A_66 : i1 to i32
        %cond3A_68 = arith.constant 0 : i32
        %cond3A_69 = arith.cmpi ne, %convert_element_type3A_67, %cond3A_68 : i32
        scf.if %cond3A_69 {
          %dma_wait3A_79 = arith.constant 0 : i32
          %dma_wait3A_80 = arith.constant 0 : i32
          %dma_wait3A_81 = tpu.memref_slice %arg7[%dma_wait3A_79, %dma_wait3A_80] : memref<10240x72xf32, #tpu.memory_space<vmem_shared>> -> memref<10240x72xf32, #tpu.memory_space<vmem_shared>>
          tpu.wait_indirect_dma semaphore(%arg22 : memref<!tpu.dma_semaphore, #tpu.memory_space<semaphore_mem>>) src(%arg17 : memref<128x72xf32, #tpu.memory_space<vmem>>) dst(%dma_wait3A_81 : memref<10240x72xf32, #tpu.memory_space<vmem_shared>>)
        } else {
        }
        %dma_start3A_70 = arith.constant 0 : i32
        %dma_start3A_71 = arith.constant 0 : i32
        %dma_start3A_72 = tpu.memref_slice %arg2[%dma_start3A_70, %dma_start3A_71] : memref<10000x72xf32, #tpu.memory_space<hbm>> -> memref<10000x72xf32, #tpu.memory_space<hbm>>
        tpu.enqueue_indirect_dma source(%dma_start3A_72 : memref<10000x72xf32, #tpu.memory_space<hbm>>) target(%arg17 : memref<128x72xf32, #tpu.memory_space<vmem>>) offsets(%arg9 : memref<128xi32, #tpu.memory_space<vmem>>) semaphore(%arg20 : memref<!tpu.dma_semaphore, #tpu.memory_space<semaphore_mem>>)
        %dma_wait3A_73 = arith.constant 0 : i32
        %dma_wait3A_74 = arith.constant 0 : i32
        %dma_wait3A_75 = tpu.memref_slice %arg2[%dma_wait3A_73, %dma_wait3A_74] : memref<10000x72xf32, #tpu.memory_space<hbm>> -> memref<10000x72xf32, #tpu.memory_space<hbm>>
        tpu.wait_indirect_dma semaphore(%arg20 : memref<!tpu.dma_semaphore, #tpu.memory_space<semaphore_mem>>) src(%dma_wait3A_75 : memref<10000x72xf32, #tpu.memory_space<hbm>>) dst(%arg17 : memref<128x72xf32, #tpu.memory_space<vmem>>)
        %dma_start3A_76 = arith.constant 0 : i32
        %dma_start3A_77 = arith.constant 0 : i32
        %dma_start3A_78 = tpu.memref_slice %arg7[%dma_start3A_76, %dma_start3A_77] : memref<10240x72xf32, #tpu.memory_space<vmem_shared>> -> memref<10240x72xf32, #tpu.memory_space<vmem_shared>>
        tpu.enqueue_indirect_dma source(%arg17 : memref<128x72xf32, #tpu.memory_space<vmem>>) target(%dma_start3A_78 : memref<10240x72xf32, #tpu.memory_space<vmem_shared>>) offsets(%arg13 : memref<128xi32, #tpu.memory_space<vmem>>) semaphore(%arg22 : memref<!tpu.dma_semaphore, #tpu.memory_space<semaphore_mem>>) {add = true}
      } else {
      }
      %add3A_40 = arith.constant 2 : i32
      %add3A_41 = arith.addi %mul3A_29, %add3A_40 : i32
      %lt3A_42 = arith.cmpi slt, %add3A_41, %select_n3A : i32
      %convert_element_type3A_43 = arith.extui %lt3A_42 : i1 to i32
      %cond3A_44 = arith.constant 0 : i32
      %cond3A_45 = arith.cmpi ne, %convert_element_type3A_43, %cond3A_44 : i32
      scf.if %cond3A_45 {
        %add3A_52 = arith.constant 1 : i32
        %add3A_53 = arith.addi %add3A_41, %add3A_52 : i32
        %lt3A_54 = arith.cmpi slt, %add3A_53, %select_n3A : i32
        %convert_element_type3A_55 = arith.extui %lt3A_54 : i1 to i32
        %cond3A_56 = arith.constant 0 : i32
        %cond3A_57 = arith.cmpi ne, %convert_element_type3A_55, %cond3A_56 : i32
        scf.if %cond3A_57 {
          %add3A_79 = arith.constant 1 : i32
          %add3A_80 = arith.addi %add3A_41, %add3A_79 : i32
          %mul3A_81 = arith.constant 32 : i32
          %mul3A_82 = arith.muli %add3A_80, %mul3A_81 : i32
          %add3A_83 = arith.addi %add3A, %mul3A_82 : i32
          %mul3A_84 = arith.constant 128 : i32
          %mul3A_85 = arith.muli %add3A_83, %mul3A_84 : i32
          %dma_start3A_86 = tpu.memref_slice %arg3[%mul3A_85] : memref<320000xi32, #tpu.memory_space<hbm>> -> memref<128xi32, #tpu.memory_space<hbm>>
          %dma_start3A_87 = tpu.memref_slice %arg3[%mul3A_85] : memref<320000xi32, #tpu.memory_space<hbm>> -> memref<128xi32, #tpu.memory_space<hbm>>
          tpu.enqueue_dma source(%dma_start3A_87 : memref<128xi32, #tpu.memory_space<hbm>>) target(%arg11 : memref<128xi32, #tpu.memory_space<vmem>>) target_semaphore(%arg19 : memref<!tpu.dma_semaphore, #tpu.memory_space<semaphore_mem>>)
          %dma_start3A_88 = tpu.memref_slice %arg4[%mul3A_85] : memref<320000xi32, #tpu.memory_space<hbm>> -> memref<128xi32, #tpu.memory_space<hbm>>
          %dma_start3A_89 = tpu.memref_slice %arg4[%mul3A_85] : memref<320000xi32, #tpu.memory_space<hbm>> -> memref<128xi32, #tpu.memory_space<hbm>>
          tpu.enqueue_dma source(%dma_start3A_89 : memref<128xi32, #tpu.memory_space<hbm>>) target(%arg15 : memref<128xi32, #tpu.memory_space<vmem>>) target_semaphore(%arg19 : memref<!tpu.dma_semaphore, #tpu.memory_space<semaphore_mem>>)
        } else {
        }
        %dma_wait3A_58 = arith.constant 0 : i32
        %dma_wait3A_59 = tpu.memref_slice %arg3[%dma_wait3A_58] : memref<320000xi32, #tpu.memory_space<hbm>> -> memref<128xi32, #tpu.memory_space<hbm>>
        %dma_wait3A_60 = arith.constant 0 : i32
        %dma_wait3A_61 = tpu.memref_slice %arg3[%dma_wait3A_60] : memref<320000xi32, #tpu.memory_space<hbm>> -> memref<128xi32, #tpu.memory_space<hbm>>
        tpu.wait_dma2 semaphore(%arg18 : memref<!tpu.dma_semaphore, #tpu.memory_space<semaphore_mem>>) src(%dma_wait3A_61 : memref<128xi32, #tpu.memory_space<hbm>>) dst(%arg10 : memref<128xi32, #tpu.memory_space<vmem>>)
        %dma_wait3A_62 = arith.constant 0 : i32
        %dma_wait3A_63 = tpu.memref_slice %arg4[%dma_wait3A_62] : memref<320000xi32, #tpu.memory_space<hbm>> -> memref<128xi32, #tpu.memory_space<hbm>>
        %dma_wait3A_64 = arith.constant 0 : i32
        %dma_wait3A_65 = tpu.memref_slice %arg4[%dma_wait3A_64] : memref<320000xi32, #tpu.memory_space<hbm>> -> memref<128xi32, #tpu.memory_space<hbm>>
        tpu.wait_dma2 semaphore(%arg18 : memref<!tpu.dma_semaphore, #tpu.memory_space<semaphore_mem>>) src(%dma_wait3A_65 : memref<128xi32, #tpu.memory_space<hbm>>) dst(%arg14 : memref<128xi32, #tpu.memory_space<vmem>>)
        %ge3A = arith.constant 2 : i32
        %ge3A_66 = arith.cmpi sge, %add3A_41, %ge3A : i32
        %convert_element_type3A_67 = arith.extui %ge3A_66 : i1 to i32
        %cond3A_68 = arith.constant 0 : i32
        %cond3A_69 = arith.cmpi ne, %convert_element_type3A_67, %cond3A_68 : i32
        scf.if %cond3A_69 {
          %dma_wait3A_79 = arith.constant 0 : i32
          %dma_wait3A_80 = arith.constant 0 : i32
          %dma_wait3A_81 = tpu.memref_slice %arg7[%dma_wait3A_79, %dma_wait3A_80] : memref<10240x72xf32, #tpu.memory_space<vmem_shared>> -> memref<10240x72xf32, #tpu.memory_space<vmem_shared>>
          tpu.wait_indirect_dma semaphore(%arg21 : memref<!tpu.dma_semaphore, #tpu.memory_space<semaphore_mem>>) src(%arg16 : memref<128x72xf32, #tpu.memory_space<vmem>>) dst(%dma_wait3A_81 : memref<10240x72xf32, #tpu.memory_space<vmem_shared>>)
        } else {
        }
        %dma_start3A_70 = arith.constant 0 : i32
        %dma_start3A_71 = arith.constant 0 : i32
        %dma_start3A_72 = tpu.memref_slice %arg2[%dma_start3A_70, %dma_start3A_71] : memref<10000x72xf32, #tpu.memory_space<hbm>> -> memref<10000x72xf32, #tpu.memory_space<hbm>>
        tpu.enqueue_indirect_dma source(%dma_start3A_72 : memref<10000x72xf32, #tpu.memory_space<hbm>>) target(%arg16 : memref<128x72xf32, #tpu.memory_space<vmem>>) offsets(%arg10 : memref<128xi32, #tpu.memory_space<vmem>>) semaphore(%arg20 : memref<!tpu.dma_semaphore, #tpu.memory_space<semaphore_mem>>)
        %dma_wait3A_73 = arith.constant 0 : i32
        %dma_wait3A_74 = arith.constant 0 : i32
        %dma_wait3A_75 = tpu.memref_slice %arg2[%dma_wait3A_73, %dma_wait3A_74] : memref<10000x72xf32, #tpu.memory_space<hbm>> -> memref<10000x72xf32, #tpu.memory_space<hbm>>
        tpu.wait_indirect_dma semaphore(%arg20 : memref<!tpu.dma_semaphore, #tpu.memory_space<semaphore_mem>>) src(%dma_wait3A_75 : memref<10000x72xf32, #tpu.memory_space<hbm>>) dst(%arg16 : memref<128x72xf32, #tpu.memory_space<vmem>>)
        %dma_start3A_76 = arith.constant 0 : i32
        %dma_start3A_77 = arith.constant 0 : i32
        %dma_start3A_78 = tpu.memref_slice %arg7[%dma_start3A_76, %dma_start3A_77] : memref<10240x72xf32, #tpu.memory_space<vmem_shared>> -> memref<10240x72xf32, #tpu.memory_space<vmem_shared>>
        tpu.enqueue_indirect_dma source(%arg16 : memref<128x72xf32, #tpu.memory_space<vmem>>) target(%dma_start3A_78 : memref<10240x72xf32, #tpu.memory_space<vmem_shared>>) offsets(%arg14 : memref<128xi32, #tpu.memory_space<vmem>>) semaphore(%arg21 : memref<!tpu.dma_semaphore, #tpu.memory_space<semaphore_mem>>) {add = true}
      } else {
      }
      %add3A_46 = arith.constant 3 : i32
      %add3A_47 = arith.addi %mul3A_29, %add3A_46 : i32
      %lt3A_48 = arith.cmpi slt, %add3A_47, %select_n3A : i32
      %convert_element_type3A_49 = arith.extui %lt3A_48 : i1 to i32
      %cond3A_50 = arith.constant 0 : i32
      %cond3A_51 = arith.cmpi ne, %convert_element_type3A_49, %cond3A_50 : i32
      scf.if %cond3A_51 {
        %add3A_52 = arith.constant 1 : i32
        %add3A_53 = arith.addi %add3A_47, %add3A_52 : i32
        %lt3A_54 = arith.cmpi slt, %add3A_53, %select_n3A : i32
        %convert_element_type3A_55 = arith.extui %lt3A_54 : i1 to i32
        %cond3A_56 = arith.constant 0 : i32
        %cond3A_57 = arith.cmpi ne, %convert_element_type3A_55, %cond3A_56 : i32
        scf.if %cond3A_57 {
          %add3A_79 = arith.constant 1 : i32
          %add3A_80 = arith.addi %add3A_47, %add3A_79 : i32
          %mul3A_81 = arith.constant 32 : i32
          %mul3A_82 = arith.muli %add3A_80, %mul3A_81 : i32
          %add3A_83 = arith.addi %add3A, %mul3A_82 : i32
          %mul3A_84 = arith.constant 128 : i32
          %mul3A_85 = arith.muli %add3A_83, %mul3A_84 : i32
          %dma_start3A_86 = tpu.memref_slice %arg3[%mul3A_85] : memref<320000xi32, #tpu.memory_space<hbm>> -> memref<128xi32, #tpu.memory_space<hbm>>
          %dma_start3A_87 = tpu.memref_slice %arg3[%mul3A_85] : memref<320000xi32, #tpu.memory_space<hbm>> -> memref<128xi32, #tpu.memory_space<hbm>>
          tpu.enqueue_dma source(%dma_start3A_87 : memref<128xi32, #tpu.memory_space<hbm>>) target(%arg8 : memref<128xi32, #tpu.memory_space<vmem>>) target_semaphore(%arg18 : memref<!tpu.dma_semaphore, #tpu.memory_space<semaphore_mem>>)
          %dma_start3A_88 = tpu.memref_slice %arg4[%mul3A_85] : memref<320000xi32, #tpu.memory_space<hbm>> -> memref<128xi32, #tpu.memory_space<hbm>>
          %dma_start3A_89 = tpu.memref_slice %arg4[%mul3A_85] : memref<320000xi32, #tpu.memory_space<hbm>> -> memref<128xi32, #tpu.memory_space<hbm>>
          tpu.enqueue_dma source(%dma_start3A_89 : memref<128xi32, #tpu.memory_space<hbm>>) target(%arg12 : memref<128xi32, #tpu.memory_space<vmem>>) target_semaphore(%arg18 : memref<!tpu.dma_semaphore, #tpu.memory_space<semaphore_mem>>)
        } else {
        }
        %dma_wait3A_58 = arith.constant 0 : i32
        %dma_wait3A_59 = tpu.memref_slice %arg3[%dma_wait3A_58] : memref<320000xi32, #tpu.memory_space<hbm>> -> memref<128xi32, #tpu.memory_space<hbm>>
        %dma_wait3A_60 = arith.constant 0 : i32
        %dma_wait3A_61 = tpu.memref_slice %arg3[%dma_wait3A_60] : memref<320000xi32, #tpu.memory_space<hbm>> -> memref<128xi32, #tpu.memory_space<hbm>>
        tpu.wait_dma2 semaphore(%arg19 : memref<!tpu.dma_semaphore, #tpu.memory_space<semaphore_mem>>) src(%dma_wait3A_61 : memref<128xi32, #tpu.memory_space<hbm>>) dst(%arg11 : memref<128xi32, #tpu.memory_space<vmem>>)
        %dma_wait3A_62 = arith.constant 0 : i32
        %dma_wait3A_63 = tpu.memref_slice %arg4[%dma_wait3A_62] : memref<320000xi32, #tpu.memory_space<hbm>> -> memref<128xi32, #tpu.memory_space<hbm>>
        %dma_wait3A_64 = arith.constant 0 : i32
        %dma_wait3A_65 = tpu.memref_slice %arg4[%dma_wait3A_64] : memref<320000xi32, #tpu.memory_space<hbm>> -> memref<128xi32, #tpu.memory_space<hbm>>
        tpu.wait_dma2 semaphore(%arg19 : memref<!tpu.dma_semaphore, #tpu.memory_space<semaphore_mem>>) src(%dma_wait3A_65 : memref<128xi32, #tpu.memory_space<hbm>>) dst(%arg15 : memref<128xi32, #tpu.memory_space<vmem>>)
        %ge3A = arith.constant 2 : i32
        %ge3A_66 = arith.cmpi sge, %add3A_47, %ge3A : i32
        %convert_element_type3A_67 = arith.extui %ge3A_66 : i1 to i32
        %cond3A_68 = arith.constant 0 : i32
        %cond3A_69 = arith.cmpi ne, %convert_element_type3A_67, %cond3A_68 : i32
        scf.if %cond3A_69 {
          %dma_wait3A_79 = arith.constant 0 : i32
          %dma_wait3A_80 = arith.constant 0 : i32
          %dma_wait3A_81 = tpu.memref_slice %arg7[%dma_wait3A_79, %dma_wait3A_80] : memref<10240x72xf32, #tpu.memory_space<vmem_shared>> -> memref<10240x72xf32, #tpu.memory_space<vmem_shared>>
          tpu.wait_indirect_dma semaphore(%arg22 : memref<!tpu.dma_semaphore, #tpu.memory_space<semaphore_mem>>) src(%arg17 : memref<128x72xf32, #tpu.memory_space<vmem>>) dst(%dma_wait3A_81 : memref<10240x72xf32, #tpu.memory_space<vmem_shared>>)
        } else {
        }
        %dma_start3A_70 = arith.constant 0 : i32
        %dma_start3A_71 = arith.constant 0 : i32
        %dma_start3A_72 = tpu.memref_slice %arg2[%dma_start3A_70, %dma_start3A_71] : memref<10000x72xf32, #tpu.memory_space<hbm>> -> memref<10000x72xf32, #tpu.memory_space<hbm>>
        tpu.enqueue_indirect_dma source(%dma_start3A_72 : memref<10000x72xf32, #tpu.memory_space<hbm>>) target(%arg17 : memref<128x72xf32, #tpu.memory_space<vmem>>) offsets(%arg11 : memref<128xi32, #tpu.memory_space<vmem>>) semaphore(%arg20 : memref<!tpu.dma_semaphore, #tpu.memory_space<semaphore_mem>>)
        %dma_wait3A_73 = arith.constant 0 : i32
        %dma_wait3A_74 = arith.constant 0 : i32
        %dma_wait3A_75 = tpu.memref_slice %arg2[%dma_wait3A_73, %dma_wait3A_74] : memref<10000x72xf32, #tpu.memory_space<hbm>> -> memref<10000x72xf32, #tpu.memory_space<hbm>>
        tpu.wait_indirect_dma semaphore(%arg20 : memref<!tpu.dma_semaphore, #tpu.memory_space<semaphore_mem>>) src(%dma_wait3A_75 : memref<10000x72xf32, #tpu.memory_space<hbm>>) dst(%arg17 : memref<128x72xf32, #tpu.memory_space<vmem>>)
        %dma_start3A_76 = arith.constant 0 : i32
        %dma_start3A_77 = arith.constant 0 : i32
        %dma_start3A_78 = tpu.memref_slice %arg7[%dma_start3A_76, %dma_start3A_77] : memref<10240x72xf32, #tpu.memory_space<vmem_shared>> -> memref<10240x72xf32, #tpu.memory_space<vmem_shared>>
        tpu.enqueue_indirect_dma source(%arg17 : memref<128x72xf32, #tpu.memory_space<vmem>>) target(%dma_start3A_78 : memref<10240x72xf32, #tpu.memory_space<vmem_shared>>) offsets(%arg15 : memref<128xi32, #tpu.memory_space<vmem>>) semaphore(%arg22 : memref<!tpu.dma_semaphore, #tpu.memory_space<semaphore_mem>>) {add = true}
      } else {
      }
    }
    %scan3A_16 = arith.constant 20 : i32
    %dma_wait3A = arith.constant 0 : i32
    %dma_wait3A_17 = arith.constant 0 : i32
    %dma_wait3A_18 = tpu.memref_slice %arg7[%dma_wait3A, %dma_wait3A_17] : memref<10240x72xf32, #tpu.memory_space<vmem_shared>> -> memref<10240x72xf32, #tpu.memory_space<vmem_shared>>
    tpu.wait_indirect_dma semaphore(%arg21 : memref<!tpu.dma_semaphore, #tpu.memory_space<semaphore_mem>>) src(%arg16 : memref<128x72xf32, #tpu.memory_space<vmem>>) dst(%dma_wait3A_18 : memref<10240x72xf32, #tpu.memory_space<vmem_shared>>)
    %dma_wait3A_19 = arith.constant 0 : i32
    %dma_wait3A_20 = arith.constant 0 : i32
    %dma_wait3A_21 = tpu.memref_slice %arg7[%dma_wait3A_19, %dma_wait3A_20] : memref<10240x72xf32, #tpu.memory_space<vmem_shared>> -> memref<10240x72xf32, #tpu.memory_space<vmem_shared>>
    tpu.wait_indirect_dma semaphore(%arg22 : memref<!tpu.dma_semaphore, #tpu.memory_space<semaphore_mem>>) src(%arg17 : memref<128x72xf32, #tpu.memory_space<vmem>>) dst(%dma_wait3A_21 : memref<10240x72xf32, #tpu.memory_space<vmem_shared>>)
    %barrier3A_22 = arith.constant 0 : index
    tpu.barrier barrier_id(%barrier3A_22)
    %mul3A_23 = arith.constant 640 : i32
    %mul3A_24 = arith.muli %arg1, %mul3A_23 : i32
    %mul3A_25 = arith.constant 640 : i32
    %mul3A_26 = arith.muli %arg1, %mul3A_25 : i32
    "tpu.region"() ({
      %run_scoped3A = tpu.sem_alloc : memref<!tpu.dma_semaphore, #tpu.memory_space<semaphore_mem>>
      %dma_start3A_27 = arith.constant 0 : i32
      %dma_start3A_28 = tpu.memref_slice %arg6[%arg0, %mul3A_26, %dma_start3A_27] : memref<2x10240x72xf32, #tpu.memory_space<hbm>> -> memref<1x640x72xf32, #tpu.memory_space<hbm>>
      %dma_start3A_29 = tpu.memref_squeeze %dma_start3A_28 : memref<1x640x72xf32, #tpu.memory_space<hbm>> -> memref<640x72xf32, #tpu.memory_space<hbm>>
      %dma_start3A_30 = arith.constant 0 : i32
      %dma_start3A_31 = tpu.memref_slice %arg7[%mul3A_24, %dma_start3A_30] : memref<10240x72xf32, #tpu.memory_space<vmem_shared>> -> memref<640x72xf32, #tpu.memory_space<vmem_shared>>
      tpu.enqueue_dma source(%dma_start3A_31 : memref<640x72xf32, #tpu.memory_space<vmem_shared>>) target(%dma_start3A_29 : memref<640x72xf32, #tpu.memory_space<hbm>>) target_semaphore(%run_scoped3A : memref<!tpu.dma_semaphore, #tpu.memory_space<semaphore_mem>>)
      %dma_wait3A_32 = arith.constant 0 : i32
      %dma_wait3A_33 = tpu.memref_slice %arg6[%arg0, %mul3A_26, %dma_wait3A_32] : memref<2x10240x72xf32, #tpu.memory_space<hbm>> -> memref<1x640x72xf32, #tpu.memory_space<hbm>>
      %dma_wait3A_34 = tpu.memref_squeeze %dma_wait3A_33 : memref<1x640x72xf32, #tpu.memory_space<hbm>> -> memref<640x72xf32, #tpu.memory_space<hbm>>
      %dma_wait3A_35 = arith.constant 0 : i32
      %dma_wait3A_36 = tpu.memref_slice %arg7[%mul3A_24, %dma_wait3A_35] : memref<10240x72xf32, #tpu.memory_space<vmem_shared>> -> memref<640x72xf32, #tpu.memory_space<vmem_shared>>
      tpu.wait_dma2 semaphore(%run_scoped3A : memref<!tpu.dma_semaphore, #tpu.memory_space<semaphore_mem>>) src(%dma_wait3A_36 : memref<640x72xf32, #tpu.memory_space<vmem_shared>>) dst(%dma_wait3A_34 : memref<640x72xf32, #tpu.memory_space<hbm>>)
      tpu.yield
    }) : () -> ()
    return
  }
}

module attributes {stable_mosaic.version = 14 : i64} {
  func.func @_k1_body(%arg0: i32, %arg1: memref<1000x128xf32, #tpu.memory_space<vmem>>, %arg2: memref<64x128xf32, #tpu.memory_space<vmem>>, %arg3: memref<64x128xf32, #tpu.memory_space<vmem>>, %arg4: memref<1000x72xf32, #tpu.memory_space<vmem>>, %arg5: memref<1000x64xf32, #tpu.memory_space<vmem>>) attributes {dimension_semantics = [#tpu.dimension_semantics<arbitrary>], iteration_bounds = array<i64: 10>, scalar_prefetch = 0 : i64, scratch_operands = 0 : i64, tpu.core_type = #tpu.core_type<tc>, window_params = [{transform_indices = @transform_0, window_bounds = array<i64: 1000, 128>}, {pipeline_mode = #tpu.pipeline_mode<synchronous>, transform_indices = @transform_1, window_bounds = array<i64: 64, 128>}, {pipeline_mode = #tpu.pipeline_mode<synchronous>, transform_indices = @transform_2, window_bounds = array<i64: 64, 128>}, {transform_indices = @transform_3, window_bounds = array<i64: 1000, 72>}, {transform_indices = @transform_4, window_bounds = array<i64: 1000, 64>}]} {
    %get3A = arith.constant 0 : index
    %get3A_0 = arith.constant 0 : index
    %get3A_1 = vector.load %arg1[%get3A, %get3A_0] : memref<1000x128xf32, #tpu.memory_space<vmem>>, vector<1000x128xf32>
    %get3A_2 = arith.constant 0 : index
    %get3A_3 = arith.constant 0 : index
    %get3A_4 = vector.load %arg2[%get3A_2, %get3A_3] : memref<64x128xf32, #tpu.memory_space<vmem>>, vector<64x128xf32>
    %dot_general3A = arith.constant dense<0.000000e+00> : vector<1000x64xf32>
    %dot_general3A_5 = tpu.matmul %get3A_1, %get3A_4, %dot_general3A {dimension_numbers = #tpu.dot_dimension_numbers<[1], [1], [0], [0], [0, 0, 1, 0], [], []>, transpose_lhs_hint = false} : vector<1000x128xf32>, vector<64x128xf32>, vector<1000x64xf32> -> vector<1000x64xf32>
    %get3A_6 = arith.constant 0 : index
    %get3A_7 = arith.constant 0 : index
    %get3A_8 = vector.load %arg3[%get3A_6, %get3A_7] : memref<64x128xf32, #tpu.memory_space<vmem>>, vector<64x128xf32>
    %dot_general3A_9 = arith.constant dense<0.000000e+00> : vector<1000x64xf32>
    %dot_general3A_10 = tpu.matmul %get3A_1, %get3A_8, %dot_general3A_9 {dimension_numbers = #tpu.dot_dimension_numbers<[1], [1], [0], [0], [0, 0, 1, 0], [], []>, transpose_lhs_hint = false} : vector<1000x128xf32>, vector<64x128xf32>, vector<1000x64xf32> -> vector<1000x64xf32>
    %broadcast_in_dim3A = arith.constant 0.000000e+00 : f32
    %broadcast_in_dim3A_11 = vector.broadcast %broadcast_in_dim3A : f32 to vector<1000x8xf32>
    %concatenate3A = tpu.concatenate %dot_general3A_5, %broadcast_in_dim3A_11 in 1 : vector<1000x64xf32>, vector<1000x8xf32> -> vector<1000x72xf32>
    %iota3A = tpu.iota {dimensions = array<i32: 1>} : vector<1000x72xi32>
    %eq3A = arith.constant 64 : i32
    %eq3A_12 = vector.broadcast %eq3A : i32 to vector<1000x72xi32>
    %eq3A_13 = arith.cmpi eq, %iota3A, %eq3A_12 : vector<1000x72xi32>
    %jit3A = arith.constant 1.000000e+00 : f32
    %broadcast_in_dim3A_14 = vector.broadcast %jit3A : f32 to vector<1000x72xf32>
    %select_n3A = arith.select %eq3A_13, %broadcast_in_dim3A_14, %concatenate3A : vector<1000x72xi1>, vector<1000x72xf32>
    %swap3A = arith.constant 0 : index
    %swap3A_15 = arith.constant 0 : index
    %swap3A_16 = vector.load %arg4[%swap3A, %swap3A_15] : memref<1000x72xf32, #tpu.memory_space<vmem>>, vector<1000x72xf32>
    tpu.vector_store %arg4[%swap3A, %swap3A_15], %select_n3A {strides = array<i32>} : memref<1000x72xf32, #tpu.memory_space<vmem>>, vector<1000x72xf32>,
    %swap3A_17 = arith.constant 0 : index
    %swap3A_18 = arith.constant 0 : index
    %swap3A_19 = vector.load %arg5[%swap3A_17, %swap3A_18] : memref<1000x64xf32, #tpu.memory_space<vmem>>, vector<1000x64xf32>
    tpu.vector_store %arg5[%swap3A_17, %swap3A_18], %dot_general3A_10 {strides = array<i32>} : memref<1000x64xf32, #tpu.memory_space<vmem>>, vector<1000x64xf32>,
    return
  }
  func.func @transform_0(%arg0: i32) -> (i32, i32) {
    %c0_i32 = arith.constant 0 : i32
    %c0_i32_0 = arith.constant 0 : i32
    return %arg0, %c0_i32 : i32, i32
  }
  func.func @transform_1(%arg0: i32) -> (i32, i32) {
    %c0_i32 = arith.constant 0 : i32
    %c0_i32_0 = arith.constant 0 : i32
    %c0_i32_1 = arith.constant 0 : i32
    return %c0_i32, %c0_i32_0 : i32, i32
  }
  func.func @transform_2(%arg0: i32) -> (i32, i32) {
    %c0_i32 = arith.constant 0 : i32
    %c0_i32_0 = arith.constant 0 : i32
    %c0_i32_1 = arith.constant 0 : i32
    return %c0_i32, %c0_i32_0 : i32, i32
  }
  func.func @transform_3(%arg0: i32) -> (i32, i32) {
    %c0_i32 = arith.constant 0 : i32
    %c0_i32_0 = arith.constant 0 : i32
    return %arg0, %c0_i32 : i32, i32
  }
  func.func @transform_4(%arg0: i32) -> (i32, i32) {
    %c0_i32 = arith.constant 0 : i32
    %c0_i32_0 = arith.constant 0 : i32
    return %arg0, %c0_i32 : i32, i32
  }
}

module attributes {stable_mosaic.version = 14 : i64} {
  func.func @_k2_body(%arg0: i32, %arg1: memref<2x1000x72xf32, #tpu.memory_space<vmem>>, %arg2: memref<1000x64xf32, #tpu.memory_space<vmem>>, %arg3: memref<64xf32, #tpu.memory_space<vmem>>, %arg4: memref<64x64xf32, #tpu.memory_space<vmem>>, %arg5: memref<64xf32, #tpu.memory_space<vmem>>, %arg6: memref<64xf32, #tpu.memory_space<vmem>>, %arg7: memref<2x1000x72xf32, #tpu.memory_space<vmem>>, %arg8: memref<1000x1xf32, #tpu.memory_space<vmem>>, %arg9: memref<1000x1xf32, #tpu.memory_space<vmem>>, %arg10: memref<1000x64xf32, #tpu.memory_space<vmem>>) attributes {dimension_semantics = [#tpu.dimension_semantics<arbitrary>], iteration_bounds = array<i64: 10>, scalar_prefetch = 0 : i64, scratch_operands = 0 : i64, tpu.core_type = #tpu.core_type<tc>, window_params = [{transform_indices = @transform_0, window_bounds = array<i64: 2, 1000, 72>}, {transform_indices = @transform_1, window_bounds = array<i64: 1000, 64>}, {pipeline_mode = #tpu.pipeline_mode<synchronous>, transform_indices = @transform_2, window_bounds = array<i64: 64>}, {pipeline_mode = #tpu.pipeline_mode<synchronous>, transform_indices = @transform_3, window_bounds = array<i64: 64, 64>}, {pipeline_mode = #tpu.pipeline_mode<synchronous>, transform_indices = @transform_4, window_bounds = array<i64: 64>}, {pipeline_mode = #tpu.pipeline_mode<synchronous>, transform_indices = @transform_5, window_bounds = array<i64: 64>}, {transform_indices = @transform_6, window_bounds = array<i64: 2, 1000, 72>}, {transform_indices = @transform_7, window_bounds = array<i64: 1000, 1>}, {transform_indices = @transform_8, window_bounds = array<i64: 1000, 1>}, {transform_indices = @transform_9, window_bounds = array<i64: 1000, 64>}]} {
    %get3A = arith.constant 0 : index
    %get3A_0 = arith.constant 0 : index
    %get3A_1 = arith.constant 0 : index
    %get3A_2 = vector.load %arg1[%get3A, %get3A_0, %get3A_1] : memref<2x1000x72xf32, #tpu.memory_space<vmem>>, vector<1x1000x72xf32>
    %get3A_3 = vector.shape_cast %get3A_2 : vector<1x1000x72xf32> to vector<1000x72xf32>
    %get3A_4 = arith.constant 1 : index
    %get3A_5 = arith.constant 0 : index
    %get3A_6 = arith.constant 0 : index
    %get3A_7 = vector.load %arg1[%get3A_4, %get3A_5, %get3A_6] : memref<2x1000x72xf32, #tpu.memory_space<vmem>>, vector<1x1000x72xf32>
    %get3A_8 = vector.shape_cast %get3A_7 : vector<1x1000x72xf32> to vector<1000x72xf32>
    %add3A = arith.addf %get3A_3, %get3A_8 : vector<1000x72xf32>
    %slice3A = vector.extract_strided_slice %add3A {offsets = [0, 64], sizes = [1000, 1], strides = [1, 1]} : vector<1000x72xf32> to vector<1000x1xf32>
    %squeeze3A = vector.shape_cast %slice3A : vector<1000x1xf32> to vector<1000xf32>
    %max3A = arith.constant 1.000000e+00 : f32
    %max3A_9 = vector.broadcast %max3A : f32 to vector<1000xf32>
    %max3A_10 = arith.maximumf %squeeze3A, %max3A_9 : vector<1000xf32>
    %slice3A_11 = vector.extract_strided_slice %add3A {offsets = [0, 0], sizes = [1000, 64], strides = [1, 1]} : vector<1000x72xf32> to vector<1000x64xf32>
    %broadcast_in_dim3A = vector.shape_cast %max3A_10 : vector<1000xf32> to vector<1000x1xf32>
    %div3A = vector.broadcast %broadcast_in_dim3A : vector<1000x1xf32> to vector<1000x64xf32>
    %div3A_12 = arith.divf %slice3A_11, %div3A : vector<1000x64xf32>
    %get3A_13 = arith.constant 0 : index
    %get3A_14 = arith.constant 0 : index
    %get3A_15 = vector.load %arg2[%get3A_13, %get3A_14] : memref<1000x64xf32, #tpu.memory_space<vmem>>, vector<1000x64xf32>
    %add3A_16 = arith.addf %div3A_12, %get3A_15 : vector<1000x64xf32>
    %get3A_17 = arith.constant 0 : index
    %get3A_18 = vector.load %arg3[%get3A_17] : memref<64xf32, #tpu.memory_space<vmem>>, vector<64xf32>
    %broadcast_in_dim3A_19 = vector.shape_cast %get3A_18 : vector<64xf32> to vector<1x64xf32>
    %add3A_20 = vector.broadcast %broadcast_in_dim3A_19 : vector<1x64xf32> to vector<1000x64xf32>
    %add3A_21 = arith.addf %add3A_16, %add3A_20 : vector<1000x64xf32>
    %max3A_22 = arith.constant 0.000000e+00 : f32
    %max3A_23 = vector.broadcast %max3A_22 : f32 to vector<1000x64xf32>
    %max3A_24 = arith.maximumf %add3A_21, %max3A_23 : vector<1000x64xf32>
    %get3A_25 = arith.constant 0 : index
    %get3A_26 = arith.constant 0 : index
    %get3A_27 = vector.load %arg4[%get3A_25, %get3A_26] : memref<64x64xf32, #tpu.memory_space<vmem>>, vector<64x64xf32>
    %dot_general3A = arith.constant dense<0.000000e+00> : vector<1000x64xf32>
    %dot_general3A_28 = tpu.matmul %max3A_24, %get3A_27, %dot_general3A {dimension_numbers = #tpu.dot_dimension_numbers<[1], [1], [0], [0], [0, 0, 1, 0], [], []>, transpose_lhs_hint = false} : vector<1000x64xf32>, vector<64x64xf32>, vector<1000x64xf32> -> vector<1000x64xf32>
    %get3A_29 = arith.constant 0 : index
    %get3A_30 = vector.load %arg5[%get3A_29] : memref<64xf32, #tpu.memory_space<vmem>>, vector<64xf32>
    %broadcast_in_dim3A_31 = vector.shape_cast %get3A_30 : vector<64xf32> to vector<1x64xf32>
    %mul3A = vector.broadcast %broadcast_in_dim3A_31 : vector<1x64xf32> to vector<1000x64xf32>
    %mul3A_32 = arith.mulf %dot_general3A_28, %mul3A : vector<1000x64xf32>
    %reduce_sum3A = arith.constant dense<0.000000e+00> : vector<1000xf32>
    %reduce_sum3A_33 = vector.multi_reduction <add>, %mul3A_32, %reduce_sum3A [1] : vector<1000x64xf32> to vector<1000xf32>
    %get3A_34 = arith.constant 0 : index
    %get3A_35 = vector.load %arg6[%get3A_34] : memref<64xf32, #tpu.memory_space<vmem>>, vector<64xf32>
    %broadcast_in_dim3A_36 = vector.shape_cast %get3A_35 : vector<64xf32> to vector<1x64xf32>
    %mul3A_37 = vector.broadcast %broadcast_in_dim3A_36 : vector<1x64xf32> to vector<1000x64xf32>
    %mul3A_38 = arith.mulf %dot_general3A_28, %mul3A_37 : vector<1000x64xf32>
    %reduce_sum3A_39 = arith.constant dense<0.000000e+00> : vector<1000xf32>
    %reduce_sum3A_40 = vector.multi_reduction <add>, %mul3A_38, %reduce_sum3A_39 [1] : vector<1000x64xf32> to vector<1000xf32>
    %broadcast_in_dim3A_41 = arith.constant 0.000000e+00 : f32
    %broadcast_in_dim3A_42 = vector.broadcast %broadcast_in_dim3A_41 : f32 to vector<1000x8xf32>
    %concatenate3A = tpu.concatenate %dot_general3A_28, %broadcast_in_dim3A_42 in 1 : vector<1000x64xf32>, vector<1000x8xf32> -> vector<1000x72xf32>
    %iota3A = tpu.iota {dimensions = array<i32: 1>} : vector<1000x72xi32>
    %eq3A = arith.constant 64 : i32
    %eq3A_43 = vector.broadcast %eq3A : i32 to vector<1000x72xi32>
    %eq3A_44 = arith.cmpi eq, %iota3A, %eq3A_43 : vector<1000x72xi32>
    %jit3A = arith.constant 1.000000e+00 : f32
    %broadcast_in_dim3A_45 = vector.broadcast %jit3A : f32 to vector<1000x72xf32>
    %select_n3A = arith.select %eq3A_44, %broadcast_in_dim3A_45, %concatenate3A : vector<1000x72xi1>, vector<1000x72xf32>
    %exp3A = math.exp %reduce_sum3A_33 : vector<1000xf32>
    %broadcast_in_dim3A_46 = vector.shape_cast %exp3A : vector<1000xf32> to vector<1000x1xf32>
    %mul3A_47 = vector.broadcast %broadcast_in_dim3A_46 : vector<1000x1xf32> to vector<1000x72xf32>
    %mul3A_48 = arith.mulf %mul3A_47, %select_n3A : vector<1000x72xf32>
    %swap3A = arith.constant 0 : index
    %swap3A_49 = arith.constant 0 : index
    %swap3A_50 = arith.constant 0 : index
    %swap3A_51 = vector.load %arg7[%swap3A, %swap3A_49, %swap3A_50] : memref<2x1000x72xf32, #tpu.memory_space<vmem>>, vector<1x1000x72xf32>
    %swap3A_52 = vector.shape_cast %swap3A_51 : vector<1x1000x72xf32> to vector<1000x72xf32>
    %swap3A_53 = vector.shape_cast %mul3A_48 : vector<1000x72xf32> to vector<1x1000x72xf32>
    tpu.vector_store %arg7[%swap3A, %swap3A_49, %swap3A_50], %swap3A_53 {strides = array<i32>} : memref<2x1000x72xf32, #tpu.memory_space<vmem>>, vector<1x1000x72xf32>,
    %mul3A_54 = arith.constant 2.000000e-01 : f32
    %mul3A_55 = vector.broadcast %mul3A_54 : f32 to vector<1000xf32>
    %mul3A_56 = arith.mulf %mul3A_55, %reduce_sum3A_33 : vector<1000xf32>
    %exp3A_57 = math.exp %mul3A_56 : vector<1000xf32>
    %broadcast_in_dim3A_58 = vector.shape_cast %exp3A_57 : vector<1000xf32> to vector<1000x1xf32>
    %mul3A_59 = vector.broadcast %broadcast_in_dim3A_58 : vector<1000x1xf32> to vector<1000x72xf32>
    %mul3A_60 = arith.mulf %mul3A_59, %select_n3A : vector<1000x72xf32>
    %swap3A_61 = arith.constant 1 : index
    %swap3A_62 = arith.constant 0 : index
    %swap3A_63 = arith.constant 0 : index
    %swap3A_64 = vector.load %arg7[%swap3A_61, %swap3A_62, %swap3A_63] : memref<2x1000x72xf32, #tpu.memory_space<vmem>>, vector<1x1000x72xf32>
    %swap3A_65 = vector.shape_cast %swap3A_64 : vector<1x1000x72xf32> to vector<1000x72xf32>
    %swap3A_66 = vector.shape_cast %mul3A_60 : vector<1000x72xf32> to vector<1x1000x72xf32>
    tpu.vector_store %arg7[%swap3A_61, %swap3A_62, %swap3A_63], %swap3A_66 {strides = array<i32>} : memref<2x1000x72xf32, #tpu.memory_space<vmem>>, vector<1x1000x72xf32>,
    %broadcast_in_dim3A_67 = vector.shape_cast %reduce_sum3A_33 : vector<1000xf32> to vector<1000x1xf32>
    %swap3A_68 = arith.constant 0 : index
    %swap3A_69 = arith.constant 0 : index
    %swap3A_70 = vector.load %arg8[%swap3A_68, %swap3A_69] : memref<1000x1xf32, #tpu.memory_space<vmem>>, vector<1000x1xf32>
    tpu.vector_store %arg8[%swap3A_68, %swap3A_69], %broadcast_in_dim3A_67 {strides = array<i32>} : memref<1000x1xf32, #tpu.memory_space<vmem>>, vector<1000x1xf32>,
    %broadcast_in_dim3A_71 = vector.shape_cast %reduce_sum3A_40 : vector<1000xf32> to vector<1000x1xf32>
    %swap3A_72 = arith.constant 0 : index
    %swap3A_73 = arith.constant 0 : index
    %swap3A_74 = vector.load %arg9[%swap3A_72, %swap3A_73] : memref<1000x1xf32, #tpu.memory_space<vmem>>, vector<1000x1xf32>
    tpu.vector_store %arg9[%swap3A_72, %swap3A_73], %broadcast_in_dim3A_71 {strides = array<i32>} : memref<1000x1xf32, #tpu.memory_space<vmem>>, vector<1000x1xf32>,
    %swap3A_75 = arith.constant 0 : index
    %swap3A_76 = arith.constant 0 : index
    %swap3A_77 = vector.load %arg10[%swap3A_75, %swap3A_76] : memref<1000x64xf32, #tpu.memory_space<vmem>>, vector<1000x64xf32>
    tpu.vector_store %arg10[%swap3A_75, %swap3A_76], %dot_general3A_28 {strides = array<i32>} : memref<1000x64xf32, #tpu.memory_space<vmem>>, vector<1000x64xf32>,
    return
  }
  func.func @transform_0(%arg0: i32) -> (i32, i32, i32) {
    %c0_i32 = arith.constant 0 : i32
    %c0_i32_0 = arith.constant 0 : i32
    %c0_i32_1 = arith.constant 0 : i32
    return %c0_i32, %arg0, %c0_i32_0 : i32, i32, i32
  }
  func.func @transform_1(%arg0: i32) -> (i32, i32) {
    %c0_i32 = arith.constant 0 : i32
    %c0_i32_0 = arith.constant 0 : i32
    return %arg0, %c0_i32 : i32, i32
  }
  func.func @transform_2(%arg0: i32) -> i32 {
    %c0_i32 = arith.constant 0 : i32
    %c0_i32_0 = arith.constant 0 : i32
    return %c0_i32 : i32
  }
  func.func @transform_3(%arg0: i32) -> (i32, i32) {
    %c0_i32 = arith.constant 0 : i32
    %c0_i32_0 = arith.constant 0 : i32
    %c0_i32_1 = arith.constant 0 : i32
    return %c0_i32, %c0_i32_0 : i32, i32
  }
  func.func @transform_4(%arg0: i32) -> i32 {
    %c0_i32 = arith.constant 0 : i32
    %c0_i32_0 = arith.constant 0 : i32
    return %c0_i32 : i32
  }
  func.func @transform_5(%arg0: i32) -> i32 {
    %c0_i32 = arith.constant 0 : i32
    %c0_i32_0 = arith.constant 0 : i32
    return %c0_i32 : i32
  }
  func.func @transform_6(%arg0: i32) -> (i32, i32, i32) {
    %c0_i32 = arith.constant 0 : i32
    %c0_i32_0 = arith.constant 0 : i32
    %c0_i32_1 = arith.constant 0 : i32
    return %c0_i32, %arg0, %c0_i32_0 : i32, i32, i32
  }
  func.func @transform_7(%arg0: i32) -> (i32, i32) {
    %c0_i32 = arith.constant 0 : i32
    %c0_i32_0 = arith.constant 0 : i32
    return %arg0, %c0_i32 : i32, i32
  }
  func.func @transform_8(%arg0: i32) -> (i32, i32) {
    %c0_i32 = arith.constant 0 : i32
    %c0_i32_0 = arith.constant 0 : i32
    return %arg0, %c0_i32 : i32, i32
  }
  func.func @transform_9(%arg0: i32) -> (i32, i32) {
    %c0_i32 = arith.constant 0 : i32
    %c0_i32_0 = arith.constant 0 : i32
    return %arg0, %c0_i32 : i32, i32
  }
}

module attributes {stable_mosaic.version = 14 : i64} {
  func.func @_k3_body(%arg0: i32, %arg1: memref<2x2x1000x72xf32, #tpu.memory_space<vmem>>, %arg2: memref<1000x1xf32, #tpu.memory_space<vmem>>, %arg3: memref<1000x1xf32, #tpu.memory_space<vmem>>, %arg4: memref<1000x64xf32, #tpu.memory_space<vmem>>, %arg5: memref<64xf32, #tpu.memory_space<vmem>>, %arg6: memref<1000x64xf32, #tpu.memory_space<vmem>>) attributes {dimension_semantics = [#tpu.dimension_semantics<arbitrary>], iteration_bounds = array<i64: 10>, scalar_prefetch = 0 : i64, scratch_operands = 0 : i64, tpu.core_type = #tpu.core_type<tc>, window_params = [{transform_indices = @transform_0, window_bounds = array<i64: 2, 2, 1000, 72>}, {transform_indices = @transform_1, window_bounds = array<i64: 1000, 1>}, {transform_indices = @transform_2, window_bounds = array<i64: 1000, 1>}, {transform_indices = @transform_3, window_bounds = array<i64: 1000, 64>}, {pipeline_mode = #tpu.pipeline_mode<synchronous>, transform_indices = @transform_4, window_bounds = array<i64: 64>}, {transform_indices = @transform_5, window_bounds = array<i64: 1000, 64>}]} {
    %get3A = arith.constant 0 : index
    %get3A_0 = arith.constant 0 : index
    %get3A_1 = arith.constant 0 : index
    %get3A_2 = arith.constant 0 : index
    %get3A_3 = vector.load %arg1[%get3A, %get3A_0, %get3A_1, %get3A_2] : memref<2x2x1000x72xf32, #tpu.memory_space<vmem>>, vector<1x1x1000x72xf32>
    %get3A_4 = vector.shape_cast %get3A_3 : vector<1x1x1000x72xf32> to vector<1000x72xf32>
    %get3A_5 = arith.constant 1 : index
    %get3A_6 = arith.constant 0 : index
    %get3A_7 = arith.constant 0 : index
    %get3A_8 = arith.constant 0 : index
    %get3A_9 = vector.load %arg1[%get3A_5, %get3A_6, %get3A_7, %get3A_8] : memref<2x2x1000x72xf32, #tpu.memory_space<vmem>>, vector<1x1x1000x72xf32>
    %get3A_10 = vector.shape_cast %get3A_9 : vector<1x1x1000x72xf32> to vector<1000x72xf32>
    %add3A = arith.addf %get3A_4, %get3A_10 : vector<1000x72xf32>
    %get3A_11 = arith.constant 0 : index
    %get3A_12 = arith.constant 1 : index
    %get3A_13 = arith.constant 0 : index
    %get3A_14 = arith.constant 0 : index
    %get3A_15 = vector.load %arg1[%get3A_11, %get3A_12, %get3A_13, %get3A_14] : memref<2x2x1000x72xf32, #tpu.memory_space<vmem>>, vector<1x1x1000x72xf32>
    %get3A_16 = vector.shape_cast %get3A_15 : vector<1x1x1000x72xf32> to vector<1000x72xf32>
    %get3A_17 = arith.constant 1 : index
    %get3A_18 = arith.constant 1 : index
    %get3A_19 = arith.constant 0 : index
    %get3A_20 = arith.constant 0 : index
    %get3A_21 = vector.load %arg1[%get3A_17, %get3A_18, %get3A_19, %get3A_20] : memref<2x2x1000x72xf32, #tpu.memory_space<vmem>>, vector<1x1x1000x72xf32>
    %get3A_22 = vector.shape_cast %get3A_21 : vector<1x1x1000x72xf32> to vector<1000x72xf32>
    %add3A_23 = arith.addf %get3A_16, %get3A_22 : vector<1000x72xf32>
    %get3A_24 = arith.constant 0 : index
    %get3A_25 = arith.constant 0 : index
    %get3A_26 = vector.load %arg2[%get3A_24, %get3A_25] : memref<1000x1xf32, #tpu.memory_space<vmem>>, vector<1000x1xf32>
    %squeeze3A = vector.shape_cast %get3A_26 : vector<1000x1xf32> to vector<1000xf32>
    %get3A_27 = arith.constant 0 : index
    %get3A_28 = arith.constant 0 : index
    %get3A_29 = vector.load %arg3[%get3A_27, %get3A_28] : memref<1000x1xf32, #tpu.memory_space<vmem>>, vector<1000x1xf32>
    %squeeze3A_30 = vector.shape_cast %get3A_29 : vector<1000x1xf32> to vector<1000xf32>
    %exp3A = math.exp %squeeze3A_30 : vector<1000xf32>
    %broadcast_in_dim3A = vector.shape_cast %exp3A : vector<1000xf32> to vector<1000x1xf32>
    %mul3A = vector.broadcast %broadcast_in_dim3A : vector<1000x1xf32> to vector<1000x72xf32>
    %mul3A_31 = arith.mulf %mul3A, %add3A : vector<1000x72xf32>
    %mul3A_32 = arith.constant 2.000000e-01 : f32
    %mul3A_33 = vector.broadcast %mul3A_32 : f32 to vector<1000xf32>
    %mul3A_34 = arith.mulf %mul3A_33, %squeeze3A_30 : vector<1000xf32>
    %exp3A_35 = math.exp %mul3A_34 : vector<1000xf32>
    %broadcast_in_dim3A_36 = vector.shape_cast %exp3A_35 : vector<1000xf32> to vector<1000x1xf32>
    %mul3A_37 = vector.broadcast %broadcast_in_dim3A_36 : vector<1000x1xf32> to vector<1000x72xf32>
    %mul3A_38 = arith.mulf %mul3A_37, %add3A_23 : vector<1000x72xf32>
    %add3A_39 = arith.addf %mul3A_31, %mul3A_38 : vector<1000x72xf32>
    %add3A_40 = arith.addf %squeeze3A, %squeeze3A_30 : vector<1000xf32>
    %gt3A = arith.constant 0.000000e+00 : f32
    %gt3A_41 = vector.broadcast %gt3A : f32 to vector<1000xf32>
    %gt3A_42 = arith.cmpf ogt, %add3A_40, %gt3A_41 : vector<1000xf32>
    %exp3A_43 = math.exp %add3A_40 : vector<1000xf32>
    %mul3A_44 = arith.constant 2.000000e-01 : f32
    %mul3A_45 = vector.broadcast %mul3A_44 : f32 to vector<1000xf32>
    %mul3A_46 = arith.mulf %mul3A_45, %add3A_40 : vector<1000xf32>
    %exp3A_47 = math.exp %mul3A_46 : vector<1000xf32>
    %select_n3A = arith.select %gt3A_42, %exp3A_43, %exp3A_47 : vector<1000xi1>, vector<1000xf32>
    %slice3A = vector.extract_strided_slice %add3A_39 {offsets = [0, 0], sizes = [1000, 64], strides = [1, 1]} : vector<1000x72xf32> to vector<1000x64xf32>
    %broadcast_in_dim3A_48 = vector.shape_cast %select_n3A : vector<1000xf32> to vector<1000x1xf32>
    %get3A_49 = arith.constant 0 : index
    %get3A_50 = arith.constant 0 : index
    %get3A_51 = vector.load %arg4[%get3A_49, %get3A_50] : memref<1000x64xf32, #tpu.memory_space<vmem>>, vector<1000x64xf32>
    %mul3A_52 = vector.broadcast %broadcast_in_dim3A_48 : vector<1000x1xf32> to vector<1000x64xf32>
    %mul3A_53 = arith.mulf %mul3A_52, %get3A_51 : vector<1000x64xf32>
    %add3A_54 = arith.addf %slice3A, %mul3A_53 : vector<1000x64xf32>
    %slice3A_55 = vector.extract_strided_slice %add3A_39 {offsets = [0, 64], sizes = [1000, 1], strides = [1, 1]} : vector<1000x72xf32> to vector<1000x1xf32>
    %squeeze3A_56 = vector.shape_cast %slice3A_55 : vector<1000x1xf32> to vector<1000xf32>
    %add3A_57 = arith.addf %squeeze3A_56, %select_n3A : vector<1000xf32>
    %broadcast_in_dim3A_58 = vector.shape_cast %add3A_57 : vector<1000xf32> to vector<1000x1xf32>
    %div3A = vector.broadcast %broadcast_in_dim3A_58 : vector<1000x1xf32> to vector<1000x64xf32>
    %div3A_59 = arith.divf %add3A_54, %div3A : vector<1000x64xf32>
    %get3A_60 = arith.constant 0 : index
    %get3A_61 = vector.load %arg5[%get3A_60] : memref<64xf32, #tpu.memory_space<vmem>>, vector<64xf32>
    %broadcast_in_dim3A_62 = vector.shape_cast %get3A_61 : vector<64xf32> to vector<1x64xf32>
    %add3A_63 = vector.broadcast %broadcast_in_dim3A_62 : vector<1x64xf32> to vector<1000x64xf32>
    %add3A_64 = arith.addf %div3A_59, %add3A_63 : vector<1000x64xf32>
    %reduce_max3A = arith.constant dense<0xFF800000> : vector<1000xf32>
    %reduce_max3A_65 = vector.multi_reduction <maximumf>, %add3A_64, %reduce_max3A [1] : vector<1000x64xf32> to vector<1000xf32>
    %broadcast_in_dim3A_66 = vector.shape_cast %reduce_max3A_65 : vector<1000xf32> to vector<1000x1xf32>
    %sub3A = vector.broadcast %broadcast_in_dim3A_66 : vector<1000x1xf32> to vector<1000x64xf32>
    %sub3A_67 = arith.subf %add3A_64, %sub3A : vector<1000x64xf32>
    %exp3A_68 = math.exp %sub3A_67 : vector<1000x64xf32>
    %reduce_sum3A = arith.constant dense<0.000000e+00> : vector<1000xf32>
    %reduce_sum3A_69 = vector.multi_reduction <add>, %exp3A_68, %reduce_sum3A [1] : vector<1000x64xf32> to vector<1000xf32>
    %broadcast_in_dim3A_70 = vector.shape_cast %reduce_sum3A_69 : vector<1000xf32> to vector<1000x1xf32>
    %log3A = math.log %broadcast_in_dim3A_70 : vector<1000x1xf32>
    %sub3A_71 = vector.broadcast %log3A : vector<1000x1xf32> to vector<1000x64xf32>
    %sub3A_72 = arith.subf %sub3A_67, %sub3A_71 : vector<1000x64xf32>
    %swap3A = arith.constant 0 : index
    %swap3A_73 = arith.constant 0 : index
    %swap3A_74 = vector.load %arg6[%swap3A, %swap3A_73] : memref<1000x64xf32, #tpu.memory_space<vmem>>, vector<1000x64xf32>
    tpu.vector_store %arg6[%swap3A, %swap3A_73], %sub3A_72 {strides = array<i32>} : memref<1000x64xf32, #tpu.memory_space<vmem>>, vector<1000x64xf32>,
    return
  }
  func.func @transform_0(%arg0: i32) -> (i32, i32, i32, i32) {
    %c0_i32 = arith.constant 0 : i32
    %c0_i32_0 = arith.constant 0 : i32
    %c0_i32_1 = arith.constant 0 : i32
    %c0_i32_2 = arith.constant 0 : i32
    return %c0_i32, %c0_i32_0, %arg0, %c0_i32_1 : i32, i32, i32, i32
  }
  func.func @transform_1(%arg0: i32) -> (i32, i32) {
    %c0_i32 = arith.constant 0 : i32
    %c0_i32_0 = arith.constant 0 : i32
    return %arg0, %c0_i32 : i32, i32
  }
  func.func @transform_2(%arg0: i32) -> (i32, i32) {
    %c0_i32 = arith.constant 0 : i32
    %c0_i32_0 = arith.constant 0 : i32
    return %arg0, %c0_i32 : i32, i32
  }
  func.func @transform_3(%arg0: i32) -> (i32, i32) {
    %c0_i32 = arith.constant 0 : i32
    %c0_i32_0 = arith.constant 0 : i32
    return %arg0, %c0_i32 : i32, i32
  }
  func.func @transform_4(%arg0: i32) -> i32 {
    %c0_i32 = arith.constant 0 : i32
    %c0_i32_0 = arith.constant 0 : i32
    return %c0_i32 : i32
  }
  func.func @transform_5(%arg0: i32) -> (i32, i32) {
    %c0_i32 = arith.constant 0 : i32
    %c0_i32_0 = arith.constant 0 : i32
    return %arg0, %c0_i32 : i32, i32
  }
}

</mosaic_0001>

<sc_bundles>
// kernel: kernel.10.cloned.1.call-start
scs
__scs_entry_jumppad:
0x0: {  	(pc) =	sbr.rel $0x88, $3  }
0x1: {  	(tag) =	ssettag $0x0;
	lr =	simm.s32 $0x1  }
0x2: {  	[smem:$0x3F98] =	sst lr;
	_ =	strace $0xD0000000  }
0x3: {  	_ = 	snop  }
0x4: {  	_ = 	snop  }
0x5: {  	_ = 	snop  }
0x6: {  	_ = 	snop  }
0x7: {  	_ = 	snop  }
__scs_overlays_trampoline_lowered:
0x8: {  	[smem:$0x3FA7] =	sst s0  }
0x9: {  	[smem:$0x3FA8] =	sst s1  }
0xa: {  	[smem:$0x3FA9] =	sst s2  }
0xb: {  	[smem:$0x3FAA] =	sst s3  }
0xc: {  	[smem:$0x3FAB] =	sst s4  }
0xd: {  	[smem:$0x3FAC] =	sst s5  }
0xe: {  	[smem:$0x3FAD] =	sst s6  }
0xf: {  	[smem:$0x3FAE] =	sst s7  }
0x10: {  	[smem:$0x3FAF] =	sst s8  }
0x11: {  	[smem:$0x3FB0] =	sst s9;
	s0 =	simm.s32 @!p0 $0x0  }
0x12: {  	s1 =	sld [smem:$0x3F96];
	s0 =	simm.s32 @p0 $0x1  }
0x13: {  	[smem:$0x3FB1] =	sst s0;
	s0 =	simm.s32 @!p1 $0x0  }
0x14: {  	s2 =	sld [smem:$0x3F95];
	s0 =	simm.s32 @p1 $0x1  }
0x15: {  	[smem:$0x3FB2] =	sst s0;
	s0 =	simm.s32 @!p2 $0x0  }
0x16: {  	s3 =	sld [smem:$0x3FDB];
	s0 =	simm.s32 @p2 $0x1  }
0x17: {  	s4 =	simm.s32 $0x1BF5;
	[smem:$0x3FB4] =	sst s0  }
0x18: {  	s0 =	sld [smem:$0x3F97];
	_ =	swait.ge [sflag:s4], $0x0  }
0x19: {  	s7 =	sld [smem:$0x3F98]  }
0x1a: {  	s8 =	sadd.s32 $0xFFFFE003, lr  }
0x1b: {  	s9 =	sadd.s32 $0xFFFFFEF7, lr;
	s5 =	simm.s32 $0xFFFFFFFF;
	p2 =	slt.u32 s8, $0xFFFFF086  }
0x1c: {  	p1 =	slt.u32 s9, $0xF7A;
	s5 =	simm.s32 @!p2 $0x0  }
0x1d: {  	s5 =	simm.s32 @p1 $0x1;
	p0 =	seq.s32 s7, s2  }
0x1e: {  	s7 =	smul.u32 @!p0 $0xF7A, s2;
	p2 =	seq.s32 @!p0 s5, $0x0  }
0x1f: {  	s9 =	smul.u32 $0xF7A, s1;
	s8 =	simm.s32 @!p0 $0x1BF5;
	p2 =	por !p2, p0  }
0x20: {  	[sflag:s8] =	ssyncset.s32 @!p0 $0xFFFFF086;
	s6 =	sadd.s32 @!p0 s3, s7;
	s7 =	simm.s32 @!p0 $0x108  }
0x21: {  	s3 =	sadd.s32 s3, s9;
	s6 =	sadd.s32 @!p0 $0x88, s6;
	s7 =	simm.s32 @p2 $0x1082  }
0x22: {  	[simem:s7], [sflag:s8] =	dma.local @!p0 [hbm:s6], $0xF7A  }
0x23: {  	s9 =	sor.u32 $0xD0000000, s2;
	s6 =	simm.s32 $0x108;
	_ =	swait.ge @!p0 [sflag:s8], $0x0  }
0x24: {  	s3 =	sadd.s32 $0x88, s3;
	s6 =	simm.s32 @!p1 $0x1082;
	[sflag:s4] =	ssyncset.s32 $0xFFFFF086  }
0x25: {  	[simem:s6], [sflag:s4] =	dma.local [hbm:s3], $0xF7A  }
0x26: {  	[smem:$0x3F98] =	sst s1;
	(tag) =	ssettag s2;
	_ =	strace s9  }
0x27: {  	s1 =	sld [smem:$0x3FA8]  }
0x28: {  	s2 =	sld [smem:$0x3FA9]  }
0x29: {  	s4 =	sld [smem:$0x3FAB]  }
0x2a: {  	p0 =	seq.s32 s5, $0x0;
	s5 =	sld [smem:$0x3FAC]  }
0x2b: {  	s6 =	sld [smem:$0x3FAD]  }
0x2c: {  	s7 =	sld [smem:$0x3FAE]  }
0x2d: {  	s3 =	simm.s32 $0x108;
	s8 =	sld [smem:$0x3FAF]  }
0x2e: {  	s3 =	simm.s32 @!p0 $0x1082;
	s9 =	sld [smem:$0x3FB0]  }
0x2f: {  	lr =	sadd.s32 s0, s3;
	s0 =	sld [smem:$0x3FA7]  }
0x30: {  	s3 =	sld [smem:$0x3FAA]  }
0x31: {  	[smem:$0x3FB3] =	sst s10  }
0x32: {  	s10 =	sld [smem:$0x3FB1];
	_ =	sdelay $0x3  }
0x33: {  	p0 =	seq.s32 s10, $0x1;
	s10 =	sld [smem:$0x3FB3];
	_ =	sdelay $0x3  }
0x34: {  	[smem:$0x3FB3] =	sst s10  }
0x35: {  	s10 =	sld [smem:$0x3FB2];
	_ =	sdelay $0x3  }
0x36: {  	p1 =	seq.s32 s10, $0x1;
	s10 =	sld [smem:$0x3FB3];
	_ =	sdelay $0x3  }
0x37: {  	[smem:$0x3FB3] =	sst s10  }
0x38: {  	s10 =	sld [smem:$0x3FB4]  }
0x39: {  	_ = 	snop;
	(pc) =	sbr.ind lr, $3  }
0x3a: {  	_ = 	snop  }
0x3b: {  	_ = 	snop  }
0x3c: {  	p2 =	seq.s32 s10, $0x1;
	s10 =	sld [smem:$0x3FB3]  }
0x3d: {  	_ =	shalt  }
0x3e: {  	_ =	shalt  }
0x3f: {  	_ =	shalt  }
0x40: {  	_ =	shalt  }
0x41: {  	_ =	shalt  }
0x42: {  	_ =	shalt  }
0x43: {  	_ =	shalt  }
0x44: {  	_ =	shalt  }
0x45: {  	_ =	shalt  }
0x46: {  	_ =	shalt  }
0x47: {  	_ =	shalt  }
0x48: {  	_ =	shalt  }
0x49: {  	_ =	shalt  }
0x4a: {  	_ =	shalt  }
0x4b: {  	_ =	shalt  }
0x4c: {  	_ =	shalt  }
0x4d: {  	_ =	shalt  }
0x4e: {  	_ =	shalt  }
0x4f: {  	_ =	shalt  }
0x50: {  	_ =	shalt  }
0x51: {  	_ =	shalt  }
0x52: {  	_ =	shalt  }
0x53: {  	_ =	shalt  }
0x54: {  	_ =	shalt  }
0x55: {  	_ =	shalt  }
0x56: {  	_ =	shalt  }
0x57: {  	_ =	shalt  }
0x58: {  	_ =	shalt  }
0x59: {  	_ =	shalt  }
0x5a: {  	_ =	shalt  }
0x5b: {  	_ =	shalt  }
0x5c: {  	_ =	shalt  }
0x5d: {  	_ =	shalt  }
0x5e: {  	_ =	shalt  }
0x5f: {  	_ =	shalt  }
0x60: {  	_ =	shalt  }
0x61: {  	_ =	shalt  }
0x62: {  	_ =	shalt  }
0x63: {  	_ =	shalt  }
0x64: {  	_ =	shalt  }
0x65: {  	_ =	shalt  }
0x66: {  	_ =	shalt  }
0x67: {  	_ =	shalt  }
0x68: {  	_ =	shalt  }
0x69: {  	_ =	shalt  }
0x6a: {  	_ =	shalt  }
0x6b: {  	_ =	shalt  }
0x6c: {  	_ =	shalt  }
0x6d: {  	_ =	shalt  }
0x6e: {  	_ =	shalt  }
0x6f: {  	_ =	shalt  }
0x70: {  	_ =	shalt  }
0x71: {  	_ =	shalt  }
0x72: {  	_ =	shalt  }
0x73: {  	_ =	shalt  }
0x74: {  	_ =	shalt  }
0x75: {  	_ =	shalt  }
0x76: {  	_ =	shalt  }
0x77: {  	_ =	shalt  }
0x78: {  	_ =	shalt  }
0x79: {  	_ =	shalt  }
0x7a: {  	_ =	shalt  }
0x7b: {  	_ =	shalt  }
0x7c: {  	_ =	shalt  }
0x7d: {  	_ =	shalt  }
0x7e: {  	_ =	shalt  }
0x7f: {  	_ =	shalt  }
0x80: {  	_ =	shalt  }
0x81: {  	_ =	shalt  }
0x82: {  	_ =	shalt  }
0x83: {  	_ =	shalt  }
0x84: {  	_ =	shalt  }
0x85: {  	_ =	shalt  }
0x86: {  	_ =	shalt  }
0x87: {  	_ =	shalt  }
.Lfunc_end0:
.L_simem_size_0:
called_computation.1_lowered:
.L_overlay_start_0:
0x88: {  	s2 =	sld [smem:$0x3FD9]  }
0x89: {  	s3 =	sld [smem:$0x3FFE];
	_ =	sdelay $0x1  }
0x8a: {  	s1 =	srdreg.scid  }
0x8b: {  	s0 =	sand.u32 $0x1, s1  }
0x8c: {  	s17 =	sshll.u32 s0, $0xA;
	s2 =	sadd.s32 s3, s2  }
0x8d: {  	s2 =	sadd.s32 s2, s17  }
0x8e: {  	[smem:$0x3FBF] =	sst s2  }
0x8f: {  	_ = 	snop  }
0x90: {  	s2 =	sld [smem:$0x3FD0];
	(tm) =	ssettm $0x1  }
0x91: {  	s18 =	sld [smem:$0x3FFB];
	_ =	sdelay $0x3  }
0x92: {  	_ =	strace s18  }
0x93: {  	s3 =	sld [smem:$0x3FFC];
	_ =	sdelay $0x3  }
0x94: {  	_ =	strace s3  }
0x95: {  	s3 =	sld [smem:$0x3FFD];
	_ =	sdelay $0x3  }
0x96: {  	_ =	strace s3  }
0x97: {  	_ =	strace $0x8FFFFFFF  }
0x98: {  	s19 =	sld [smem:$0x3FDB];
	_ =	sdelay $0x1  }
0x99: {  	s4 =	simm.s32 $_scs_section_size  }
0x9a: {  	s5 =	simm.s32 $_size__tile_overlayer_lowered;
	s6 =	simm.s32 $_tile_overlayer_lowered  }
0x9b: {  	s22 =	simm.s32 $0x1BFF;
	s21 =	sshll.u32 s6, $0x1;
	s3 =	sadd.s32 s4, s19  }
0x9c: {  	s7 =	simm.s32 $0x0;
	s20 =	sshll.u32 s5, $0x1;
	s5 =	sadd.s32 s21, s3  }
0x9d: {  	[timem:s7], [sflag:s22] =	dma.local [hbm:s5], s20  }
0x9e: {  	_ =	swait.ge [sflag:s22], s20  }
0x9f: {  	s4 =	ssub.s32 $0x0, s20;
	[sflag:s22] =	ssyncset.done $0x0  }
0xa0: {  	[sflag:s22] =	ssyncadd.s32 s4;
	_ =	sdelay $0x1  }
0xa1: {  	s23 =	simm.s32 $0x1B8B  }
0xa2: {  	_ =	swait.ge [sflag:s23], $0x1  }
0xa3: {  	[sflag:s23] =	ssyncset.done $0x0  }
0xa4: {  	s25 =	simm.s32 $0x1B8E;
	s24 =	sld [smem:$0x3FFE];
	[sflag:s23] =	ssyncadd.s32 $0xFFFFFFFF  }
0xa5: {  	s26 =	simm.s32 $execute0_lowered;
	[smem:$0x3FD2] =	sst s25  }
0xa6: {  	s5 =	sshll.u32 s26, $0x1;
	_ =	strace $0x80000049;
	[dreg:$0x1] =	wrdreg $0xFFFFFFFF  }
0xa7: {  	s28 =	simm.s32 $_size_execute0_lowered;
	s3 =	sadd.s32 s3, s5;
	[dreg:$0x0] =	wrdreg $0x0  }
0xa8: {  	s5 =	sshll.u32 s28, $0x1;
	[dreg:$0x2] =	wrdreg s3  }
0xa9: {  	[dreg:$0x3] =	wrdreg s5  }
0xaa: {  	[dreg:$0x4] =	wrdreg $0xC0  }
0xab: {  	_ =	task [dreg:s7], $0x5FFFF  }
0xac: {  	[dreg:$0x1] =	wrdreg $0xFFFFFFFF  }
0xad: {  	[dreg:$0x0] =	wrdreg $0x60  }
0xae: {  	[dreg:$0x2] =	wrdreg s24  }
0xaf: {  	[dreg:$0x3] =	wrdreg s2  }
0xb0: {  	[dreg:$0x4] =	wrdreg $0x0  }
0xb1: {  	[dreg:$0x5] =	wrdreg $0x9  }
0xb2: {  	_ =	task.clear_ibuf [dreg:s7], $0x6FFFF;
	_ =	strace $0x90000049  }
0xb3: {  	s29 =	simm.s32 $0x9;
	_ =	strace $0x8000004B  }
0xb4: {  	_ =	swait.ge [sflag:s29], $0x1  }
0xb5: {  	[sflag:s29] =	ssyncadd.s32 $0xFFFFFFFF  }
0xb6: {  	_ =	strace $0x9000004B  }
0xb7: {  	_ =	sfence  }
0xb8: {  	s30 =	sld [smem:$0x0];
	_ =	sdelay $0x2  }
0xb9: {  	s31 =	sshll.u32 s1, $0xD;
	s1 =	sshrl.u32 s1, $0x2  }
0xba: {  	s3 =	sand.u32 $0x4000, s31;
	s1 =	sadd.s32 s1, s30  }
0xbb: {  	s0 =	sor.u32 s3, s0;
	s1 =	sshll.u32 s1, $0x11  }
0xbc: {  	s0 =	sor.u32 s1, s0  }
0xbd: {  	s0 =	sadd.s32 $0x8F2B, s0  }
0xbe: {  	[sflag:s0] =	ssyncadd.remote.s32 $0x1  }
0xbf: {  	_ =	sfence.sel $0xFFFF  }
0xc0: {  	[dreg:$0x0] =	wrdreg $0xFFFFFFFF;
	(pc) =	sbr.abs _section_cstart, $3  }
0xc1: {  	[dreg:$0x1] =	wrdreg $0xFFFFFFFF  }
0xc2: {  	_ =	task.clear_ibuf [dreg:s7], $0x2FFFF;
	_ =	strace $0x9FFFFFFF  }
0xc3: {  	(tm) =	ssettm $0x7FFFFFFF  }
tec
execute0_lowered:
.L_overlay_start_1:
0x0: {  	(tag) =	ssettag $0x1  }
0x1: {  	s0 =	rddreg [dreg:$0x0]  }
0x2: {  	s1 =	rddreg [dreg:$0x1]  }
0x3: {  	s2 =	rddreg [dreg:$0x2]  }
0x4: {  	s4 =	srdreg.scid;
	s11 =	stileid.u32  }
0x5: {  	s3 =	simm.s32 $0x0;
	s28 =	simm.s32 $0x80;
	s29 =	simm.s32 $0x1B3C0  }
0x6: {  	s30 =	simm.s32 $0x1B7C0;
	s31 =	simm.s32 $0x3;
	s15 =	simm.s32 $0x1B740  }
0x7: {  	s18 =	simm.s32 $0x0;
	s5 =	sand.u32 $0x1, s4;
	s6 =	smul.u32 $0x16140, s11  }
0x8: {  	[smem:$0x7FF] =	sst s3;
	s4 =	sadd.s32 $0x23400, s0;
	s8 =	sadd.s32 $0xA600, s0  }
0x9: {  	s19 =	sadd.s32 $0xAC00, s0;
	s20 =	sadd.s32 $0x800, s0;
	s10 =	sadd.s32 $0x20600, s0  }
0xa: {  	s22 =	sshll.u32 s11, $0x6;
	_ =	strace $0x8000004A;
	[dreg:$0x4] =	wrdreg s8  }
0xb: {  	s23 =	sshll.u32 s11, $0x5;
	p0 =	slt.u32 s11, $0x2;
	[dreg:$0x5] =	wrdreg s19  }
0xc: {  	s7 =	smul.u32 $0x161400, s5;
	s9 =	ssub.s32 $0x2, s5;
	[dreg:$0x6] =	wrdreg s10  }
0xd: {  	s14 =	sor.u32 $0x1C06, s22;
	s5 =	sshll.u32 s5, $0x4;
	s26 =	sadd.s32 s23, s20  }
0xe: {  	s10 =	simm.s32 $0x6;
	s22 =	simm.s32 $0x1B440;
	s21 =	sshrl.u32 s9, $0x1  }
0xf: {  	s24 =	sor.u32 s5, s23;
	s16 =	sadd.s32 s5, s26;
	s26 =	simm.s32 $0x1  }
0x10: {  	[dreg:$0x7] =	wrdreg s14;
	s7 =	sadd.s32 s6, s7;
	s6 =	sadd.s32 s6, s2  }
0x11: {  	s12 =	sadd.s32 s20, s24;
	s11 =	sadd.s32 s1, s24;
	s1 =	sadd.s32 s23, s1  }
0x12: {  	s20 =	simm.s32 $0x16140;
	s24 =	simm.s32 $0x1B040;
	[dreg:$0x8] =	wrdreg s12  }
0x13: {  	s23 =	simm.s32 $0x1DBC0;
	s7 =	sshrl.u32 s7, $0x3;
	[dreg:$0x9] =	wrdreg s11  }
0x14: {  	s17 =	sadd.s32 s5, s1;
	s8 =	sshrl.u32 s6, $0x3;
	s1 =	simm.s32 $0x2  }
0x15: {  	s5 =	simm.s32 $0x1B640;
	s6 =	simm.s32 $0x4;
	s11 =	simm.s32 $0x5  }
.Ltmp0:
0x16: {  	s0 =	sadd.s32 s7, s0;
	s7 =	ssub.s32 s9, s21;
	(pc) =	sbr.rel .LBB2_1-.Ltmp0, $4  }
0x17: {  	s9 =	simm.s32 $0x4F;
	s21 =	simm.s32 $0x18880;
	[dreg:$0xc] =	wrdreg s8  }
0x18: {  	s9 =	simm.s32 @!p0 $0x4E;
	s0 =	sadd.s32 $0x4F800, s0;
	s25 =	smax.u32 s7, $0x1  }
0x19: {  	s12 =	sadd.s32 $0xFFFFFFFE, s9;
	s13 =	sadd.s32 $0xFFFFFFFD, s9;
	[dreg:$0xa] =	wrdreg s0  }
0x1a: {  	v0 =	vimm.s32 $0x0;
	[dreg:$0xb] =	wrdreg s25;
	s25 =	simm.s32 $0x1B240;
	s0 =	simm.s32 $0x1B5C0  }
.LBB2_7:
0x1b: {  	_ =	swait.ge [sflag:s6], $0x2400  }
0x1c: {  	[sflag:s6] =	ssyncset.done $0x0  }
0x1d: {  	[sflag:s6] =	ssyncadd.s32 $0xFFFFDC00  }
0x1e: {  	_ =	swait.ge [sflag:s11], $0x2400  }
0x1f: {  	[sflag:s11] =	ssyncset.done $0x0  }
0x20: {  	[sflag:s11] =	ssyncadd.s32 $0xFFFFDC00  }
0x21: {  	[bflag:$0x0] =	sbarrier.arrive $0xFFFF  }
0x22: {  	s14 =	rddreg [dreg:$0x7]  }
0x23: {  	s7 =	rddreg [dreg:$0xa]  }
0x24: {  	s10 =	simm.s32 $0x6;
	s8 =	rddreg [dreg:$0xc]  }
0x25: {  	[hbm:s7], [sflag:s14] =	dma.local [spmem:s8], $0x2C28  }
0x26: {  	_ =	swait.ge [sflag:s10], $0x2C28  }
0x27: {  	s18 =	rddreg [dreg:$0xd]  }
0x28: {  	s19 =	rddreg [dreg:$0xb];
	s18 =	sadd.s32 $0x1, s18  }
0x29: {  	p0 =	sne.s32 s18, s19  }
.Ltmp1:
0x2a: {  	_ = 	snop;
	(pc) =	sbr.rel @!p0 .LBB2_8-.Ltmp1, $3  }
0x2b: {  	_ =	sdelay $0x1  }
0x2c: {  	[sflag:s10] =	ssyncset.done $0x0  }
0x2d: {  	[sflag:s10] =	ssyncadd.s32 $0xFFFFD3D8  }
.LBB2_1:
0x2e: {  	[dreg:$0xd] =	wrdreg s18  }
0x2f: {  	s7 =	rddreg [dreg:$0x6]  }
0x30: {  	[spmem:s8], [sflag:s14] =	dma.local [hbm:s7], $0x2C28  }
0x31: {  	_ =	swait.ge [sflag:s10], $0x2C28  }
0x32: {  	[sflag:s10] =	ssyncset.done $0x0  }
0x33: {  	s19 =	rddreg [dreg:$0x4];
	[sflag:s10] =	ssyncadd.s32 $0xFFFFD3D8  }
0x34: {  	[tilespmem:s20], [sflag:$0x6] =	stream.linear.gather [hbm4b:s19+s3], $0x2710, $0x38;
	v63 =	vld [tilespmem:$0x0]  }
0x35: {  	_ =	swait.ge [sflag:s10], $0x2710  }
0x36: {  	[sflag:s10] =	ssyncset.done $0x0  }
0x37: {  	s8 =	rddreg [dreg:$0x5];
	[sflag:s10] =	ssyncadd.s32 $0xFFFFD8F0  }
0x38: {  	[tilespmem:s21], [sflag:$0x6] =	stream.linear.gather [hbm4b:s8+s3], $0x2710, $0x38;
	v63 =	vld [tilespmem:$0x0]  }
0x39: {  	_ =	swait.ge [sflag:s10], $0x2710  }
0x3a: {  	[sflag:s10] =	ssyncset.done $0x0  }
0x3b: {  	[sflag:s10] =	ssyncadd.s32 $0xFFFFD8F0  }
0x3c: {  	[bflag:$0x0] =	sbarrier.arrive $0xFFFF  }
.Ltmp2:
0x3d: {  	s14 =	simm.s32 $0x1AFC0;
	s10 =	rddreg [dreg:$0x8];
	(pc) =	sbr.rel .LBB2_2-.Ltmp2, $4  }
0x3e: {  	[tilespmem:s14], [sflag:$0x1] =	stream.linear.gather [hbm4b:s10+s3], $0x80, $0x38;
	v63 =	vld [tilespmem:$0x0]  }
0x3f: {  	s19 =	simm.s32 $0x1B1C0;
	s18 =	rddreg [dreg:$0x9]  }
0x40: {  	[tilespmem:s19], [sflag:$0x1] =	stream.linear.gather [hbm4b:s18+s3], $0x80, $0x38;
	v63 =	vld [tilespmem:$0x0]  }
0x41: {  	s18 =	simm.s32 $0x4;
	s19 =	simm.s32 $0x0  }
.LBB2_6:
0x42: {  	s19 =	sadd.s32 $0x800, s19  }
0x43: {  	p0 =	sne.s32 s19, $0xA000  }
.Ltmp3:
0x44: {  	_ = 	snop;
	(pc) =	sbr.rel @!p0 .LBB2_7-.Ltmp3, $2  }
0x45: {  	_ =	sdelay $0x2  }
0x46: {  	s18 =	sadd.s32 $0x4, s18  }
.LBB2_2:
0x47: {  	s8 =	sadd.s32 s19, s16  }
0x48: {  	s10 =	sadd.s32 s19, s17;
	s8 =	sadd.s32 $0x200, s8  }
0x49: {  	[tilespmem:s24], [sflag:$0x2] =	stream.linear.gather [hbm4b:s8+s3], $0x80, $0x38;
	v63 =	vld [tilespmem:$0x0]  }
0x4a: {  	s8 =	sadd.s32 $0x200, s10  }
0x4b: {  	[tilespmem:s25], [sflag:$0x2] =	stream.linear.gather [hbm4b:s8+s3], $0x80, $0x38;
	v63 =	vld [tilespmem:$0x0]  }
0x4c: {  	_ =	swait.ge [sflag:s26], $0x80  }
0x4d: {  	[sflag:s26] =	ssyncset.done $0x0  }
0x4e: {  	[sflag:s26] =	ssyncadd.s32 $0xFFFFFF80  }
0x4f: {  	_ =	swait.ge [sflag:s26], $0x80  }
0x50: {  	[sflag:s26] =	ssyncset.done $0x0  }
0x51: {  	[sflag:s26] =	ssyncadd.s32 $0xFFFFFF80  }
0x52: {  	v1 =	vld [tilespmem:$0x1AFC0]  }
0x53: {  	v2 =	vld [tilespmem:$0x1B1C0];
	_ =	sdelay $0x6  }
0x54: {  	v3 =	vld.idx.msk [tilespmem:v1+s20+$0x0], $0xffff  }
0x55: {  	v4 =	vld.idx.msk [tilespmem:v2+s21+$0x0], $0xffff;
	_ =	sdelay $0x3  }
0x56: {  	v5 =	vld [tilespmem:$0x1AFD0]  }
0x57: {  	v41 =	vld [tilespmem:$0x1B1D0];
	v3 =	vadd.f32 v4, v3;
	_ =	sdelay $0x1  }
0x58: {  	vm0 =	vle.f32 v3, $0.0e+00  }
0x59: {  	v3 =	vsel vm0, $0x2740, v0  }
0x5a: {  	v1 =	vadd.s32 v1, v3  }
0x5b: {  	[tilespmem:$0x1B3C0] =	vst v1;
	v1 =	vadd.s32 v2, v3  }
0x5c: {  	[tilespmem:$0x1B5C0] =	vst v1  }
0x5d: {  	v1 =	vld.idx.msk [tilespmem:v5+s20+$0x0], $0xffff  }
0x5e: {  	v2 =	vld.idx.msk [tilespmem:v41+s21+$0x0], $0xffff;
	_ =	sdelay $0x3  }
0x5f: {  	v3 =	vld [tilespmem:$0x1AFE0]  }
0x60: {  	v1 =	vadd.f32 v2, v1;
	v2 =	vld [tilespmem:$0x1B1E0];
	_ =	sdelay $0x1  }
0x61: {  	vm13 =	vle.f32 v1, $0.0e+00  }
0x62: {  	v1 =	vsel vm13, $0x2740, v0  }
0x63: {  	v5 =	vadd.s32 v5, v1  }
0x64: {  	v1 =	vadd.s32 v41, v1;
	[tilespmem:$0x1B3D0] =	vst v5  }
0x65: {  	[tilespmem:$0x1B5D0] =	vst v1  }
0x66: {  	v1 =	vld.idx.msk [tilespmem:v3+s20+$0x0], $0xffff  }
0x67: {  	v42 =	vld.idx.msk [tilespmem:v2+s21+$0x0], $0xffff;
	_ =	sdelay $0x3  }
0x68: {  	v43 =	vld [tilespmem:$0x1AFF0]  }
0x69: {  	v44 =	vld [tilespmem:$0x1B1F0];
	v1 =	vadd.f32 v42, v1;
	_ =	sdelay $0x1  }
0x6a: {  	vm14 =	vle.f32 v1, $0.0e+00  }
0x6b: {  	v1 =	vsel vm14, $0x2740, v0  }
0x6c: {  	v3 =	vadd.s32 v3, v1  }
0x6d: {  	v1 =	vadd.s32 v2, v1;
	[tilespmem:$0x1B3E0] =	vst v3  }
0x6e: {  	[tilespmem:$0x1B5E0] =	vst v1  }
0x6f: {  	v1 =	vld.idx.msk [tilespmem:v43+s20+$0x0], $0xffff  }
0x70: {  	v2 =	vld.idx.msk [tilespmem:v44+s21+$0x0], $0xffff;
	_ =	sdelay $0x3  }
0x71: {  	v3 =	vld [tilespmem:$0x1B000]  }
0x72: {  	v1 =	vadd.f32 v2, v1;
	v2 =	vld [tilespmem:$0x1B200];
	_ =	sdelay $0x1  }
0x73: {  	vm15 =	vle.f32 v1, $0.0e+00  }
0x74: {  	v1 =	vsel vm15, $0x2740, v0  }
0x75: {  	v5 =	vadd.s32 v43, v1  }
0x76: {  	v1 =	vadd.s32 v44, v1;
	[tilespmem:$0x1B3F0] =	vst v5  }
0x77: {  	[tilespmem:$0x1B5F0] =	vst v1  }
0x78: {  	v1 =	vld.idx.msk [tilespmem:v3+s20+$0x0], $0xffff  }
0x79: {  	v45 =	vld.idx.msk [tilespmem:v2+s21+$0x0], $0xffff;
	_ =	sdelay $0x3  }
0x7a: {  	v46 =	vld [tilespmem:$0x1B010]  }
0x7b: {  	v47 =	vld [tilespmem:$0x1B210];
	v1 =	vadd.f32 v45, v1;
	_ =	sdelay $0x1  }
0x7c: {  	vm4 =	vle.f32 v1, $0.0e+00  }
0x7d: {  	v1 =	vsel vm4, $0x2740, v0  }
0x7e: {  	v3 =	vadd.s32 v3, v1  }
0x7f: {  	v1 =	vadd.s32 v2, v1;
	[tilespmem:$0x1B400] =	vst v3  }
0x80: {  	[tilespmem:$0x1B600] =	vst v1  }
0x81: {  	v1 =	vld.idx.msk [tilespmem:v46+s20+$0x0], $0xffff  }
0x82: {  	v2 =	vld.idx.msk [tilespmem:v47+s21+$0x0], $0xffff;
	_ =	sdelay $0x3  }
0x83: {  	v3 =	vld [tilespmem:$0x1B020]  }
0x84: {  	v1 =	vadd.f32 v2, v1;
	v2 =	vld [tilespmem:$0x1B220];
	_ =	sdelay $0x1  }
0x85: {  	vm5 =	vle.f32 v1, $0.0e+00  }
0x86: {  	v1 =	vsel vm5, $0x2740, v0  }
0x87: {  	v5 =	vadd.s32 v46, v1  }
0x88: {  	v1 =	vadd.s32 v47, v1;
	[tilespmem:$0x1B410] =	vst v5  }
0x89: {  	[tilespmem:$0x1B610] =	vst v1  }
0x8a: {  	v1 =	vld.idx.msk [tilespmem:v3+s20+$0x0], $0xffff  }
0x8b: {  	v48 =	vld.idx.msk [tilespmem:v2+s21+$0x0], $0xffff;
	_ =	sdelay $0x3  }
0x8c: {  	v49 =	vld [tilespmem:$0x1B030]  }
0x8d: {  	v50 =	vld [tilespmem:$0x1B230];
	v1 =	vadd.f32 v48, v1;
	_ =	sdelay $0x1  }
0x8e: {  	vm6 =	vle.f32 v1, $0.0e+00  }
0x8f: {  	v1 =	vsel vm6, $0x2740, v0  }
0x90: {  	v3 =	vadd.s32 v3, v1  }
0x91: {  	v1 =	vadd.s32 v2, v1;
	[tilespmem:$0x1B420] =	vst v3  }
0x92: {  	[tilespmem:$0x1B620] =	vst v1  }
0x93: {  	v1 =	vld.idx.msk [tilespmem:v49+s20+$0x0], $0xffff  }
0x94: {  	v2 =	vld.idx.msk [tilespmem:v50+s21+$0x0], $0xffff;
	_ =	sdelay $0x4  }
0x95: {  	v1 =	vadd.f32 v2, v1;
	_ =	sdelay $0x1  }
0x96: {  	vm7 =	vle.f32 v1, $0.0e+00  }
0x97: {  	v1 =	vsel vm7, $0x2740, v0  }
0x98: {  	v2 =	vadd.s32 v49, v1  }
0x99: {  	p0 =	seq.s32 s19, $0x0;
	v1 =	vadd.s32 v50, v1;
	[tilespmem:$0x1B430] =	vst v2  }
0x9a: {  	s8 =	simm.s32 @!p0 $0x4;
	[tilespmem:$0x1B630] =	vst v1  }
0x9b: {  	_ =	swait.ge @!p0 [sflag:s8], $0x2400  }
0x9c: {  	[sflag:s8] =	ssyncset.done @!p0 $0x0  }
0x9d: {  	[sflag:s8] =	ssyncadd.s32 @!p0 $0xFFFFDC00  }
0x9e: {  	[tilespmem:s30], [sflag:$0x3] =	stream.indirect.gather [hbm4b:s4+s28], $0x48, s29, s28, $0xb8;
	v63 =	vld [tilespmem:$0x0]  }
0x9f: {  	s14 =	sadd.s32 $0xFFFFFFFE, s18;
	_ =	swait.ge [sflag:s31], $0x2400  }
0xa0: {  	p1 =	sge.u32 s14, s9;
	[sflag:s31] =	ssyncset.done $0x0  }
0xa1: {  	s8 =	sadd.s32 @!p1 s19, s16;
	[sflag:s31] =	ssyncadd.s32 $0xFFFFDC00  }
0xa2: {  	[spmem:s2] =	stream.indirect.scatter.add.f32 [tilespmem:s30], [sflag:$0x4], $0x48, s0, s28, $0xb8;
	v63 =	vld [tilespmem:$0x0]  }
0xa3: {  	s7 =	simm.s32 @!p1 $0x0;
	s10 =	simm.s32 @!p1 $0x1B0C0;
	s8 =	sadd.s32 @!p1 $0x400, s8  }
0xa4: {  	[tilespmem:s10], [sflag:$0x1] =	stream.linear.gather @!p1 [hbm4b:s8+s7], $0x80, $0x38;
	v63 =	vld [tilespmem:$0x0]  }
0xa5: {  	s8 =	sadd.s32 @!p1 s19, s17  }
0xa6: {  	s10 =	simm.s32 @!p1 $0x1B2C0;
	s8 =	sadd.s32 @!p1 $0x400, s8  }
0xa7: {  	[tilespmem:s10], [sflag:$0x1] =	stream.linear.gather @!p1 [hbm4b:s8+s7], $0x80, $0x38;
	v63 =	vld [tilespmem:$0x0]  }
0xa8: {  	_ =	swait.ge [sflag:s1], $0x80  }
0xa9: {  	[sflag:s1] =	ssyncset.done $0x0  }
0xaa: {  	[sflag:s1] =	ssyncadd.s32 $0xFFFFFF80  }
0xab: {  	_ =	swait.ge [sflag:s1], $0x80  }
0xac: {  	[sflag:s1] =	ssyncset.done $0x0  }
0xad: {  	[sflag:s1] =	ssyncadd.s32 $0xFFFFFF80  }
0xae: {  	v1 =	vld [tilespmem:$0x1B040]  }
0xaf: {  	v2 =	vld [tilespmem:$0x1B240];
	_ =	sdelay $0x6  }
0xb0: {  	v3 =	vld.idx.msk [tilespmem:v1+s20+$0x0], $0xffff  }
0xb1: {  	v51 =	vld.idx.msk [tilespmem:v2+s21+$0x0], $0xffff;
	_ =	sdelay $0x3  }
0xb2: {  	v52 =	vld [tilespmem:$0x1B050]  }
0xb3: {  	v53 =	vld [tilespmem:$0x1B250];
	v3 =	vadd.f32 v51, v3;
	_ =	sdelay $0x1  }
0xb4: {  	vm8 =	vle.f32 v3, $0.0e+00  }
0xb5: {  	v3 =	vsel vm8, $0x2740, v0  }
0xb6: {  	v1 =	vadd.s32 v1, v3  }
0xb7: {  	[tilespmem:$0x1B440] =	vst v1;
	v1 =	vadd.s32 v2, v3  }
0xb8: {  	[tilespmem:$0x1B640] =	vst v1  }
0xb9: {  	v1 =	vld.idx.msk [tilespmem:v52+s20+$0x0], $0xffff  }
0xba: {  	v2 =	vld.idx.msk [tilespmem:v53+s21+$0x0], $0xffff;
	_ =	sdelay $0x3  }
0xbb: {  	v3 =	vld [tilespmem:$0x1B060]  }
0xbc: {  	v1 =	vadd.f32 v2, v1;
	v2 =	vld [tilespmem:$0x1B260];
	_ =	sdelay $0x1  }
0xbd: {  	vm9 =	vle.f32 v1, $0.0e+00  }
0xbe: {  	v1 =	vsel vm9, $0x2740, v0  }
0xbf: {  	v5 =	vadd.s32 v52, v1  }
0xc0: {  	v1 =	vadd.s32 v53, v1;
	[tilespmem:$0x1B450] =	vst v5  }
0xc1: {  	[tilespmem:$0x1B650] =	vst v1  }
0xc2: {  	v1 =	vld.idx.msk [tilespmem:v3+s20+$0x0], $0xffff  }
0xc3: {  	v54 =	vld.idx.msk [tilespmem:v2+s21+$0x0], $0xffff;
	_ =	sdelay $0x3  }
0xc4: {  	v55 =	vld [tilespmem:$0x1B070]  }
0xc5: {  	v56 =	vld [tilespmem:$0x1B270];
	v1 =	vadd.f32 v54, v1;
	_ =	sdelay $0x1  }
0xc6: {  	vm10 =	vle.f32 v1, $0.0e+00  }
0xc7: {  	v1 =	vsel vm10, $0x2740, v0  }
0xc8: {  	v3 =	vadd.s32 v3, v1  }
0xc9: {  	v1 =	vadd.s32 v2, v1;
	[tilespmem:$0x1B460] =	vst v3  }
0xca: {  	[tilespmem:$0x1B660] =	vst v1  }
0xcb: {  	v1 =	vld.idx.msk [tilespmem:v55+s20+$0x0], $0xffff  }
0xcc: {  	v2 =	vld.idx.msk [tilespmem:v56+s21+$0x0], $0xffff;
	_ =	sdelay $0x3  }
0xcd: {  	v3 =	vld [tilespmem:$0x1B080]  }
0xce: {  	v1 =	vadd.f32 v2, v1;
	v2 =	vld [tilespmem:$0x1B280];
	_ =	sdelay $0x1  }
0xcf: {  	vm11 =	vle.f32 v1, $0.0e+00  }
0xd0: {  	v1 =	vsel vm11, $0x2740, v0  }
0xd1: {  	v5 =	vadd.s32 v55, v1  }
0xd2: {  	v1 =	vadd.s32 v56, v1;
	[tilespmem:$0x1B470] =	vst v5  }
0xd3: {  	[tilespmem:$0x1B670] =	vst v1  }
0xd4: {  	v1 =	vld.idx.msk [tilespmem:v3+s20+$0x0], $0xffff  }
0xd5: {  	v57 =	vld.idx.msk [tilespmem:v2+s21+$0x0], $0xffff;
	_ =	sdelay $0x3  }
0xd6: {  	v58 =	vld [tilespmem:$0x1B090]  }
0xd7: {  	v59 =	vld [tilespmem:$0x1B290];
	v1 =	vadd.f32 v57, v1;
	_ =	sdelay $0x1  }
0xd8: {  	vm12 =	vle.f32 v1, $0.0e+00  }
0xd9: {  	v1 =	vsel vm12, $0x2740, v0  }
0xda: {  	v3 =	vadd.s32 v3, v1  }
0xdb: {  	v1 =	vadd.s32 v2, v1;
	[tilespmem:$0x1B480] =	vst v3  }
0xdc: {  	[tilespmem:$0x1B680] =	vst v1  }
0xdd: {  	v1 =	vld.idx.msk [tilespmem:v58+s20+$0x0], $0xffff  }
0xde: {  	v2 =	vld.idx.msk [tilespmem:v59+s21+$0x0], $0xffff;
	_ =	sdelay $0x3  }
0xdf: {  	v3 =	vld [tilespmem:$0x1B0A0]  }
0xe0: {  	v1 =	vadd.f32 v2, v1;
	v2 =	vld [tilespmem:$0x1B2A0];
	_ =	sdelay $0x1  }
0xe1: {  	vm13 =	vle.f32 v1, $0.0e+00  }
0xe2: {  	v1 =	vsel vm13, $0x2740, v0  }
0xe3: {  	v5 =	vadd.s32 v58, v1  }
0xe4: {  	v1 =	vadd.s32 v59, v1;
	[tilespmem:$0x1B490] =	vst v5  }
0xe5: {  	[tilespmem:$0x1B690] =	vst v1  }
0xe6: {  	v1 =	vld.idx.msk [tilespmem:v3+s20+$0x0], $0xffff  }
0xe7: {  	v60 =	vld.idx.msk [tilespmem:v2+s21+$0x0], $0xffff;
	_ =	sdelay $0x3  }
0xe8: {  	v61 =	vld [tilespmem:$0x1B0B0]  }
0xe9: {  	v62 =	vld [tilespmem:$0x1B2B0];
	v1 =	vadd.f32 v60, v1;
	_ =	sdelay $0x1  }
0xea: {  	vm14 =	vle.f32 v1, $0.0e+00  }
0xeb: {  	v1 =	vsel vm14, $0x2740, v0  }
0xec: {  	v3 =	vadd.s32 v3, v1  }
0xed: {  	v1 =	vadd.s32 v2, v1;
	[tilespmem:$0x1B4A0] =	vst v3  }
0xee: {  	[tilespmem:$0x1B6A0] =	vst v1  }
0xef: {  	v1 =	vld.idx.msk [tilespmem:v61+s20+$0x0], $0xffff  }
0xf0: {  	v2 =	vld.idx.msk [tilespmem:v62+s21+$0x0], $0xffff;
	_ =	sdelay $0x4  }
0xf1: {  	v1 =	vadd.f32 v2, v1;
	_ =	sdelay $0x1  }
0xf2: {  	vm15 =	vle.f32 v1, $0.0e+00  }
0xf3: {  	v1 =	vsel vm15, $0x2740, v0  }
0xf4: {  	v2 =	vadd.s32 v61, v1  }
0xf5: {  	v1 =	vadd.s32 v62, v1;
	[tilespmem:$0x1B4B0] =	vst v2  }
0xf6: {  	s7 =	simm.s32 @!p0 $0x5;
	[tilespmem:$0x1B6B0] =	vst v1  }
0xf7: {  	_ =	swait.ge @!p0 [sflag:s7], $0x2400  }
0xf8: {  	s8 =	sadd.s32 $0xFFFFFFFC, s18;
	[sflag:s7] =	ssyncset.done @!p0 $0x0  }
0xf9: {  	[sflag:s7] =	ssyncadd.s32 @!p0 $0xFFFFDC00;
	p0 =	sge.u32 s8, s12  }
0xfa: {  	[tilespmem:s23], [sflag:$0x3] =	stream.indirect.gather [hbm4b:s4+s28], $0x48, s22, s28, $0xb8;
	v63 =	vld [tilespmem:$0x0]  }
.Ltmp4:
0xfb: {  	_ = 	snop;
	(pc) =	sbr.rel @p0 .LBB2_4-.Ltmp4, $4  }
0xfc: {  	_ =	swait.ge [sflag:s31], $0x2400  }
0xfd: {  	[sflag:s31] =	ssyncset.done $0x0  }
0xfe: {  	[sflag:s31] =	ssyncadd.s32 $0xFFFFDC00  }
0xff: {  	[spmem:s2] =	stream.indirect.scatter.add.f32 [tilespmem:s23], [sflag:$0x5], $0x48, s5, s28, $0xb8;
	v63 =	vld [tilespmem:$0x0]  }
0x100: {  	s7 =	sadd.s32 $0xFFFFFFFF, s18  }
0x101: {  	p0 =	sge.u32 s7, s9  }
0x102: {  	s7 =	sadd.s32 @!p0 s19, s16  }
0x103: {  	s10 =	simm.s32 @!p0 $0x0;
	s14 =	simm.s32 @!p0 $0x1B140;
	s7 =	sadd.s32 @!p0 $0x600, s7  }
0x104: {  	[tilespmem:s14], [sflag:$0x2] =	stream.linear.gather @!p0 [hbm4b:s7+s10], $0x80, $0x38;
	v63 =	vld [tilespmem:$0x0]  }
0x105: {  	s7 =	sadd.s32 @!p0 s19, s17  }
0x106: {  	s14 =	simm.s32 @!p0 $0x1B340;
	s7 =	sadd.s32 @!p0 $0x600, s7  }
0x107: {  	[tilespmem:s14], [sflag:$0x2] =	stream.linear.gather @!p0 [hbm4b:s7+s10], $0x80, $0x38;
	v63 =	vld [tilespmem:$0x0]  }
0x108: {  	_ =	swait.ge [sflag:s26], $0x80  }
0x109: {  	[sflag:s26] =	ssyncset.done $0x0  }
0x10a: {  	[sflag:s26] =	ssyncadd.s32 $0xFFFFFF80  }
0x10b: {  	_ =	swait.ge [sflag:s26], $0x80  }
0x10c: {  	[sflag:s26] =	ssyncset.done $0x0  }
0x10d: {  	[sflag:s26] =	ssyncadd.s32 $0xFFFFFF80  }
0x10e: {  	v1 =	vld [tilespmem:$0x1B0C0]  }
0x10f: {  	v2 =	vld [tilespmem:$0x1B2C0];
	_ =	sdelay $0x6  }
0x110: {  	v3 =	vld.idx.msk [tilespmem:v1+s20+$0x0], $0xffff  }
0x111: {  	v4 =	vld.idx.msk [tilespmem:v2+s21+$0x0], $0xffff;
	_ =	sdelay $0x3  }
0x112: {  	v5 =	vld [tilespmem:$0x1B0D0]  }
0x113: {  	v53 =	vld [tilespmem:$0x1B2D0];
	v3 =	vadd.f32 v4, v3;
	_ =	sdelay $0x1  }
0x114: {  	vm0 =	vle.f32 v3, $0.0e+00  }
0x115: {  	v3 =	vsel vm0, $0x2740, v0  }
0x116: {  	v1 =	vadd.s32 v1, v3  }
0x117: {  	[tilespmem:$0x1B4C0] =	vst v1;
	v1 =	vadd.s32 v2, v3  }
0x118: {  	[tilespmem:$0x1B6C0] =	vst v1  }
0x119: {  	v1 =	vld.idx.msk [tilespmem:v5+s20+$0x0], $0xffff  }
0x11a: {  	v2 =	vld.idx.msk [tilespmem:v53+s21+$0x0], $0xffff;
	_ =	sdelay $0x3  }
0x11b: {  	v3 =	vld [tilespmem:$0x1B0E0]  }
0x11c: {  	v1 =	vadd.f32 v2, v1;
	v2 =	vld [tilespmem:$0x1B2E0];
	_ =	sdelay $0x1  }
0x11d: {  	vm9 =	vle.f32 v1, $0.0e+00  }
0x11e: {  	v1 =	vsel vm9, $0x2740, v0  }
0x11f: {  	v5 =	vadd.s32 v5, v1  }
0x120: {  	v1 =	vadd.s32 v53, v1;
	[tilespmem:$0x1B4D0] =	vst v5  }
0x121: {  	[tilespmem:$0x1B6D0] =	vst v1  }
0x122: {  	v1 =	vld.idx.msk [tilespmem:v3+s20+$0x0], $0xffff  }
0x123: {  	v54 =	vld.idx.msk [tilespmem:v2+s21+$0x0], $0xffff;
	_ =	sdelay $0x3  }
0x124: {  	v55 =	vld [tilespmem:$0x1B0F0]  }
0x125: {  	v56 =	vld [tilespmem:$0x1B2F0];
	v1 =	vadd.f32 v54, v1;
	_ =	sdelay $0x1  }
0x126: {  	vm10 =	vle.f32 v1, $0.0e+00  }
0x127: {  	v1 =	vsel vm10, $0x2740, v0  }
0x128: {  	v3 =	vadd.s32 v3, v1  }
0x129: {  	v1 =	vadd.s32 v2, v1;
	[tilespmem:$0x1B4E0] =	vst v3  }
0x12a: {  	[tilespmem:$0x1B6E0] =	vst v1  }
0x12b: {  	v1 =	vld.idx.msk [tilespmem:v55+s20+$0x0], $0xffff  }
0x12c: {  	v2 =	vld.idx.msk [tilespmem:v56+s21+$0x0], $0xffff;
	_ =	sdelay $0x3  }
0x12d: {  	v3 =	vld [tilespmem:$0x1B100]  }
0x12e: {  	v1 =	vadd.f32 v2, v1;
	v2 =	vld [tilespmem:$0x1B300];
	_ =	sdelay $0x1  }
0x12f: {  	vm11 =	vle.f32 v1, $0.0e+00  }
0x130: {  	v1 =	vsel vm11, $0x2740, v0  }
0x131: {  	v5 =	vadd.s32 v55, v1  }
0x132: {  	v1 =	vadd.s32 v56, v1;
	[tilespmem:$0x1B4F0] =	vst v5  }
0x133: {  	[tilespmem:$0x1B6F0] =	vst v1  }
0x134: {  	v1 =	vld.idx.msk [tilespmem:v3+s20+$0x0], $0xffff  }
0x135: {  	v57 =	vld.idx.msk [tilespmem:v2+s21+$0x0], $0xffff;
	_ =	sdelay $0x3  }
0x136: {  	v58 =	vld [tilespmem:$0x1B110]  }
0x137: {  	v59 =	vld [tilespmem:$0x1B310];
	v1 =	vadd.f32 v57, v1;
	_ =	sdelay $0x1  }
0x138: {  	vm12 =	vle.f32 v1, $0.0e+00  }
0x139: {  	v1 =	vsel vm12, $0x2740, v0  }
0x13a: {  	v3 =	vadd.s32 v3, v1  }
0x13b: {  	v1 =	vadd.s32 v2, v1;
	[tilespmem:$0x1B500] =	vst v3  }
0x13c: {  	[tilespmem:$0x1B700] =	vst v1  }
0x13d: {  	v1 =	vld.idx.msk [tilespmem:v58+s20+$0x0], $0xffff  }
0x13e: {  	v2 =	vld.idx.msk [tilespmem:v59+s21+$0x0], $0xffff;
	_ =	sdelay $0x3  }
0x13f: {  	v3 =	vld [tilespmem:$0x1B120]  }
0x140: {  	v1 =	vadd.f32 v2, v1;
	v2 =	vld [tilespmem:$0x1B320];
	_ =	sdelay $0x1  }
0x141: {  	vm13 =	vle.f32 v1, $0.0e+00  }
0x142: {  	v1 =	vsel vm13, $0x2740, v0  }
0x143: {  	v5 =	vadd.s32 v58, v1  }
0x144: {  	v1 =	vadd.s32 v59, v1;
	[tilespmem:$0x1B510] =	vst v5  }
0x145: {  	[tilespmem:$0x1B710] =	vst v1  }
0x146: {  	v1 =	vld.idx.msk [tilespmem:v3+s20+$0x0], $0xffff  }
0x147: {  	v60 =	vld.idx.msk [tilespmem:v2+s21+$0x0], $0xffff;
	_ =	sdelay $0x3  }
0x148: {  	v61 =	vld [tilespmem:$0x1B130]  }
0x149: {  	v62 =	vld [tilespmem:$0x1B330];
	v1 =	vadd.f32 v60, v1;
	_ =	sdelay $0x1  }
0x14a: {  	vm14 =	vle.f32 v1, $0.0e+00  }
0x14b: {  	v1 =	vsel vm14, $0x2740, v0  }
0x14c: {  	v3 =	vadd.s32 v3, v1  }
0x14d: {  	v1 =	vadd.s32 v2, v1;
	[tilespmem:$0x1B520] =	vst v3  }
0x14e: {  	[tilespmem:$0x1B720] =	vst v1  }
0x14f: {  	v1 =	vld.idx.msk [tilespmem:v61+s20+$0x0], $0xffff  }
0x150: {  	v2 =	vld.idx.msk [tilespmem:v62+s21+$0x0], $0xffff;
	_ =	sdelay $0x4  }
0x151: {  	v1 =	vadd.f32 v2, v1;
	_ =	sdelay $0x1  }
0x152: {  	vm15 =	vle.f32 v1, $0.0e+00  }
0x153: {  	v1 =	vsel vm15, $0x2740, v0  }
0x154: {  	v2 =	vadd.s32 v61, v1  }
0x155: {  	v1 =	vadd.s32 v62, v1;
	[tilespmem:$0x1B530] =	vst v2  }
0x156: {  	[tilespmem:$0x1B730] =	vst v1  }
0x157: {  	_ =	swait.ge [sflag:s6], $0x2400  }
0x158: {  	[sflag:s6] =	ssyncset.done $0x0  }
0x159: {  	s10 =	simm.s32 $0x1B4C0;
	[sflag:s6] =	ssyncadd.s32 $0xFFFFDC00  }
0x15a: {  	[tilespmem:s30], [sflag:$0x3] =	stream.indirect.gather [hbm4b:s4+s28], $0x48, s10, s28, $0xb8;
	v63 =	vld [tilespmem:$0x0]  }
0x15b: {  	_ =	swait.ge [sflag:s31], $0x2400  }
0x15c: {  	[sflag:s31] =	ssyncset.done $0x0  }
0x15d: {  	s14 =	simm.s32 $0x1B6C0;
	[sflag:s31] =	ssyncadd.s32 $0xFFFFDC00  }
0x15e: {  	[spmem:s2] =	stream.indirect.scatter.add.f32 [tilespmem:s30], [sflag:$0x4], $0x48, s14, s28, $0xb8;
	v63 =	vld [tilespmem:$0x0]  }
.LBB2_4:
0x15f: {  	p0 =	sge.u32 s8, s13  }
.Ltmp5:
0x160: {  	_ = 	snop;
	(pc) =	sbr.rel @p0 .LBB2_6-.Ltmp5, $1  }
0x161: {  	_ =	sdelay $0x3  }
0x162: {  	p0 =	sge.u32 s18, s9  }
0x163: {  	s7 =	sadd.s32 @!p0 s19, s16  }
0x164: {  	s8 =	simm.s32 @!p0 $0x0;
	s10 =	simm.s32 @!p0 $0x1AFC0;
	s7 =	sadd.s32 @!p0 $0x800, s7  }
0x165: {  	[tilespmem:s10], [sflag:$0x1] =	stream.linear.gather @!p0 [hbm4b:s7+s8], $0x80, $0x38;
	v63 =	vld [tilespmem:$0x0]  }
0x166: {  	s7 =	sadd.s32 @!p0 s19, s17  }
0x167: {  	s10 =	simm.s32 @!p0 $0x1B1C0;
	s7 =	sadd.s32 @!p0 $0x800, s7  }
0x168: {  	[tilespmem:s10], [sflag:$0x1] =	stream.linear.gather @!p0 [hbm4b:s7+s8], $0x80, $0x38;
	v63 =	vld [tilespmem:$0x0]  }
0x169: {  	_ =	swait.ge [sflag:s1], $0x80  }
0x16a: {  	[sflag:s1] =	ssyncset.done $0x0  }
0x16b: {  	[sflag:s1] =	ssyncadd.s32 $0xFFFFFF80  }
0x16c: {  	_ =	swait.ge [sflag:s1], $0x80  }
0x16d: {  	[sflag:s1] =	ssyncset.done $0x0  }
0x16e: {  	[sflag:s1] =	ssyncadd.s32 $0xFFFFFF80  }
0x16f: {  	v1 =	vld [tilespmem:$0x1B140]  }
0x170: {  	v2 =	vld [tilespmem:$0x1B340];
	_ =	sdelay $0x6  }
0x171: {  	v3 =	vld.idx.msk [tilespmem:v1+s20+$0x0], $0xffff  }
0x172: {  	v4 =	vld.idx.msk [tilespmem:v2+s21+$0x0], $0xffff;
	_ =	sdelay $0x3  }
0x173: {  	v5 =	vld [tilespmem:$0x1B150]  }
0x174: {  	v53 =	vld [tilespmem:$0x1B350];
	v3 =	vadd.f32 v4, v3;
	_ =	sdelay $0x1  }
0x175: {  	vm0 =	vle.f32 v3, $0.0e+00  }
0x176: {  	v3 =	vsel vm0, $0x2740, v0  }
0x177: {  	v1 =	vadd.s32 v1, v3  }
0x178: {  	[tilespmem:$0x1B540] =	vst v1;
	v1 =	vadd.s32 v2, v3  }
0x179: {  	[tilespmem:$0x1B740] =	vst v1  }
0x17a: {  	v1 =	vld.idx.msk [tilespmem:v5+s20+$0x0], $0xffff  }
0x17b: {  	v2 =	vld.idx.msk [tilespmem:v53+s21+$0x0], $0xffff;
	_ =	sdelay $0x3  }
0x17c: {  	v3 =	vld [tilespmem:$0x1B160]  }
0x17d: {  	v1 =	vadd.f32 v2, v1;
	v2 =	vld [tilespmem:$0x1B360];
	_ =	sdelay $0x1  }
0x17e: {  	vm9 =	vle.f32 v1, $0.0e+00  }
0x17f: {  	v1 =	vsel vm9, $0x2740, v0  }
0x180: {  	v5 =	vadd.s32 v5, v1  }
0x181: {  	v1 =	vadd.s32 v53, v1;
	[tilespmem:$0x1B550] =	vst v5  }
0x182: {  	[tilespmem:$0x1B750] =	vst v1  }
0x183: {  	v1 =	vld.idx.msk [tilespmem:v3+s20+$0x0], $0xffff  }
0x184: {  	v54 =	vld.idx.msk [tilespmem:v2+s21+$0x0], $0xffff;
	_ =	sdelay $0x3  }
0x185: {  	v55 =	vld [tilespmem:$0x1B170]  }
0x186: {  	v56 =	vld [tilespmem:$0x1B370];
	v1 =	vadd.f32 v54, v1;
	_ =	sdelay $0x1  }
0x187: {  	vm10 =	vle.f32 v1, $0.0e+00  }
0x188: {  	v1 =	vsel vm10, $0x2740, v0  }
0x189: {  	v3 =	vadd.s32 v3, v1  }
0x18a: {  	v1 =	vadd.s32 v2, v1;
	[tilespmem:$0x1B560] =	vst v3  }
0x18b: {  	[tilespmem:$0x1B760] =	vst v1  }
0x18c: {  	v1 =	vld.idx.msk [tilespmem:v55+s20+$0x0], $0xffff  }
0x18d: {  	v2 =	vld.idx.msk [tilespmem:v56+s21+$0x0], $0xffff;
	_ =	sdelay $0x3  }
0x18e: {  	v3 =	vld [tilespmem:$0x1B180]  }
0x18f: {  	v1 =	vadd.f32 v2, v1;
	v2 =	vld [tilespmem:$0x1B380];
	_ =	sdelay $0x1  }
0x190: {  	vm11 =	vle.f32 v1, $0.0e+00  }
0x191: {  	v1 =	vsel vm11, $0x2740, v0  }
0x192: {  	v5 =	vadd.s32 v55, v1  }
0x193: {  	v1 =	vadd.s32 v56, v1;
	[tilespmem:$0x1B570] =	vst v5  }
0x194: {  	[tilespmem:$0x1B770] =	vst v1  }
0x195: {  	v1 =	vld.idx.msk [tilespmem:v3+s20+$0x0], $0xffff  }
0x196: {  	v57 =	vld.idx.msk [tilespmem:v2+s21+$0x0], $0xffff;
	_ =	sdelay $0x3  }
0x197: {  	v58 =	vld [tilespmem:$0x1B190]  }
0x198: {  	v59 =	vld [tilespmem:$0x1B390];
	v1 =	vadd.f32 v57, v1;
	_ =	sdelay $0x1  }
0x199: {  	vm12 =	vle.f32 v1, $0.0e+00  }
0x19a: {  	v1 =	vsel vm12, $0x2740, v0  }
0x19b: {  	v3 =	vadd.s32 v3, v1  }
0x19c: {  	v1 =	vadd.s32 v2, v1;
	[tilespmem:$0x1B580] =	vst v3  }
0x19d: {  	[tilespmem:$0x1B780] =	vst v1  }
0x19e: {  	v1 =	vld.idx.msk [tilespmem:v58+s20+$0x0], $0xffff  }
0x19f: {  	v2 =	vld.idx.msk [tilespmem:v59+s21+$0x0], $0xffff;
	_ =	sdelay $0x3  }
0x1a0: {  	v3 =	vld [tilespmem:$0x1B1A0]  }
0x1a1: {  	v1 =	vadd.f32 v2, v1;
	v2 =	vld [tilespmem:$0x1B3A0];
	_ =	sdelay $0x1  }
0x1a2: {  	vm13 =	vle.f32 v1, $0.0e+00  }
0x1a3: {  	v1 =	vsel vm13, $0x2740, v0  }
0x1a4: {  	v5 =	vadd.s32 v58, v1  }
0x1a5: {  	v1 =	vadd.s32 v59, v1;
	[tilespmem:$0x1B590] =	vst v5  }
0x1a6: {  	[tilespmem:$0x1B790] =	vst v1  }
0x1a7: {  	v1 =	vld.idx.msk [tilespmem:v3+s20+$0x0], $0xffff  }
0x1a8: {  	v60 =	vld.idx.msk [tilespmem:v2+s21+$0x0], $0xffff;
	_ =	sdelay $0x3  }
0x1a9: {  	v61 =	vld [tilespmem:$0x1B1B0]  }
0x1aa: {  	v62 =	vld [tilespmem:$0x1B3B0];
	v1 =	vadd.f32 v60, v1;
	_ =	sdelay $0x1  }
0x1ab: {  	vm14 =	vle.f32 v1, $0.0e+00  }
0x1ac: {  	v1 =	vsel vm14, $0x2740, v0  }
0x1ad: {  	v3 =	vadd.s32 v3, v1  }
0x1ae: {  	v1 =	vadd.s32 v2, v1;
	[tilespmem:$0x1B5A0] =	vst v3  }
0x1af: {  	[tilespmem:$0x1B7A0] =	vst v1  }
0x1b0: {  	v1 =	vld.idx.msk [tilespmem:v61+s20+$0x0], $0xffff  }
0x1b1: {  	v2 =	vld.idx.msk [tilespmem:v62+s21+$0x0], $0xffff;
	_ =	sdelay $0x4  }
0x1b2: {  	v1 =	vadd.f32 v2, v1;
	_ =	sdelay $0x1  }
0x1b3: {  	vm15 =	vle.f32 v1, $0.0e+00  }
0x1b4: {  	v1 =	vsel vm15, $0x2740, v0  }
0x1b5: {  	v2 =	vadd.s32 v61, v1  }
0x1b6: {  	v1 =	vadd.s32 v62, v1;
	[tilespmem:$0x1B5B0] =	vst v2  }
0x1b7: {  	[tilespmem:$0x1B7B0] =	vst v1  }
0x1b8: {  	_ =	swait.ge [sflag:s11], $0x2400  }
0x1b9: {  	[sflag:s11] =	ssyncset.done $0x0  }
0x1ba: {  	s14 =	simm.s32 $0x1B540;
	[sflag:s11] =	ssyncadd.s32 $0xFFFFDC00  }
0x1bb: {  	[tilespmem:s23], [sflag:$0x3] =	stream.indirect.gather [hbm4b:s4+s28], $0x48, s14, s28, $0xb8;
	v63 =	vld [tilespmem:$0x0]  }
.Ltmp6:
0x1bc: {  	_ = 	snop;
	(pc) =	sbr.rel .LBB2_6-.Ltmp6, $4  }
0x1bd: {  	_ =	swait.ge [sflag:s31], $0x2400  }
0x1be: {  	[sflag:s31] =	ssyncset.done $0x0  }
0x1bf: {  	[sflag:s31] =	ssyncadd.s32 $0xFFFFDC00  }
0x1c0: {  	[spmem:s2] =	stream.indirect.scatter.add.f32 [tilespmem:s23], [sflag:$0x5], $0x48, s15, s28, $0xb8;
	v63 =	vld [tilespmem:$0x0]  }
.LBB2_8:
0x1c1: {  	_ =	sfence.sel $0x180000  }
0x1c2: {  	[bflag:$0x0] =	sbarrier.arrive $0xFFFF  }
0x1c3: {  	_ =	strace $0x9000004A  }
0x1c4: {  	s0 =	stileid.u32;
	[bflag:$0x2] =	sbarrier.arrive $0xFFFF  }
0x1c5: {  	p0 =	sne.s32 s0, $0x0;
	s0 =	rddreg [dreg:$0x3]  }
0x1c6: {  	s0 =	sadd.s32 @!p0 $0x100000, s0  }
0x1c7: {  	[sflag:s0] =	ssyncadd.tile.s32 @!p0 $0x1;
	_ =	shalt  }
.Lfunc_end2:
_tile_overlayer_lowered:
.L_overlay_start_2:
0x1c8: {  	(tag) =	ssettag $0x2  }
0x1c9: {  	s0 =	rddreg [dreg:$0x0];
	s2 =	stileid.u32  }
0x1ca: {  	s1 =	rddreg [dreg:$0x1];
	p0 =	sne.s32 s2, $0x0  }
0x1cb: {  	s3 =	rddreg [dreg:$0x2];
	[bflag:$0x3] =	sbarrier.arrive $0xFFFF;
	s2 =	simm.s32 @!p0 $0x1C06  }
0x1cc: {  	[timem:s3], [sflag:s2] =	dma.local @!p0 [hbm:s0], s1  }
0x1cd: {  	s0 =	simm.s32 @!p0 $0x6  }
0x1ce: {  	_ =	swait.ge @!p0 [sflag:s0], s1  }
0x1cf: {  	s1 =	ssub.s32 @!p0 $0x0, s1;
	[sflag:s0] =	ssyncset.done @!p0 $0x0  }
0x1d0: {  	[sflag:s0] =	ssyncadd.s32 @!p0 s1  }
0x1d1: {  	[bflag:$0x3] =	sbarrier.arrive $0xFFFF  }
0x1d2: {  	_ =	shalt  }

// kernel: kernel.7.cloned.1.call-start
scs
__scs_entry_jumppad:
0x0: {  	(pc) =	sbr.rel $0x88, $3  }
0x1: {  	(tag) =	ssettag $0x0;
	lr =	simm.s32 $0x1  }
0x2: {  	[smem:$0x3F98] =	sst lr;
	_ =	strace $0xD0000000  }
0x3: {  	_ = 	snop  }
0x4: {  	_ = 	snop  }
0x5: {  	_ = 	snop  }
0x6: {  	_ = 	snop  }
0x7: {  	_ = 	snop  }
__scs_overlays_trampoline_lowered:
0x8: {  	[smem:$0x3FA7] =	sst s0  }
0x9: {  	[smem:$0x3FA8] =	sst s1  }
0xa: {  	[smem:$0x3FA9] =	sst s2  }
0xb: {  	[smem:$0x3FAA] =	sst s3  }
0xc: {  	[smem:$0x3FAB] =	sst s4  }
0xd: {  	[smem:$0x3FAC] =	sst s5  }
0xe: {  	[smem:$0x3FAD] =	sst s6  }
0xf: {  	[smem:$0x3FAE] =	sst s7  }
0x10: {  	[smem:$0x3FAF] =	sst s8  }
0x11: {  	[smem:$0x3FB0] =	sst s9;
	s0 =	simm.s32 @!p0 $0x0  }
0x12: {  	s1 =	sld [smem:$0x3F96];
	s0 =	simm.s32 @p0 $0x1  }
0x13: {  	[smem:$0x3FB1] =	sst s0;
	s0 =	simm.s32 @!p1 $0x0  }
0x14: {  	s2 =	sld [smem:$0x3F95];
	s0 =	simm.s32 @p1 $0x1  }
0x15: {  	[smem:$0x3FB2] =	sst s0;
	s0 =	simm.s32 @!p2 $0x0  }
0x16: {  	s3 =	sld [smem:$0x3FDB];
	s0 =	simm.s32 @p2 $0x1  }
0x17: {  	s4 =	simm.s32 $0x1BF5;
	[smem:$0x3FB4] =	sst s0  }
0x18: {  	s0 =	sld [smem:$0x3F97];
	_ =	swait.ge [sflag:s4], $0x0  }
0x19: {  	s7 =	sld [smem:$0x3F98]  }
0x1a: {  	s8 =	sadd.s32 $0xFFFFE003, lr  }
0x1b: {  	s9 =	sadd.s32 $0xFFFFFEF7, lr;
	s5 =	simm.s32 $0xFFFFFFFF;
	p2 =	slt.u32 s8, $0xFFFFF086  }
0x1c: {  	p1 =	slt.u32 s9, $0xF7A;
	s5 =	simm.s32 @!p2 $0x0  }
0x1d: {  	s5 =	simm.s32 @p1 $0x1;
	p0 =	seq.s32 s7, s2  }
0x1e: {  	s7 =	smul.u32 @!p0 $0xF7A, s2;
	p2 =	seq.s32 @!p0 s5, $0x0  }
0x1f: {  	s9 =	smul.u32 $0xF7A, s1;
	s8 =	simm.s32 @!p0 $0x1BF5;
	p2 =	por !p2, p0  }
0x20: {  	[sflag:s8] =	ssyncset.s32 @!p0 $0xFFFFF086;
	s6 =	sadd.s32 @!p0 s3, s7;
	s7 =	simm.s32 @!p0 $0x108  }
0x21: {  	s3 =	sadd.s32 s3, s9;
	s6 =	sadd.s32 @!p0 $0x88, s6;
	s7 =	simm.s32 @p2 $0x1082  }
0x22: {  	[simem:s7], [sflag:s8] =	dma.local @!p0 [hbm:s6], $0xF7A  }
0x23: {  	s9 =	sor.u32 $0xD0000000, s2;
	s6 =	simm.s32 $0x108;
	_ =	swait.ge @!p0 [sflag:s8], $0x0  }
0x24: {  	s3 =	sadd.s32 $0x88, s3;
	s6 =	simm.s32 @!p1 $0x1082;
	[sflag:s4] =	ssyncset.s32 $0xFFFFF086  }
0x25: {  	[simem:s6], [sflag:s4] =	dma.local [hbm:s3], $0xF7A  }
0x26: {  	[smem:$0x3F98] =	sst s1;
	(tag) =	ssettag s2;
	_ =	strace s9  }
0x27: {  	s1 =	sld [smem:$0x3FA8]  }
0x28: {  	s2 =	sld [smem:$0x3FA9]  }
0x29: {  	s4 =	sld [smem:$0x3FAB]  }
0x2a: {  	p0 =	seq.s32 s5, $0x0;
	s5 =	sld [smem:$0x3FAC]  }
0x2b: {  	s6 =	sld [smem:$0x3FAD]  }
0x2c: {  	s7 =	sld [smem:$0x3FAE]  }
0x2d: {  	s3 =	simm.s32 $0x108;
	s8 =	sld [smem:$0x3FAF]  }
0x2e: {  	s3 =	simm.s32 @!p0 $0x1082;
	s9 =	sld [smem:$0x3FB0]  }
0x2f: {  	lr =	sadd.s32 s0, s3;
	s0 =	sld [smem:$0x3FA7]  }
0x30: {  	s3 =	sld [smem:$0x3FAA]  }
0x31: {  	[smem:$0x3FB3] =	sst s10  }
0x32: {  	s10 =	sld [smem:$0x3FB1];
	_ =	sdelay $0x3  }
0x33: {  	p0 =	seq.s32 s10, $0x1;
	s10 =	sld [smem:$0x3FB3];
	_ =	sdelay $0x3  }
0x34: {  	[smem:$0x3FB3] =	sst s10  }
0x35: {  	s10 =	sld [smem:$0x3FB2];
	_ =	sdelay $0x3  }
0x36: {  	p1 =	seq.s32 s10, $0x1;
	s10 =	sld [smem:$0x3FB3];
	_ =	sdelay $0x3  }
0x37: {  	[smem:$0x3FB3] =	sst s10  }
0x38: {  	s10 =	sld [smem:$0x3FB4]  }
0x39: {  	_ = 	snop;
	(pc) =	sbr.ind lr, $3  }
0x3a: {  	_ = 	snop  }
0x3b: {  	_ = 	snop  }
0x3c: {  	p2 =	seq.s32 s10, $0x1;
	s10 =	sld [smem:$0x3FB3]  }
0x3d: {  	_ =	shalt  }
0x3e: {  	_ =	shalt  }
0x3f: {  	_ =	shalt  }
0x40: {  	_ =	shalt  }
0x41: {  	_ =	shalt  }
0x42: {  	_ =	shalt  }
0x43: {  	_ =	shalt  }
0x44: {  	_ =	shalt  }
0x45: {  	_ =	shalt  }
0x46: {  	_ =	shalt  }
0x47: {  	_ =	shalt  }
0x48: {  	_ =	shalt  }
0x49: {  	_ =	shalt  }
0x4a: {  	_ =	shalt  }
0x4b: {  	_ =	shalt  }
0x4c: {  	_ =	shalt  }
0x4d: {  	_ =	shalt  }
0x4e: {  	_ =	shalt  }
0x4f: {  	_ =	shalt  }
0x50: {  	_ =	shalt  }
0x51: {  	_ =	shalt  }
0x52: {  	_ =	shalt  }
0x53: {  	_ =	shalt  }
0x54: {  	_ =	shalt  }
0x55: {  	_ =	shalt  }
0x56: {  	_ =	shalt  }
0x57: {  	_ =	shalt  }
0x58: {  	_ =	shalt  }
0x59: {  	_ =	shalt  }
0x5a: {  	_ =	shalt  }
0x5b: {  	_ =	shalt  }
0x5c: {  	_ =	shalt  }
0x5d: {  	_ =	shalt  }
0x5e: {  	_ =	shalt  }
0x5f: {  	_ =	shalt  }
0x60: {  	_ =	shalt  }
0x61: {  	_ =	shalt  }
0x62: {  	_ =	shalt  }
0x63: {  	_ =	shalt  }
0x64: {  	_ =	shalt  }
0x65: {  	_ =	shalt  }
0x66: {  	_ =	shalt  }
0x67: {  	_ =	shalt  }
0x68: {  	_ =	shalt  }
0x69: {  	_ =	shalt  }
0x6a: {  	_ =	shalt  }
0x6b: {  	_ =	shalt  }
0x6c: {  	_ =	shalt  }
0x6d: {  	_ =	shalt  }
0x6e: {  	_ =	shalt  }
0x6f: {  	_ =	shalt  }
0x70: {  	_ =	shalt  }
0x71: {  	_ =	shalt  }
0x72: {  	_ =	shalt  }
0x73: {  	_ =	shalt  }
0x74: {  	_ =	shalt  }
0x75: {  	_ =	shalt  }
0x76: {  	_ =	shalt  }
0x77: {  	_ =	shalt  }
0x78: {  	_ =	shalt  }
0x79: {  	_ =	shalt  }
0x7a: {  	_ =	shalt  }
0x7b: {  	_ =	shalt  }
0x7c: {  	_ =	shalt  }
0x7d: {  	_ =	shalt  }
0x7e: {  	_ =	shalt  }
0x7f: {  	_ =	shalt  }
0x80: {  	_ =	shalt  }
0x81: {  	_ =	shalt  }
0x82: {  	_ =	shalt  }
0x83: {  	_ =	shalt  }
0x84: {  	_ =	shalt  }
0x85: {  	_ =	shalt  }
0x86: {  	_ =	shalt  }
0x87: {  	_ =	shalt  }
.Lfunc_end0:
.L_simem_size_0:
called_computation_lowered:
.L_overlay_start_0:
0x88: {  	s2 =	sld [smem:$0x3FD9]  }
0x89: {  	s3 =	sld [smem:$0x3FFE];
	_ =	sdelay $0x1  }
0x8a: {  	s1 =	srdreg.scid  }
0x8b: {  	s0 =	sand.u32 $0x1, s1  }
0x8c: {  	s17 =	sshll.u32 s0, $0xA;
	s2 =	sadd.s32 s3, s2  }
0x8d: {  	s2 =	sadd.s32 s2, s17  }
0x8e: {  	[smem:$0x3FBF] =	sst s2  }
0x8f: {  	_ = 	snop  }
0x90: {  	s2 =	sld [smem:$0x3FD0];
	(tm) =	ssettm $0x1  }
0x91: {  	s18 =	sld [smem:$0x3FFB];
	_ =	sdelay $0x3  }
0x92: {  	_ =	strace s18  }
0x93: {  	s3 =	sld [smem:$0x3FFC];
	_ =	sdelay $0x3  }
0x94: {  	_ =	strace s3  }
0x95: {  	s3 =	sld [smem:$0x3FFD];
	_ =	sdelay $0x3  }
0x96: {  	_ =	strace s3  }
0x97: {  	_ =	strace $0x8FFFFFFF  }
0x98: {  	s19 =	sld [smem:$0x3FDB];
	_ =	sdelay $0x1  }
0x99: {  	s4 =	simm.s32 $_scs_section_size  }
0x9a: {  	s5 =	simm.s32 $_size__tile_overlayer_lowered;
	s6 =	simm.s32 $_tile_overlayer_lowered  }
0x9b: {  	s22 =	simm.s32 $0x1BFF;
	s21 =	sshll.u32 s6, $0x1;
	s3 =	sadd.s32 s4, s19  }
0x9c: {  	s7 =	simm.s32 $0x0;
	s20 =	sshll.u32 s5, $0x1;
	s5 =	sadd.s32 s21, s3  }
0x9d: {  	[timem:s7], [sflag:s22] =	dma.local [hbm:s5], s20  }
0x9e: {  	_ =	swait.ge [sflag:s22], s20  }
0x9f: {  	s4 =	ssub.s32 $0x0, s20;
	[sflag:s22] =	ssyncset.done $0x0  }
0xa0: {  	[sflag:s22] =	ssyncadd.s32 s4;
	_ =	sdelay $0x1  }
0xa1: {  	s23 =	simm.s32 $0x1B8B  }
0xa2: {  	_ =	swait.ge [sflag:s23], $0x1  }
0xa3: {  	[sflag:s23] =	ssyncset.done $0x0  }
0xa4: {  	s25 =	simm.s32 $0x1B8E;
	s24 =	sld [smem:$0x3FFE];
	[sflag:s23] =	ssyncadd.s32 $0xFFFFFFFF  }
0xa5: {  	s26 =	simm.s32 $execute0_lowered;
	[smem:$0x3FD2] =	sst s25  }
0xa6: {  	s5 =	sshll.u32 s26, $0x1;
	_ =	strace $0x80000046;
	[dreg:$0x1] =	wrdreg $0xFFFFFFFF  }
0xa7: {  	s28 =	simm.s32 $_size_execute0_lowered;
	s3 =	sadd.s32 s3, s5;
	[dreg:$0x0] =	wrdreg $0x0  }
0xa8: {  	s5 =	sshll.u32 s28, $0x1;
	[dreg:$0x2] =	wrdreg s3  }
0xa9: {  	[dreg:$0x3] =	wrdreg s5  }
0xaa: {  	[dreg:$0x4] =	wrdreg $0xC0  }
0xab: {  	_ =	task [dreg:s7], $0x5FFFF  }
0xac: {  	[dreg:$0x1] =	wrdreg $0xFFFFFFFF  }
0xad: {  	[dreg:$0x0] =	wrdreg $0x60  }
0xae: {  	[dreg:$0x2] =	wrdreg s24  }
0xaf: {  	[dreg:$0x3] =	wrdreg s2  }
0xb0: {  	[dreg:$0x4] =	wrdreg $0x0  }
0xb1: {  	[dreg:$0x5] =	wrdreg $0x9  }
0xb2: {  	_ =	task.clear_ibuf [dreg:s7], $0x6FFFF;
	_ =	strace $0x90000046  }
0xb3: {  	s29 =	simm.s32 $0x9;
	_ =	strace $0x80000048  }
0xb4: {  	_ =	swait.ge [sflag:s29], $0x1  }
0xb5: {  	[sflag:s29] =	ssyncadd.s32 $0xFFFFFFFF  }
0xb6: {  	_ =	strace $0x90000048  }
0xb7: {  	_ =	sfence  }
0xb8: {  	s30 =	sld [smem:$0x0];
	_ =	sdelay $0x2  }
0xb9: {  	s31 =	sshll.u32 s1, $0xD;
	s1 =	sshrl.u32 s1, $0x2  }
0xba: {  	s3 =	sand.u32 $0x4000, s31;
	s1 =	sadd.s32 s1, s30  }
0xbb: {  	s0 =	sor.u32 s3, s0;
	s1 =	sshll.u32 s1, $0x11  }
0xbc: {  	s0 =	sor.u32 s1, s0  }
0xbd: {  	s0 =	sadd.s32 $0x8F2B, s0  }
0xbe: {  	[sflag:s0] =	ssyncadd.remote.s32 $0x1  }
0xbf: {  	_ =	sfence.sel $0xFFFF  }
0xc0: {  	[dreg:$0x0] =	wrdreg $0xFFFFFFFF;
	(pc) =	sbr.abs _section_cstart, $3  }
0xc1: {  	[dreg:$0x1] =	wrdreg $0xFFFFFFFF  }
0xc2: {  	_ =	task.clear_ibuf [dreg:s7], $0x2FFFF;
	_ =	strace $0x9FFFFFFF  }
0xc3: {  	(tm) =	ssettm $0x7FFFFFFF  }
tec
execute0_lowered:
.L_overlay_start_1:
0x0: {  	(tag) =	ssettag $0x1  }
0x1: {  	s0 =	rddreg [dreg:$0x0]  }
0x2: {  	s1 =	rddreg [dreg:$0x1]  }
0x3: {  	s2 =	rddreg [dreg:$0x2]  }
0x4: {  	s4 =	srdreg.scid;
	s10 =	stileid.u32;
	s3 =	simm.s32 $0x0  }
0x5: {  	s15 =	simm.s32 $0x6;
	s16 =	simm.s32 $0xB400;
	s17 =	simm.s32 $0xB600  }
0x6: {  	s18 =	simm.s32 $0xB480;
	s19 =	simm.s32 $0xB680;
	s20 =	simm.s32 $0x1  }
0x7: {  	s21 =	simm.s32 $0x80;
	s22 =	simm.s32 $0xB800;
	s28 =	simm.s32 $0x5  }
0x8: {  	s29 =	simm.s32 $0x0;
	s5 =	sand.u32 $0x1, s4;
	s7 =	smul.u32 $0xB400, s10  }
0x9: {  	[smem:$0x7FF] =	sst s3;
	s4 =	sadd.s32 $0xA600, s0;
	s11 =	sadd.s32 $0x800, s0  }
0xa: {  	s12 =	sadd.s32 $0x20600, s0;
	s23 =	sshll.u32 s10, $0x6;
	p0 =	slt.u32 s10, $0x2  }
0xb: {  	s24 =	sshll.u32 s10, $0x5;
	s6 =	smul.u32 $0xB4000, s5;
	_ =	strace $0x80000047  }
0xc: {  	s8 =	ssub.s32 $0x2, s5;
	[dreg:$0x6] =	wrdreg s12;
	s5 =	sshll.u32 s5, $0x4  }
0xd: {  	s31 =	sadd.s32 s24, s11;
	s9 =	sshrl.u32 s8, $0x1;
	s14 =	sadd.s32 s7, s2  }
0xe: {  	s10 =	sor.u32 s5, s24;
	s12 =	sadd.s32 s5, s31;
	s6 =	sadd.s32 s7, s6  }
0xf: {  	s8 =	ssub.s32 s8, s9;
	s7 =	sor.u32 $0x1C06, s23;
	s26 =	sadd.s32 s11, s10  }
0x10: {  	s30 =	sadd.s32 s1, s10;
	s1 =	sadd.s32 s24, s1;
	[dreg:$0x7] =	wrdreg s26  }
0x11: {  	s14 =	sshrl.u32 s14, $0x3;
	s6 =	sshrl.u32 s6, $0x3;
	[dreg:$0x8] =	wrdreg s30  }
0x12: {  	s8 =	smax.u32 s8, $0x1;
	s0 =	sadd.s32 s6, s0;
	s6 =	simm.s32 $0x4F  }
0x13: {  	[dreg:$0xa] =	wrdreg s8;
	s6 =	simm.s32 @!p0 $0x4E;
	s0 =	sadd.s32 $0x23400, s0  }
0x14: {  	s23 =	simm.s32 $0x3;
	s25 =	sadd.s32 $0xFFFFFFFE, s6;
	[dreg:$0x9] =	wrdreg s0  }
0x15: {  	s24 =	simm.s32 $0x2;
	s13 =	sadd.s32 $0xFFFFFFFD, s6;
	[dreg:$0x4] =	wrdreg s25  }
0x16: {  	[dreg:$0x5] =	wrdreg s13;
	s13 =	sadd.s32 s5, s1;
	s25 =	simm.s32 $0xDC00  }
.LBB2_1:
0x17: {  	s0 =	rddreg [dreg:$0x6]  }
0x18: {  	[spmem:s14], [sflag:s7] =	dma.local [hbm:s0], $0x1680  }
0x19: {  	_ =	swait.ge [sflag:s15], $0x1680  }
0x1a: {  	[sflag:s15] =	ssyncset.done $0x0  }
0x1b: {  	[sflag:s15] =	ssyncadd.s32 $0xFFFFE980  }
0x1c: {  	[bflag:$0x0] =	sbarrier.arrive $0xFFFF  }
0x1d: {  	s5 =	rddreg [dreg:$0x7]  }
0x1e: {  	[tilespmem:s16], [sflag:$0x1] =	stream.linear.gather [hbm4b:s5+s3], $0x80, $0x38;
	[tilespmem:$0x10000] =	vst v63  }
0x1f: {  	s9 =	sadd.s32 $0x0, s12;
	s8 =	rddreg [dreg:$0x8]  }
0x20: {  	[tilespmem:s17], [sflag:$0x1] =	stream.linear.gather [hbm4b:s8+s3], $0x80, $0x38;
	[tilespmem:$0x10000] =	vst v63  }
0x21: {  	s1 =	sadd.s32 $0x0, s13;
	s0 =	sadd.s32 $0x200, s9  }
0x22: {  	[tilespmem:s18], [sflag:$0x2] =	stream.linear.gather [hbm4b:s0+s3], $0x80, $0x38;
	[tilespmem:$0x10000] =	vst v63  }
0x23: {  	s10 =	sadd.s32 $0x200, s1  }
0x24: {  	[tilespmem:s19], [sflag:$0x2] =	stream.linear.gather [hbm4b:s10+s3], $0x80, $0x38;
	[tilespmem:$0x10000] =	vst v63  }
0x25: {  	_ =	swait.ge [sflag:s20], $0x80  }
0x26: {  	[sflag:s20] =	ssyncset.done $0x0  }
0x27: {  	[sflag:s20] =	ssyncadd.s32 $0xFFFFFF80  }
0x28: {  	_ =	swait.ge [sflag:s20], $0x80  }
0x29: {  	p0 =	por $0x1, $0x1;
	[sflag:s20] =	ssyncset.done $0x0  }
0x2a: {  	s0 =	simm.s32 @!p0 $0x4;
	[sflag:s20] =	ssyncadd.s32 $0xFFFFFF80  }
0x2b: {  	_ =	swait.ge @!p0 [sflag:s0], $0x2400  }
0x2c: {  	[sflag:s0] =	ssyncset.done @!p0 $0x0  }
0x2d: {  	[sflag:s0] =	ssyncadd.s32 @!p0 $0xFFFFDC00  }
0x2e: {  	[tilespmem:s22], [sflag:$0x3] =	stream.indirect.gather [hbm4b:s4+s21], $0x48, s16, s21, $0xb8;
	[tilespmem:$0x10000] =	vst v63  }
0x2f: {  	_ =	swait.ge [sflag:s23], $0x2400  }
0x30: {  	p1 =	sle.u32 s6, $0x2;
	[sflag:s23] =	ssyncset.done $0x0  }
0x31: {  	s1 =	sadd.s32 @!p1 $0x0, s13;
	s0 =	sadd.s32 @!p1 $0x0, s12;
	[sflag:s23] =	ssyncadd.s32 $0xFFFFDC00  }
0x32: {  	[spmem:s2] =	stream.indirect.scatter.add.f32 [tilespmem:s22], [sflag:$0x4], $0x48, s17, s21, $0xb8;
	[tilespmem:$0x10000] =	vst v63  }
0x33: {  	s5 =	simm.s32 @!p1 $0x0;
	s8 =	simm.s32 @!p1 $0xB500;
	s0 =	sadd.s32 @!p1 $0x400, s0  }
0x34: {  	[tilespmem:s8], [sflag:$0x1] =	stream.linear.gather @!p1 [hbm4b:s0+s5], $0x80, $0x38;
	[tilespmem:$0x10000] =	vst v63  }
0x35: {  	s0 =	sadd.s32 @!p1 $0x400, s1;
	s1 =	simm.s32 @!p1 $0xB700  }
0x36: {  	[tilespmem:s1], [sflag:$0x1] =	stream.linear.gather @!p1 [hbm4b:s0+s5], $0x80, $0x38;
	[tilespmem:$0x10000] =	vst v63  }
0x37: {  	_ =	swait.ge [sflag:s24], $0x80  }
0x38: {  	[sflag:s24] =	ssyncset.done $0x0  }
0x39: {  	[sflag:s24] =	ssyncadd.s32 $0xFFFFFF80  }
0x3a: {  	_ =	swait.ge [sflag:s24], $0x80  }
0x3b: {  	[sflag:s24] =	ssyncset.done $0x0  }
0x3c: {  	s0 =	simm.s32 @!p0 $0x5;
	[sflag:s24] =	ssyncadd.s32 $0xFFFFFF80  }
0x3d: {  	_ =	swait.ge @!p0 [sflag:s0], $0x2400  }
0x3e: {  	[sflag:s0] =	ssyncset.done @!p0 $0x0  }
0x3f: {  	[sflag:s0] =	ssyncadd.s32 @!p0 $0xFFFFDC00  }
0x40: {  	[tilespmem:s25], [sflag:$0x3] =	stream.indirect.gather [hbm4b:s4+s21], $0x48, s18, s21, $0xb8;
	[tilespmem:$0x10000] =	vst v63  }
0x41: {  	_ =	swait.ge [sflag:s23], $0x2400  }
0x42: {  	s11 =	rddreg [dreg:$0x4]  }
0x43: {  	[sflag:s23] =	ssyncset.done $0x0;
	p0 =	sle.u32 s11, $0x0  }
0x44: {  	[sflag:s23] =	ssyncadd.s32 $0xFFFFDC00;
	p1 =	sle.u32 @!p0 s6, $0x3  }
0x45: {  	[spmem:s2] =	stream.indirect.scatter.add.f32 [tilespmem:s25], [sflag:$0x5], $0x48, s19, s21, $0xb8;
	[tilespmem:$0x10000] =	vst v63  }
0x46: {  	p1 =	por p1, p0  }
0x47: {  	s0 =	sadd.s32 @!p1 $0x0, s12;
	s1 =	sadd.s32 @!p1 $0x0, s13  }
0x48: {  	s5 =	simm.s32 @!p1 $0x0;
	s8 =	simm.s32 @!p1 $0xB580;
	s0 =	sadd.s32 @!p1 $0x600, s0  }
0x49: {  	[tilespmem:s8], [sflag:$0x2] =	stream.linear.gather @!p1 [hbm4b:s0+s5], $0x80, $0x38;
	[tilespmem:$0x10000] =	vst v63  }
0x4a: {  	s0 =	sadd.s32 @!p1 $0x600, s1;
	s1 =	simm.s32 @!p1 $0xB780;
	s8 =	simm.s32 @!p0 $0x1  }
0x4b: {  	[tilespmem:s1], [sflag:$0x2] =	stream.linear.gather @!p1 [hbm4b:s0+s5], $0x80, $0x38;
	[tilespmem:$0x10000] =	vst v63  }
0x4c: {  	_ =	swait.ge @!p0 [sflag:s8], $0x80  }
0x4d: {  	[sflag:s8] =	ssyncset.done @!p0 $0x0  }
0x4e: {  	[sflag:s8] =	ssyncadd.s32 @!p0 $0xFFFFFF80  }
0x4f: {  	_ =	swait.ge @!p0 [sflag:s8], $0x80  }
0x50: {  	[sflag:s8] =	ssyncset.done @!p0 $0x0  }
0x51: {  	s0 =	simm.s32 @!p0 $0x4;
	[sflag:s8] =	ssyncadd.s32 @!p0 $0xFFFFFF80  }
0x52: {  	_ =	swait.ge @!p0 [sflag:s0], $0x2400  }
0x53: {  	s1 =	simm.s32 @!p0 $0xB800;
	s5 =	simm.s32 @!p0 $0x3;
	[sflag:s0] =	ssyncset.done @!p0 $0x0  }
0x54: {  	s8 =	simm.s32 @!p0 $0xB500;
	[sflag:s0] =	ssyncadd.s32 @!p0 $0xFFFFDC00;
	s0 =	simm.s32 @!p0 $0x80  }
0x55: {  	[tilespmem:s1], [sflag:$0x3] =	stream.indirect.gather @!p0 [hbm4b:s4+s0], $0x48, s8, s0, $0xb8;
	[tilespmem:$0x10000] =	vst v63  }
0x56: {  	s31 =	simm.s32 $0x800;
	_ =	swait.ge @!p0 [sflag:s5], $0x2400  }
0x57: {  	s30 =	simm.s32 $0x8;
	[sflag:s5] =	ssyncset.done @!p0 $0x0;
	s26 =	rddreg [dreg:$0x5]  }
0x58: {  	[sflag:s5] =	ssyncadd.s32 @!p0 $0xFFFFDC00;
	s5 =	simm.s32 @!p0 $0xB700;
	p1 =	sle.u32 s26, $0x0  }
0x59: {  	[spmem:s2] =	stream.indirect.scatter.add.f32 @!p0 [tilespmem:s1], [sflag:$0x4], $0x48, s5, s0, $0xb8;
	[tilespmem:$0x10000] =	vst v63  }
0x5a: {  	s0 =	simm.s32 $0x1000;
	s5 =	simm.s32 $0x4;
	s1 =	simm.s32 $0x0  }
.LBB2_2:
0x5b: {  	p2 =	sge.u32 @!p1 s5, s6  }
0x5c: {  	p2 =	por p2, p1  }
0x5d: {  	s9 =	sadd.s32 @!p2 s1, s12;
	s10 =	sadd.s32 @!p2 s1, s13;
	s1 =	smov.u32 s31  }
0x5e: {  	s31 =	simm.s32 @!p2 $0x0;
	s11 =	simm.s32 @!p2 $0xB400;
	s9 =	sadd.s32 @!p2 $0x800, s9  }
0x5f: {  	[tilespmem:s11], [sflag:$0x1] =	stream.linear.gather @!p2 [hbm4b:s9+s31], $0x80, $0x38;
	[tilespmem:$0x10000] =	vst v63  }
0x60: {  	s9 =	sadd.s32 @!p2 $0x800, s10;
	s10 =	simm.s32 @!p2 $0xB600;
	s11 =	simm.s32 @!p1 $0x2  }
0x61: {  	[tilespmem:s10], [sflag:$0x1] =	stream.linear.gather @!p2 [hbm4b:s9+s31], $0x80, $0x38;
	[tilespmem:$0x10000] =	vst v63  }
0x62: {  	_ =	swait.ge @!p1 [sflag:s11], $0x80  }
0x63: {  	[sflag:s11] =	ssyncset.done @!p1 $0x0  }
0x64: {  	[sflag:s11] =	ssyncadd.s32 @!p1 $0xFFFFFF80  }
0x65: {  	_ =	swait.ge @!p1 [sflag:s11], $0x80  }
0x66: {  	s8 =	smov.u32 s0;
	[sflag:s11] =	ssyncset.done @!p1 $0x0  }
0x67: {  	s31 =	smov.u32 s8;
	s8 =	simm.s32 @!p1 $0x5;
	[sflag:s11] =	ssyncadd.s32 @!p1 $0xFFFFFF80  }
0x68: {  	_ =	swait.ge @!p1 [sflag:s8], $0x2400  }
0x69: {  	s9 =	simm.s32 @!p1 $0xDC00;
	s10 =	simm.s32 @!p1 $0x3;
	[sflag:s8] =	ssyncset.done @!p1 $0x0  }
0x6a: {  	s11 =	simm.s32 @!p1 $0xB580;
	[sflag:s8] =	ssyncadd.s32 @!p1 $0xFFFFDC00;
	s8 =	simm.s32 @!p1 $0x80  }
0x6b: {  	[tilespmem:s9], [sflag:$0x3] =	stream.indirect.gather @!p1 [hbm4b:s4+s8], $0x48, s11, s8, $0xb8;
	[tilespmem:$0x10000] =	vst v63  }
0x6c: {  	_ =	swait.ge @!p1 [sflag:s10], $0x2400  }
0x6d: {  	[sflag:s10] =	ssyncset.done @!p1 $0x0  }
0x6e: {  	s26 =	sadd.s32 s1, s12;
	[sflag:s10] =	ssyncadd.s32 @!p1 $0xFFFFDC00;
	s10 =	simm.s32 @!p1 $0xB780  }
0x6f: {  	[spmem:s2] =	stream.indirect.scatter.add.f32 @!p1 [tilespmem:s9], [sflag:$0x5], $0x48, s10, s8, $0xb8;
	[tilespmem:$0x10000] =	vst v63  }
0x70: {  	s11 =	sadd.s32 $0x200, s26;
	s26 =	sadd.s32 s1, s13  }
0x71: {  	[tilespmem:s18], [sflag:$0x2] =	stream.linear.gather [hbm4b:s11+s3], $0x80, $0x38;
	[tilespmem:$0x10000] =	vst v63  }
0x72: {  	s10 =	sadd.s32 $0x200, s26  }
0x73: {  	[tilespmem:s19], [sflag:$0x2] =	stream.linear.gather [hbm4b:s10+s3], $0x80, $0x38;
	[tilespmem:$0x10000] =	vst v63  }
0x74: {  	_ =	swait.ge [sflag:s20], $0x80  }
0x75: {  	[sflag:s20] =	ssyncset.done $0x0  }
0x76: {  	[sflag:s20] =	ssyncadd.s32 $0xFFFFFF80  }
0x77: {  	_ =	swait.ge [sflag:s20], $0x80  }
0x78: {  	p1 =	seq.s32 s1, $0x0;
	[sflag:s20] =	ssyncset.done $0x0  }
0x79: {  	s8 =	simm.s32 @!p1 $0x4;
	[sflag:s20] =	ssyncadd.s32 $0xFFFFFF80  }
0x7a: {  	_ =	swait.ge @!p1 [sflag:s8], $0x2400  }
0x7b: {  	[sflag:s8] =	ssyncset.done @!p1 $0x0  }
0x7c: {  	[sflag:s8] =	ssyncadd.s32 @!p1 $0xFFFFDC00  }
0x7d: {  	[tilespmem:s22], [sflag:$0x3] =	stream.indirect.gather [hbm4b:s4+s21], $0x48, s16, s21, $0xb8;
	[tilespmem:$0x10000] =	vst v63  }
0x7e: {  	s11 =	sadd.s32 $0xFFFFFFFE, s30;
	_ =	swait.ge [sflag:s23], $0x2400  }
0x7f: {  	p2 =	sge.u32 s11, s6;
	[sflag:s23] =	ssyncset.done $0x0  }
0x80: {  	s9 =	sadd.s32 @!p2 s1, s13;
	s8 =	sadd.s32 @!p2 s1, s12;
	[sflag:s23] =	ssyncadd.s32 $0xFFFFDC00  }
0x81: {  	[spmem:s2] =	stream.indirect.scatter.add.f32 [tilespmem:s22], [sflag:$0x4], $0x48, s17, s21, $0xb8;
	[tilespmem:$0x10000] =	vst v63  }
0x82: {  	s10 =	simm.s32 @!p2 $0x0;
	s11 =	simm.s32 @!p2 $0xB500;
	s8 =	sadd.s32 @!p2 $0x400, s8  }
0x83: {  	[tilespmem:s11], [sflag:$0x1] =	stream.linear.gather @!p2 [hbm4b:s8+s10], $0x80, $0x38;
	[tilespmem:$0x10000] =	vst v63  }
0x84: {  	s8 =	sadd.s32 @!p2 $0x400, s9;
	s9 =	simm.s32 @!p2 $0xB700  }
0x85: {  	[tilespmem:s9], [sflag:$0x1] =	stream.linear.gather @!p2 [hbm4b:s8+s10], $0x80, $0x38;
	[tilespmem:$0x10000] =	vst v63  }
0x86: {  	_ =	swait.ge [sflag:s24], $0x80  }
0x87: {  	[sflag:s24] =	ssyncset.done $0x0  }
0x88: {  	[sflag:s24] =	ssyncadd.s32 $0xFFFFFF80  }
0x89: {  	_ =	swait.ge [sflag:s24], $0x80  }
0x8a: {  	[sflag:s24] =	ssyncset.done $0x0  }
0x8b: {  	s8 =	simm.s32 @!p1 $0x5;
	[sflag:s24] =	ssyncadd.s32 $0xFFFFFF80  }
0x8c: {  	_ =	swait.ge @!p1 [sflag:s8], $0x2400  }
0x8d: {  	[sflag:s8] =	ssyncset.done @!p1 $0x0  }
0x8e: {  	[sflag:s8] =	ssyncadd.s32 @!p1 $0xFFFFDC00  }
0x8f: {  	[tilespmem:s25], [sflag:$0x3] =	stream.indirect.gather [hbm4b:s4+s21], $0x48, s18, s21, $0xb8;
	[tilespmem:$0x10000] =	vst v63  }
0x90: {  	_ =	swait.ge [sflag:s23], $0x2400  }
0x91: {  	s8 =	sadd.s32 $0xFFFFFFFC, s30;
	s26 =	rddreg [dreg:$0x4]  }
0x92: {  	[sflag:s23] =	ssyncset.done $0x0;
	p1 =	sge.u32 s8, s26  }
0x93: {  	[sflag:s23] =	ssyncadd.s32 $0xFFFFDC00;
	s9 =	sadd.s32 @!p1 $0xFFFFFFFF, s30  }
0x94: {  	[spmem:s2] =	stream.indirect.scatter.add.f32 [tilespmem:s25], [sflag:$0x5], $0x48, s19, s21, $0xb8;
	[tilespmem:$0x10000] =	vst v63  }
0x95: {  	p2 =	sge.u32 @!p1 s9, s6  }
0x96: {  	p2 =	por p2, p1  }
0x97: {  	s9 =	sadd.s32 @!p2 s1, s12;
	s10 =	sadd.s32 @!p2 s1, s13  }
0x98: {  	s11 =	simm.s32 @!p2 $0x0;
	s26 =	simm.s32 @!p2 $0xB580;
	s9 =	sadd.s32 @!p2 $0x600, s9  }
0x99: {  	[tilespmem:s26], [sflag:$0x2] =	stream.linear.gather @!p2 [hbm4b:s9+s11], $0x80, $0x38;
	[tilespmem:$0x10000] =	vst v63  }
0x9a: {  	s9 =	sadd.s32 @!p2 $0x600, s10;
	s10 =	simm.s32 @!p2 $0xB780;
	s26 =	simm.s32 @!p1 $0x1  }
0x9b: {  	[tilespmem:s10], [sflag:$0x2] =	stream.linear.gather @!p2 [hbm4b:s9+s11], $0x80, $0x38;
	[tilespmem:$0x10000] =	vst v63  }
0x9c: {  	_ =	swait.ge @!p1 [sflag:s26], $0x80  }
0x9d: {  	[sflag:s26] =	ssyncset.done @!p1 $0x0  }
0x9e: {  	[sflag:s26] =	ssyncadd.s32 @!p1 $0xFFFFFF80  }
0x9f: {  	_ =	swait.ge @!p1 [sflag:s26], $0x80  }
0xa0: {  	[sflag:s26] =	ssyncset.done @!p1 $0x0  }
0xa1: {  	s0 =	sadd.s32 $0x800, s0;
	s9 =	simm.s32 @!p1 $0x4;
	[sflag:s26] =	ssyncadd.s32 @!p1 $0xFFFFFF80  }
0xa2: {  	p0 =	sne.s32 s0, $0xA000;
	_ =	swait.ge @!p1 [sflag:s9], $0x2400  }
0xa3: {  	s10 =	simm.s32 @!p1 $0xB800;
	s11 =	simm.s32 @!p1 $0x3;
	[sflag:s9] =	ssyncset.done @!p1 $0x0  }
0xa4: {  	s26 =	simm.s32 @!p1 $0xB500;
	[sflag:s9] =	ssyncadd.s32 @!p1 $0xFFFFDC00;
	s9 =	simm.s32 @!p1 $0x80  }
0xa5: {  	[tilespmem:s10], [sflag:$0x3] =	stream.indirect.gather @!p1 [hbm4b:s4+s9], $0x48, s26, s9, $0xb8;
	[tilespmem:$0x10000] =	vst v63  }
.Ltmp0:
0xa6: {  	_ =	swait.ge @!p1 [sflag:s11], $0x2400;
	(pc) =	sbr.rel @p0 .LBB2_2-.Ltmp0, $4  }
0xa7: {  	[sflag:s11] =	ssyncset.done @!p1 $0x0  }
0xa8: {  	s26 =	rddreg [dreg:$0x5];
	[sflag:s11] =	ssyncadd.s32 @!p1 $0xFFFFDC00;
	s11 =	simm.s32 @!p1 $0xB700  }
0xa9: {  	[spmem:s2] =	stream.indirect.scatter.add.f32 @!p1 [tilespmem:s10], [sflag:$0x4], $0x48, s11, s9, $0xb8;
	[tilespmem:$0x10000] =	vst v63  }
0xaa: {  	s5 =	smov.u32 s30;
	s30 =	sadd.s32 $0x4, s30;
	p1 =	sge.u32 s8, s26  }
0xab: {  	p0 =	sge.u32 @!p1 s5, s6  }
0xac: {  	p0 =	por p0, p1  }
0xad: {  	s0 =	sadd.s32 @!p0 s1, s12;
	s1 =	sadd.s32 @!p0 s1, s13  }
0xae: {  	s5 =	simm.s32 @!p0 $0x0;
	s8 =	simm.s32 @!p0 $0xB400;
	s0 =	sadd.s32 @!p0 $0x800, s0  }
0xaf: {  	[tilespmem:s8], [sflag:$0x1] =	stream.linear.gather @!p0 [hbm4b:s0+s5], $0x80, $0x38;
	[tilespmem:$0x10000] =	vst v63  }
0xb0: {  	s0 =	sadd.s32 @!p0 $0x800, s1;
	s1 =	simm.s32 @!p0 $0xB600;
	s8 =	simm.s32 @!p1 $0x2  }
0xb1: {  	[tilespmem:s1], [sflag:$0x1] =	stream.linear.gather @!p0 [hbm4b:s0+s5], $0x80, $0x38;
	[tilespmem:$0x10000] =	vst v63  }
0xb2: {  	_ =	swait.ge @!p1 [sflag:s8], $0x80  }
0xb3: {  	[sflag:s8] =	ssyncset.done @!p1 $0x0  }
0xb4: {  	[sflag:s8] =	ssyncadd.s32 @!p1 $0xFFFFFF80  }
0xb5: {  	_ =	swait.ge @!p1 [sflag:s8], $0x80  }
0xb6: {  	[sflag:s8] =	ssyncset.done @!p1 $0x0  }
0xb7: {  	s0 =	simm.s32 @!p1 $0x5;
	[sflag:s8] =	ssyncadd.s32 @!p1 $0xFFFFFF80  }
0xb8: {  	_ =	swait.ge @!p1 [sflag:s0], $0x2400  }
0xb9: {  	s1 =	simm.s32 @!p1 $0xDC00;
	s5 =	simm.s32 @!p1 $0x3;
	[sflag:s0] =	ssyncset.done @!p1 $0x0  }
0xba: {  	s8 =	simm.s32 @!p1 $0xB580;
	[sflag:s0] =	ssyncadd.s32 @!p1 $0xFFFFDC00;
	s0 =	simm.s32 @!p1 $0x80  }
0xbb: {  	[tilespmem:s1], [sflag:$0x3] =	stream.indirect.gather @!p1 [hbm4b:s4+s0], $0x48, s8, s0, $0xb8;
	[tilespmem:$0x10000] =	vst v63  }
0xbc: {  	_ =	swait.ge @!p1 [sflag:s5], $0x2400  }
0xbd: {  	[sflag:s5] =	ssyncset.done @!p1 $0x0  }
0xbe: {  	s10 =	sadd.s32 s31, s12;
	[sflag:s5] =	ssyncadd.s32 @!p1 $0xFFFFDC00;
	s5 =	simm.s32 @!p1 $0xB780  }
0xbf: {  	[spmem:s2] =	stream.indirect.scatter.add.f32 @!p1 [tilespmem:s1], [sflag:$0x5], $0x48, s5, s0, $0xb8;
	[tilespmem:$0x10000] =	vst v63  }
0xc0: {  	s26 =	sadd.s32 s31, s13;
	s11 =	sadd.s32 $0x200, s10  }
0xc1: {  	[tilespmem:s18], [sflag:$0x2] =	stream.linear.gather [hbm4b:s11+s3], $0x80, $0x38;
	[tilespmem:$0x10000] =	vst v63  }
0xc2: {  	s5 =	sadd.s32 $0x200, s26  }
0xc3: {  	[tilespmem:s19], [sflag:$0x2] =	stream.linear.gather [hbm4b:s5+s3], $0x80, $0x38;
	[tilespmem:$0x10000] =	vst v63  }
0xc4: {  	_ =	swait.ge [sflag:s20], $0x80  }
0xc5: {  	[sflag:s20] =	ssyncset.done $0x0  }
0xc6: {  	[sflag:s20] =	ssyncadd.s32 $0xFFFFFF80  }
0xc7: {  	_ =	swait.ge [sflag:s20], $0x80  }
0xc8: {  	p0 =	seq.s32 s31, $0x0;
	[sflag:s20] =	ssyncset.done $0x0  }
0xc9: {  	s0 =	simm.s32 @!p0 $0x4;
	[sflag:s20] =	ssyncadd.s32 $0xFFFFFF80  }
0xca: {  	_ =	swait.ge @!p0 [sflag:s0], $0x2400  }
0xcb: {  	[sflag:s0] =	ssyncset.done @!p0 $0x0  }
0xcc: {  	[sflag:s0] =	ssyncadd.s32 @!p0 $0xFFFFDC00  }
0xcd: {  	[tilespmem:s22], [sflag:$0x3] =	stream.indirect.gather [hbm4b:s4+s21], $0x48, s16, s21, $0xb8;
	[tilespmem:$0x10000] =	vst v63  }
0xce: {  	s8 =	sadd.s32 $0xFFFFFFFE, s30;
	_ =	swait.ge [sflag:s23], $0x2400  }
0xcf: {  	p1 =	sge.u32 s8, s6;
	[sflag:s23] =	ssyncset.done $0x0  }
0xd0: {  	s1 =	sadd.s32 @!p1 s31, s13;
	s0 =	sadd.s32 @!p1 s31, s12;
	[sflag:s23] =	ssyncadd.s32 $0xFFFFDC00  }
0xd1: {  	[spmem:s2] =	stream.indirect.scatter.add.f32 [tilespmem:s22], [sflag:$0x4], $0x48, s17, s21, $0xb8;
	[tilespmem:$0x10000] =	vst v63  }
0xd2: {  	s8 =	simm.s32 @!p1 $0xB500;
	s5 =	simm.s32 @!p1 $0x0;
	s0 =	sadd.s32 @!p1 $0x400, s0  }
0xd3: {  	[tilespmem:s8], [sflag:$0x1] =	stream.linear.gather @!p1 [hbm4b:s0+s5], $0x80, $0x38;
	[tilespmem:$0x10000] =	vst v63  }
0xd4: {  	s0 =	sadd.s32 @!p1 $0x400, s1;
	s1 =	simm.s32 @!p1 $0xB700  }
0xd5: {  	[tilespmem:s1], [sflag:$0x1] =	stream.linear.gather @!p1 [hbm4b:s0+s5], $0x80, $0x38;
	[tilespmem:$0x10000] =	vst v63  }
0xd6: {  	_ =	swait.ge [sflag:s24], $0x80  }
0xd7: {  	[sflag:s24] =	ssyncset.done $0x0  }
0xd8: {  	[sflag:s24] =	ssyncadd.s32 $0xFFFFFF80  }
0xd9: {  	_ =	swait.ge [sflag:s24], $0x80  }
0xda: {  	[sflag:s24] =	ssyncset.done $0x0  }
0xdb: {  	s0 =	simm.s32 @!p0 $0x5;
	[sflag:s24] =	ssyncadd.s32 $0xFFFFFF80  }
0xdc: {  	_ =	swait.ge @!p0 [sflag:s0], $0x2400  }
0xdd: {  	[sflag:s0] =	ssyncset.done @!p0 $0x0  }
0xde: {  	[sflag:s0] =	ssyncadd.s32 @!p0 $0xFFFFDC00  }
0xdf: {  	[tilespmem:s25], [sflag:$0x3] =	stream.indirect.gather [hbm4b:s4+s21], $0x48, s18, s21, $0xb8;
	[tilespmem:$0x10000] =	vst v63  }
0xe0: {  	_ =	swait.ge [sflag:s23], $0x2400  }
0xe1: {  	s10 =	sadd.s32 $0xFFFFFFFC, s30;
	s9 =	rddreg [dreg:$0x4]  }
0xe2: {  	[sflag:s23] =	ssyncset.done $0x0;
	p0 =	sge.u32 s10, s9  }
0xe3: {  	[sflag:s23] =	ssyncadd.s32 $0xFFFFDC00;
	s0 =	sadd.s32 @!p0 $0xFFFFFFFF, s30  }
0xe4: {  	[spmem:s2] =	stream.indirect.scatter.add.f32 [tilespmem:s25], [sflag:$0x5], $0x48, s19, s21, $0xb8;
	[tilespmem:$0x10000] =	vst v63  }
0xe5: {  	p1 =	sge.u32 @!p0 s0, s6  }
0xe6: {  	p1 =	por p1, p0  }
0xe7: {  	s0 =	sadd.s32 @!p1 s31, s12;
	s5 =	sadd.s32 @!p1 s31, s13  }
0xe8: {  	s8 =	simm.s32 @!p1 $0x0;
	s9 =	simm.s32 @!p1 $0xB580;
	s0 =	sadd.s32 @!p1 $0x600, s0  }
0xe9: {  	[tilespmem:s9], [sflag:$0x2] =	stream.linear.gather @!p1 [hbm4b:s0+s8], $0x80, $0x38;
	[tilespmem:$0x10000] =	vst v63  }
0xea: {  	s0 =	sadd.s32 @!p1 $0x600, s5;
	s5 =	simm.s32 @!p1 $0xB780;
	s9 =	simm.s32 @!p0 $0x1  }
0xeb: {  	[tilespmem:s5], [sflag:$0x2] =	stream.linear.gather @!p1 [hbm4b:s0+s8], $0x80, $0x38;
	[tilespmem:$0x10000] =	vst v63  }
0xec: {  	_ =	swait.ge @!p0 [sflag:s9], $0x80  }
0xed: {  	[sflag:s9] =	ssyncset.done @!p0 $0x0  }
0xee: {  	[sflag:s9] =	ssyncadd.s32 @!p0 $0xFFFFFF80  }
0xef: {  	_ =	swait.ge @!p0 [sflag:s9], $0x80  }
0xf0: {  	[sflag:s9] =	ssyncset.done @!p0 $0x0  }
0xf1: {  	s0 =	simm.s32 @!p0 $0x4;
	[sflag:s9] =	ssyncadd.s32 @!p0 $0xFFFFFF80  }
0xf2: {  	_ =	swait.ge @!p0 [sflag:s0], $0x2400  }
0xf3: {  	s5 =	simm.s32 @!p0 $0xB800;
	s8 =	simm.s32 @!p0 $0x3;
	[sflag:s0] =	ssyncset.done @!p0 $0x0  }
0xf4: {  	s9 =	simm.s32 @!p0 $0xB500;
	[sflag:s0] =	ssyncadd.s32 @!p0 $0xFFFFDC00;
	s0 =	simm.s32 @!p0 $0x80  }
0xf5: {  	[tilespmem:s5], [sflag:$0x3] =	stream.indirect.gather @!p0 [hbm4b:s4+s0], $0x48, s9, s0, $0xb8;
	[tilespmem:$0x10000] =	vst v63  }
0xf6: {  	_ =	swait.ge @!p0 [sflag:s8], $0x2400  }
0xf7: {  	[sflag:s8] =	ssyncset.done @!p0 $0x0  }
0xf8: {  	s11 =	rddreg [dreg:$0x5];
	[sflag:s8] =	ssyncadd.s32 @!p0 $0xFFFFDC00;
	s8 =	simm.s32 @!p0 $0xB700  }
0xf9: {  	[spmem:s2] =	stream.indirect.scatter.add.f32 @!p0 [tilespmem:s5], [sflag:$0x4], $0x48, s8, s0, $0xb8;
	[tilespmem:$0x10000] =	vst v63  }
0xfa: {  	p0 =	sge.u32 s10, s11  }
0xfb: {  	p1 =	sge.u32 @!p0 s30, s6  }
0xfc: {  	p1 =	por p1, p0  }
0xfd: {  	s0 =	sadd.s32 @!p1 s31, s12  }
0xfe: {  	s1 =	simm.s32 @!p1 $0x0;
	s5 =	simm.s32 @!p1 $0xB400;
	s0 =	sadd.s32 @!p1 $0x800, s0  }
0xff: {  	[tilespmem:s5], [sflag:$0x1] =	stream.linear.gather @!p1 [hbm4b:s0+s1], $0x80, $0x38;
	[tilespmem:$0x10000] =	vst v63  }
0x100: {  	s0 =	sadd.s32 @!p1 s31, s13  }
0x101: {  	s5 =	simm.s32 @!p1 $0xB600;
	s0 =	sadd.s32 @!p1 $0x800, s0  }
0x102: {  	[tilespmem:s5], [sflag:$0x1] =	stream.linear.gather @!p1 [hbm4b:s0+s1], $0x80, $0x38;
	[tilespmem:$0x10000] =	vst v63  }
0x103: {  	s0 =	simm.s32 @!p0 $0x2  }
0x104: {  	_ =	swait.ge @!p0 [sflag:s0], $0x80  }
0x105: {  	[sflag:s0] =	ssyncset.done @!p0 $0x0  }
0x106: {  	[sflag:s0] =	ssyncadd.s32 @!p0 $0xFFFFFF80  }
0x107: {  	_ =	swait.ge @!p0 [sflag:s0], $0x80  }
0x108: {  	[sflag:s0] =	ssyncset.done @!p0 $0x0  }
0x109: {  	[sflag:s0] =	ssyncadd.s32 @!p0 $0xFFFFFF80;
	s0 =	simm.s32 @!p0 $0x5  }
0x10a: {  	_ =	swait.ge @!p0 [sflag:s0], $0x2400  }
0x10b: {  	s1 =	simm.s32 @!p0 $0xDC00;
	[sflag:s0] =	ssyncset.done @!p0 $0x0  }
0x10c: {  	s5 =	simm.s32 @!p0 $0xB580;
	[sflag:s0] =	ssyncadd.s32 @!p0 $0xFFFFDC00;
	s0 =	simm.s32 @!p0 $0x80  }
0x10d: {  	[tilespmem:s1], [sflag:$0x3] =	stream.indirect.gather @!p0 [hbm4b:s4+s0], $0x48, s5, s0, $0xb8;
	[tilespmem:$0x10000] =	vst v63  }
0x10e: {  	s5 =	simm.s32 @!p0 $0x3  }
0x10f: {  	_ =	swait.ge @!p0 [sflag:s5], $0x2400  }
0x110: {  	[sflag:s5] =	ssyncset.done @!p0 $0x0  }
0x111: {  	s26 =	simm.s32 $0x4;
	[sflag:s5] =	ssyncadd.s32 @!p0 $0xFFFFDC00;
	s5 =	simm.s32 @!p0 $0xB780  }
0x112: {  	[spmem:s2] =	stream.indirect.scatter.add.f32 @!p0 [tilespmem:s1], [sflag:$0x5], $0x48, s5, s0, $0xb8;
	[tilespmem:$0x10000] =	vst v63  }
0x113: {  	_ =	swait.ge [sflag:s26], $0x2400  }
0x114: {  	[sflag:s26] =	ssyncset.done $0x0  }
0x115: {  	[sflag:s26] =	ssyncadd.s32 $0xFFFFDC00  }
0x116: {  	_ =	swait.ge [sflag:s28], $0x2400  }
0x117: {  	[sflag:s28] =	ssyncset.done $0x0  }
0x118: {  	[sflag:s28] =	ssyncadd.s32 $0xFFFFDC00  }
0x119: {  	[bflag:$0x0] =	sbarrier.arrive $0xFFFF  }
0x11a: {  	s30 =	rddreg [dreg:$0x9]  }
0x11b: {  	[hbm:s30], [sflag:s7] =	dma.local [spmem:s14], $0x1680  }
0x11c: {  	_ =	swait.ge [sflag:s15], $0x1680  }
0x11d: {  	s29 =	sadd.s32 $0x1, s29;
	s31 =	rddreg [dreg:$0xa]  }
0x11e: {  	p0 =	sne.s32 s29, s31  }
.Ltmp1:
0x11f: {  	_ = 	snop;
	(pc) =	sbr.rel @p0 .LBB2_1-.Ltmp1, $3  }
0x120: {  	_ =	sdelay $0x1  }
0x121: {  	[sflag:s15] =	ssyncset.done $0x0  }
0x122: {  	[sflag:s15] =	ssyncadd.s32 $0xFFFFE980  }
0x123: {  	_ =	sfence.sel $0x180000  }
0x124: {  	[bflag:$0x0] =	sbarrier.arrive $0xFFFF  }
0x125: {  	_ =	strace $0x90000047  }
0x126: {  	s0 =	stileid.u32;
	[bflag:$0x2] =	sbarrier.arrive $0xFFFF  }
0x127: {  	p0 =	sne.s32 s0, $0x0;
	s0 =	rddreg [dreg:$0x3]  }
0x128: {  	s0 =	sadd.s32 @!p0 $0x100000, s0  }
0x129: {  	[sflag:s0] =	ssyncadd.tile.s32 @!p0 $0x1;
	_ =	shalt  }
.Lfunc_end2:
_tile_overlayer_lowered:
.L_overlay_start_2:
0x12a: {  	(tag) =	ssettag $0x2  }
0x12b: {  	s0 =	rddreg [dreg:$0x0];
	s2 =	stileid.u32  }
0x12c: {  	s1 =	rddreg [dreg:$0x1];
	p0 =	sne.s32 s2, $0x0  }
0x12d: {  	s3 =	rddreg [dreg:$0x2];
	[bflag:$0x3] =	sbarrier.arrive $0xFFFF;
	s2 =	simm.s32 @!p0 $0x1C06  }
0x12e: {  	[timem:s3], [sflag:s2] =	dma.local @!p0 [hbm:s0], s1  }
0x12f: {  	s0 =	simm.s32 @!p0 $0x6  }
0x130: {  	_ =	swait.ge @!p0 [sflag:s0], s1  }
0x131: {  	s1 =	ssub.s32 @!p0 $0x0, s1;
	[sflag:s0] =	ssyncset.done @!p0 $0x0  }
0x132: {  	[sflag:s0] =	ssyncadd.s32 @!p0 s1  }
0x133: {  	[bflag:$0x3] =	sbarrier.arrive $0xFFFF  }
0x134: {  	_ =	shalt  }

</sc_bundles>
